<compile_context>
chip_gen: v7x
topology: tpu7x:2x2x1
jax: 0.10.2.dev20260603
libtpu: 0.0.44.dev20260713+nightly
codegen_flags: <defaults>
</compile_context>

<pallas_src>
import functools

import jax
import jax.numpy as jnp
import numpy as np
from jax import lax
from jax.experimental import pallas as pl
from jax.experimental.pallas import tpu as pltpu
from jax.experimental.pallas import tpu_sc as plsc


def _cut_box(H, W, alpha=1.0, seed=0):
    rng = np.random.RandomState(seed)
    lam = rng.beta(alpha, alpha)
    cx = rng.uniform(0, W)
    cy = rng.uniform(0, H)
    w = W * np.sqrt(1.0 - lam)
    h = H * np.sqrt(1.0 - lam)
    x0 = int(np.clip(cx - w // 2, 0, W))
    y0 = int(np.clip(cy - h // 2, 0, H))
    x1 = int(np.clip(cx + w // 2, 0, W))
    y1 = int(np.clip(cy + h // 2, 0, H))
    return x0, y0, x1, y1


_Y0 = 103
_X1 = 87
_NS = 4


def _sc_body(B, C, H, W, TPW, img_ref, index_ref, labels_ref,
             out_ref, lab_out_ref, *scratch):
    bufIn = scratch[0:_NS]
    bufP = scratch[_NS:2 * _NS]
    indexv, labelsv, laboutv = scratch[2 * _NS:2 * _NS + 3]
    semIn = scratch[2 * _NS + 3:3 * _NS + 3]
    semP = scratch[3 * _NS + 3:4 * _NS + 3]
    semOut = scratch[4 * _NS + 3:5 * _NS + 3]

    nc = plsc.get_sparse_core_info().num_cores
    wid = lax.axis_index("s") * nc + lax.axis_index("c")
    planes_per_w = TPW // 4
    iota = lax.iota(jnp.int32, 16)

    pltpu.sync_copy(index_ref, indexv)

    def tinfo(t):
        kind = t % 4
        p = wid * planes_per_w + t // 4
        b = p // C
        c = p - b * C
        rowoff = jnp.where(kind < 2, 48 * kind, 64 * kind - 32)
        return kind, b, c, rowoff

    def perm_b(b):
        return jnp.max(plsc.load_gather(
            indexv, [jnp.full((16,), b, jnp.int32)]))

    def start_in(t, s):
        kind, b, c, rowoff = tinfo(t)

        @pl.when(kind < 2)
        def _a():
            pltpu.make_async_copy(img_ref.at[b, c, pl.ds(rowoff, 48), :],
                                  bufIn[s].at[pl.ds(0, 48), :],
                                  semIn[s]).start()

        @pl.when(kind >= 2)
        def _b():
            pltpu.make_async_copy(img_ref.at[b, c, pl.ds(rowoff, 64), :],
                                  bufIn[s], semIn[s]).start()
            sb = perm_b(b)
            pltpu.make_async_copy(
                img_ref.at[sb, c, pl.ds(rowoff, 64), pl.ds(0, 128)],
                bufP[s], semP[s]).start()

    def wait_in(t, s):
        kind, b, c, rowoff = tinfo(t)

        @pl.when(kind < 2)
        def _a():
            pltpu.make_async_copy(img_ref.at[b, c, pl.ds(rowoff, 48), :],
                                  bufIn[s].at[pl.ds(0, 48), :],
                                  semIn[s]).wait()

        @pl.when(kind >= 2)
        def _b():
            pltpu.make_async_copy(img_ref.at[b, c, pl.ds(rowoff, 64), :],
                                  bufIn[s], semIn[s]).wait()
            sb = perm_b(b)
            pltpu.make_async_copy(
                img_ref.at[sb, c, pl.ds(rowoff, 64), pl.ds(0, 128)],
                bufP[s], semP[s]).wait()

    def blend(t, s):
        kind, _, _, _ = tinfo(t)

        @pl.when(kind >= 2)
        def _b():
            j0 = jnp.where(kind == 2, _Y0 - 96, 0)

            def brow(j, carry):
                for k in range(_X1 // 16):
                    bufIn[s][j, pl.ds(k * 16, 16)] = (
                        bufP[s][j, pl.ds(k * 16, 16)])
                ktail = (_X1 // 16) * 16
                vp = bufP[s][j, pl.ds(ktail, 16)]
                vs = bufIn[s][j, pl.ds(ktail, 16)]
                bufIn[s][j, pl.ds(ktail, 16)] = jnp.where(
                    iota < _X1 - ktail, vp, vs)
                return carry
            lax.fori_loop(j0, 64, brow, 0)

    def make_out(t, s):
        kind, b, c, rowoff = tinfo(t)
        return kind, pltpu.make_async_copy(
            bufIn[s].at[pl.ds(0, 48), :],
            out_ref.at[b, c, pl.ds(rowoff, 48), :], semOut[s]), \
            pltpu.make_async_copy(
            bufIn[s], out_ref.at[b, c, pl.ds(rowoff, 64), :], semOut[s])

    def start_out(t, s):
        kind, cpa, cpb = make_out(t, s)
        pl.when(kind < 2)(lambda: cpa.start())
        pl.when(kind >= 2)(lambda: cpb.start())

    def wait_out(t, s):
        kind, cpa, cpb = make_out(t, s)
        pl.when(kind < 2)(lambda: cpa.wait())
        pl.when(kind >= 2)(lambda: cpb.wait())

    T = TPW
    start_in(0, 0)
    start_in(1, 1)

    def iter_g(g, carry):
        for s in range(_NS):
            t = g * _NS + s
            wait_in(t, s)
            blend(t, s)
            start_out(t, s)
            s2 = (s + 2) % _NS
            t2 = t + 2

            @pl.when(t2 < T)
            def _pf():
                @pl.when(t2 >= _NS)
                def _w():
                    wait_out(t2 - _NS, s2)
                start_in(t2, s2)
        return carry
    lax.fori_loop(0, T // _NS, iter_g, 0)

    for s in range(_NS):
        wait_out(T - _NS + s, (T - _NS + s) % _NS)

    @pl.when(wid == 0)
    def _labels():
        pltpu.sync_copy(labels_ref, labelsv)
        for k in range(B // 16):
            idxv = indexv[pl.ds(k * 16, 16)]
            laboutv[pl.ds(k * 16, 16)] = plsc.load_gather(labelsv, [idxv])
        pltpu.sync_copy(laboutv, lab_out_ref)


def kernel(images, labels, index):
    B, C, H, W = images.shape
    x0, y0, x1, y1 = _cut_box(H, W, alpha=1.0, seed=0)
    assert (x0, y0, x1, y1) == (0, _Y0, _X1, H)

    info = plsc.get_sparse_core_info()
    NW = info.num_cores * info.num_subcores
    TPW = (B * C // NW) * 4

    mesh = plsc.VectorSubcoreMesh(core_axis_name="c", subcore_axis_name="s")

    scratch = (
        [pltpu.VMEM((64, W), jnp.float32) for _ in range(_NS)] +
        [pltpu.VMEM((64, 128), jnp.float32) for _ in range(_NS)] +
        [pltpu.VMEM((B,), jnp.int32) for _ in range(3)] +
        [pltpu.SemaphoreType.DMA for _ in range(3 * _NS)]
    )

    sc = pl.kernel(
        functools.partial(_sc_body, B, C, H, W, TPW),
        out_type=[
            jax.ShapeDtypeStruct(images.shape, images.dtype),
            jax.ShapeDtypeStruct((B,), labels.dtype),
        ],
        mesh=mesh,
        scratch_types=scratch,
        compiler_params=pltpu.CompilerParams(
            needs_layout_passes=False, use_tc_tiling_on_sc=True,
            skip_device_barrier=True),
    )
    mixed, labels_b = sc(images, index, labels)

    lam = 1.0 - (x1 - x0) * (y1 - y0) / (W * H)
    return (mixed, labels, labels_b, jnp.float32(lam))

# --- scband reference (transcript-rebuilt; emitter-appended) ---
"""Pipeline reference for scband-cut-mix-73589969650205 (READ-ONLY COPY).

The authoritative reference and input builder live on the scoring server;
editing this copy changes nothing except your own understanding.
"""

import jax, jax.numpy as jnp
import numpy as np


def _cut_box(H, W, alpha=1.0, seed=0):
    rng = np.random.RandomState(seed)
    lam = rng.beta(alpha, alpha)
    cx = rng.uniform(0, W)
    cy = rng.uniform(0, H)
    w = W * np.sqrt(1.0 - lam)
    h = H * np.sqrt(1.0 - lam)
    x0 = int(np.clip(cx - w // 2, 0, W))
    y0 = int(np.clip(cy - h // 2, 0, H))
    x1 = int(np.clip(cx + w // 2, 0, W))
    y1 = int(np.clip(cy + h // 2, 0, H))
    return x0, y0, x1, y1


def setup_inputs(seed: int = 0) -> dict:
    key = jax.random.key(seed)
    k1, k2, k3 = jax.random.split(key, 3)
    images = jax.random.normal(k1, (256, 3, 224, 224), dtype=jnp.float32)
    labels = jax.random.randint(k2, (256,), 0, 1000, dtype=jnp.int32)
    index = jax.random.permutation(k3, 256).astype(jnp.int32)
    return {"images": images, "labels": labels, "index": index}


def reference(images, labels, index):
    B, C, H, W = images.shape
    x0, y0, x1, y1 = _cut_box(H, W, alpha=1.0, seed=0)
    # gather permuted patch then scatter-overwrite into the batch (CutMix)
    patch = images[index, :, y0:y1, x0:x1]
    mixed = images.at[:, :, y0:y1, x0:x1].set(patch)
    lam = 1.0 - (x1 - x0) * (y1 - y0) / (W * H)
    labels_a = labels
    labels_b = labels[index]
    return (mixed, labels_a, labels_b, jnp.float32(lam))

if __name__ == "__main__":
    import jax
    _d = setup_inputs()
    print(jax.jit(kernel)(*tuple(_d.values())))

</pallas_src>

<mosaic_0001>
#map = affine_map<(d0, d1) -> (0, 0, 0, 0)>
#map1 = affine_map<(d0, d1) -> (0)>
module attributes {stable_mosaic.version = 14 : i64} {
  func.func @_sc_body(%arg0: i32, %arg1: i32, %arg2: memref<256x3x224x224xf32, #tpu.memory_space<hbm>>, %arg3: memref<256xi32, #tpu.memory_space<hbm>>, %arg4: memref<256xi32, #tpu.memory_space<hbm>>, %arg5: memref<256x3x224x224xf32, #tpu.memory_space<hbm>>, %arg6: memref<256xi32, #tpu.memory_space<hbm>>, %arg7: memref<64x224xf32, #tpu.memory_space<vmem>>, %arg8: memref<64x224xf32, #tpu.memory_space<vmem>>, %arg9: memref<64x224xf32, #tpu.memory_space<vmem>>, %arg10: memref<64x224xf32, #tpu.memory_space<vmem>>, %arg11: memref<64x128xf32, #tpu.memory_space<vmem>>, %arg12: memref<64x128xf32, #tpu.memory_space<vmem>>, %arg13: memref<64x128xf32, #tpu.memory_space<vmem>>, %arg14: memref<64x128xf32, #tpu.memory_space<vmem>>, %arg15: memref<256xi32, #tpu.memory_space<vmem>>, %arg16: memref<256xi32, #tpu.memory_space<vmem>>, %arg17: memref<256xi32, #tpu.memory_space<vmem>>, %arg18: memref<!tpu.dma_semaphore, #tpu.memory_space<semaphore_mem>>, %arg19: memref<!tpu.dma_semaphore, #tpu.memory_space<semaphore_mem>>, %arg20: memref<!tpu.dma_semaphore, #tpu.memory_space<semaphore_mem>>, %arg21: memref<!tpu.dma_semaphore, #tpu.memory_space<semaphore_mem>>, %arg22: memref<!tpu.dma_semaphore, #tpu.memory_space<semaphore_mem>>, %arg23: memref<!tpu.dma_semaphore, #tpu.memory_space<semaphore_mem>>, %arg24: memref<!tpu.dma_semaphore, #tpu.memory_space<semaphore_mem>>, %arg25: memref<!tpu.dma_semaphore, #tpu.memory_space<semaphore_mem>>, %arg26: memref<!tpu.dma_semaphore, #tpu.memory_space<semaphore_mem>>, %arg27: memref<!tpu.dma_semaphore, #tpu.memory_space<semaphore_mem>>, %arg28: memref<!tpu.dma_semaphore, #tpu.memory_space<semaphore_mem>>, %arg29: memref<!tpu.dma_semaphore, #tpu.memory_space<semaphore_mem>>) attributes {dimension_semantics = [#tpu.dimension_semantics<core_parallel>, #tpu.dimension_semantics<subcore_parallel>], iteration_bounds = array<i64: 2, 16>, scalar_prefetch = 0 : i64, scratch_operands = 23 : i64, tpu.core_type = #tpu.core_type<sc_vector_subcore>, window_params = [{transform_indices = #map}, {transform_indices = #map1}, {transform_indices = #map1}, {transform_indices = #map}, {transform_indices = #map1}]} {
    %mul3A = arith.constant 2 : i32
    %mul3A_0 = arith.muli %arg1, %mul3A : i32
    %add3A = arith.addi %mul3A_0, %arg0 : i32
    %iota3A = tpu.iota {dimensions = array<i32: 0>} : vector<16xi32>
    "tpu.region"() ({
      %run_scoped3A = tpu.sem_alloc : memref<!tpu.dma_semaphore, #tpu.memory_space<semaphore_mem>>
      tpu.enqueue_dma source(%arg3 : memref<256xi32, #tpu.memory_space<hbm>>) target(%arg15 : memref<256xi32, #tpu.memory_space<vmem>>) target_semaphore(%run_scoped3A : memref<!tpu.dma_semaphore, #tpu.memory_space<semaphore_mem>>)
      tpu.wait_dma2 semaphore(%run_scoped3A : memref<!tpu.dma_semaphore, #tpu.memory_space<semaphore_mem>>) src(%arg3 : memref<256xi32, #tpu.memory_space<hbm>>) dst(%arg15 : memref<256xi32, #tpu.memory_space<vmem>>)
      tpu.yield
    }) : () -> ()
    %mul3A_1 = arith.constant 24 : i32
    %mul3A_2 = arith.muli %add3A, %mul3A_1 : i32
    %add3A_3 = arith.constant 0 : i32
    %add3A_4 = arith.addi %mul3A_2, %add3A_3 : i32
    %jit3A = arith.constant 3 : i32
    %div3A = arith.divsi %add3A_4, %jit3A : i32
    %sign3A = arith.constant 0 : i32
    %sign3A_5 = arith.cmpi sgt, %add3A_4, %sign3A : i32
    %sign3A_6 = arith.extui %sign3A_5 : i1 to i32
    %sign3A_7 = arith.constant 0 : i32
    %sign3A_8 = arith.cmpi slt, %add3A_4, %sign3A_7 : i32
    %sign3A_9 = arith.extui %sign3A_8 : i1 to i32
    %sign3A_10 = arith.subi %sign3A_6, %sign3A_9 : i32
    %sign3A_11 = arith.constant 0 : i32
    %sign3A_12 = arith.cmpi sgt, %jit3A, %sign3A_11 : i32
    %sign3A_13 = arith.extui %sign3A_12 : i1 to i32
    %sign3A_14 = arith.constant 0 : i32
    %sign3A_15 = arith.cmpi slt, %jit3A, %sign3A_14 : i32
    %sign3A_16 = arith.extui %sign3A_15 : i1 to i32
    %sign3A_17 = arith.subi %sign3A_13, %sign3A_16 : i32
    %ne3A = arith.cmpi ne, %sign3A_10, %sign3A_17 : i32
    %rem3A = arith.remsi %add3A_4, %jit3A : i32
    %ne3A_18 = arith.constant 0 : i32
    %ne3A_19 = arith.cmpi ne, %rem3A, %ne3A_18 : i32
    %and3A = arith.andi %ne3A, %ne3A_19 : i1
    %sub3A = arith.constant 1 : i32
    %sub3A_20 = arith.subi %div3A, %sub3A : i32
    %select_n3A = arith.select %and3A, %sub3A_20, %div3A : i32
    %mul3A_21 = arith.constant 3 : i32
    %mul3A_22 = arith.muli %select_n3A, %mul3A_21 : i32
    %sub3A_23 = arith.subi %add3A_4, %mul3A_22 : i32
    %jit3A_24 = arith.constant true
    %jit3A_25 = arith.constant 0 : i32
    %jit3A_26 = arith.constant -32 : i32
    %select_n3A_27 = arith.select %jit3A_24, %jit3A_25, %jit3A_26 : i32
    %dma_start3A = arith.constant 0 : i32
    %dma_start3A_28 = arith.constant 0 : i32
    %dma_start3A_29 = tpu.memref_slice %arg7[%dma_start3A, %dma_start3A_28] : memref<64x224xf32, #tpu.memory_space<vmem>> -> memref<48x224xf32, #tpu.memory_space<vmem>>
    %dma_start3A_30 = arith.constant 0 : i32
    %dma_start3A_31 = tpu.memref_slice %arg2[%select_n3A, %sub3A_23, %select_n3A_27, %dma_start3A_30] : memref<256x3x224x224xf32, #tpu.memory_space<hbm>> -> memref<1x1x48x224xf32, #tpu.memory_space<hbm>>
    %dma_start3A_32 = tpu.memref_squeeze %dma_start3A_31 : memref<1x1x48x224xf32, #tpu.memory_space<hbm>> -> memref<48x224xf32, #tpu.memory_space<hbm>>
    %dma_start3A_33 = arith.constant 0 : i32
    %dma_start3A_34 = arith.constant 0 : i32
    %dma_start3A_35 = tpu.memref_slice %arg7[%dma_start3A_33, %dma_start3A_34] : memref<64x224xf32, #tpu.memory_space<vmem>> -> memref<48x224xf32, #tpu.memory_space<vmem>>
    %dma_start3A_36 = arith.constant 0 : i32
    %dma_start3A_37 = tpu.memref_slice %arg2[%select_n3A, %sub3A_23, %select_n3A_27, %dma_start3A_36] : memref<256x3x224x224xf32, #tpu.memory_space<hbm>> -> memref<1x1x48x224xf32, #tpu.memory_space<hbm>>
    %dma_start3A_38 = tpu.memref_squeeze %dma_start3A_37 : memref<1x1x48x224xf32, #tpu.memory_space<hbm>> -> memref<48x224xf32, #tpu.memory_space<hbm>>
    tpu.enqueue_dma source(%dma_start3A_38 : memref<48x224xf32, #tpu.memory_space<hbm>>) target(%dma_start3A_35 : memref<48x224xf32, #tpu.memory_space<vmem>>) target_semaphore(%arg18 : memref<!tpu.dma_semaphore, #tpu.memory_space<semaphore_mem>>)
    %mul3A_39 = arith.constant 24 : i32
    %mul3A_40 = arith.muli %add3A, %mul3A_39 : i32
    %add3A_41 = arith.constant 0 : i32
    %add3A_42 = arith.addi %mul3A_40, %add3A_41 : i32
    %jit3A_43 = arith.constant 3 : i32
    %div3A_44 = arith.divsi %add3A_42, %jit3A_43 : i32
    %sign3A_45 = arith.constant 0 : i32
    %sign3A_46 = arith.cmpi sgt, %add3A_42, %sign3A_45 : i32
    %sign3A_47 = arith.extui %sign3A_46 : i1 to i32
    %sign3A_48 = arith.constant 0 : i32
    %sign3A_49 = arith.cmpi slt, %add3A_42, %sign3A_48 : i32
    %sign3A_50 = arith.extui %sign3A_49 : i1 to i32
    %sign3A_51 = arith.subi %sign3A_47, %sign3A_50 : i32
    %sign3A_52 = arith.constant 0 : i32
    %sign3A_53 = arith.cmpi sgt, %jit3A_43, %sign3A_52 : i32
    %sign3A_54 = arith.extui %sign3A_53 : i1 to i32
    %sign3A_55 = arith.constant 0 : i32
    %sign3A_56 = arith.cmpi slt, %jit3A_43, %sign3A_55 : i32
    %sign3A_57 = arith.extui %sign3A_56 : i1 to i32
    %sign3A_58 = arith.subi %sign3A_54, %sign3A_57 : i32
    %ne3A_59 = arith.cmpi ne, %sign3A_51, %sign3A_58 : i32
    %rem3A_60 = arith.remsi %add3A_42, %jit3A_43 : i32
    %ne3A_61 = arith.constant 0 : i32
    %ne3A_62 = arith.cmpi ne, %rem3A_60, %ne3A_61 : i32
    %and3A_63 = arith.andi %ne3A_59, %ne3A_62 : i1
    %sub3A_64 = arith.constant 1 : i32
    %sub3A_65 = arith.subi %div3A_44, %sub3A_64 : i32
    %select_n3A_66 = arith.select %and3A_63, %sub3A_65, %div3A_44 : i32
    %mul3A_67 = arith.constant 3 : i32
    %mul3A_68 = arith.muli %select_n3A_66, %mul3A_67 : i32
    %sub3A_69 = arith.subi %add3A_42, %mul3A_68 : i32
    %jit3A_70 = arith.constant true
    %jit3A_71 = arith.constant 48 : i32
    %jit3A_72 = arith.constant 32 : i32
    %select_n3A_73 = arith.select %jit3A_70, %jit3A_71, %jit3A_72 : i32
    %dma_start3A_74 = arith.constant 0 : i32
    %dma_start3A_75 = arith.constant 0 : i32
    %dma_start3A_76 = tpu.memref_slice %arg8[%dma_start3A_74, %dma_start3A_75] : memref<64x224xf32, #tpu.memory_space<vmem>> -> memref<48x224xf32, #tpu.memory_space<vmem>>
    %dma_start3A_77 = arith.constant 0 : i32
    %dma_start3A_78 = tpu.memref_slice %arg2[%select_n3A_66, %sub3A_69, %select_n3A_73, %dma_start3A_77] : memref<256x3x224x224xf32, #tpu.memory_space<hbm>> -> memref<1x1x48x224xf32, #tpu.memory_space<hbm>>
    %dma_start3A_79 = tpu.memref_squeeze %dma_start3A_78 : memref<1x1x48x224xf32, #tpu.memory_space<hbm>> -> memref<48x224xf32, #tpu.memory_space<hbm>>
    %dma_start3A_80 = arith.constant 0 : i32
    %dma_start3A_81 = arith.constant 0 : i32
    %dma_start3A_82 = tpu.memref_slice %arg8[%dma_start3A_80, %dma_start3A_81] : memref<64x224xf32, #tpu.memory_space<vmem>> -> memref<48x224xf32, #tpu.memory_space<vmem>>
    %dma_start3A_83 = arith.constant 0 : i32
    %dma_start3A_84 = tpu.memref_slice %arg2[%select_n3A_66, %sub3A_69, %select_n3A_73, %dma_start3A_83] : memref<256x3x224x224xf32, #tpu.memory_space<hbm>> -> memref<1x1x48x224xf32, #tpu.memory_space<hbm>>
    %dma_start3A_85 = tpu.memref_squeeze %dma_start3A_84 : memref<1x1x48x224xf32, #tpu.memory_space<hbm>> -> memref<48x224xf32, #tpu.memory_space<hbm>>
    tpu.enqueue_dma source(%dma_start3A_85 : memref<48x224xf32, #tpu.memory_space<hbm>>) target(%dma_start3A_82 : memref<48x224xf32, #tpu.memory_space<vmem>>) target_semaphore(%arg19 : memref<!tpu.dma_semaphore, #tpu.memory_space<semaphore_mem>>)
    %scan3A = arith.constant 0 : i32
    %scan3A_86 = arith.constant 0 : i32
    %scan3A_87 = arith.constant 24 : i32
    %scan3A_88 = arith.addi %scan3A_86, %scan3A_87 : i32
    %scan3A_89 = arith.constant 1 : i32
    scf.for %scan3A_268 = %scan3A_86 to %scan3A_88 step %scan3A_89  : i32 {
      %mul3A_269 = arith.constant 4 : i32
      %mul3A_270 = arith.muli %scan3A_268, %mul3A_269 : i32
      %add3A_271 = arith.constant 0 : i32
      %add3A_272 = arith.addi %mul3A_270, %add3A_271 : i32
      %jit3A_273 = arith.constant 4 : i32
      %eq3A_274 = arith.constant 0 : i32
      %eq3A_275 = arith.cmpi eq, %jit3A_273, %eq3A_274 : i32
      %jit3A_276 = arith.constant 1 : i32
      %select_n3A_277 = arith.select %eq3A_275, %jit3A_276, %jit3A_273 : i32
      %rem3A_278 = arith.remsi %add3A_272, %select_n3A_277 : i32
      %ne3A_279 = arith.constant 0 : i32
      %ne3A_280 = arith.cmpi ne, %rem3A_278, %ne3A_279 : i32
      %lt3A = arith.constant 0 : i32
      %lt3A_281 = arith.cmpi slt, %rem3A_278, %lt3A : i32
      %lt3A_282 = arith.constant 0 : i32
      %lt3A_283 = arith.cmpi slt, %select_n3A_277, %lt3A_282 : i32
      %ne3A_284 = arith.xori %lt3A_281, %lt3A_283 : i1
      %and3A_285 = arith.andi %ne3A_284, %ne3A_280 : i1
      %add3A_286 = arith.addi %rem3A_278, %select_n3A_277 : i32
      %select_n3A_287 = arith.select %and3A_285, %add3A_286, %rem3A_278 : i32
      %mul3A_288 = arith.constant 24 : i32
      %mul3A_289 = arith.muli %add3A, %mul3A_288 : i32
      %jit3A_290 = arith.constant 4 : i32
      %div3A_291 = arith.divsi %add3A_272, %jit3A_290 : i32
      %sign3A_292 = arith.constant 0 : i32
      %sign3A_293 = arith.cmpi sgt, %add3A_272, %sign3A_292 : i32
      %sign3A_294 = arith.extui %sign3A_293 : i1 to i32
      %sign3A_295 = arith.constant 0 : i32
      %sign3A_296 = arith.cmpi slt, %add3A_272, %sign3A_295 : i32
      %sign3A_297 = arith.extui %sign3A_296 : i1 to i32
      %sign3A_298 = arith.subi %sign3A_294, %sign3A_297 : i32
      %sign3A_299 = arith.constant 0 : i32
      %sign3A_300 = arith.cmpi sgt, %jit3A_290, %sign3A_299 : i32
      %sign3A_301 = arith.extui %sign3A_300 : i1 to i32
      %sign3A_302 = arith.constant 0 : i32
      %sign3A_303 = arith.cmpi slt, %jit3A_290, %sign3A_302 : i32
      %sign3A_304 = arith.extui %sign3A_303 : i1 to i32
      %sign3A_305 = arith.subi %sign3A_301, %sign3A_304 : i32
      %ne3A_306 = arith.cmpi ne, %sign3A_298, %sign3A_305 : i32
      %rem3A_307 = arith.remsi %add3A_272, %jit3A_290 : i32
      %ne3A_308 = arith.constant 0 : i32
      %ne3A_309 = arith.cmpi ne, %rem3A_307, %ne3A_308 : i32
      %and3A_310 = arith.andi %ne3A_306, %ne3A_309 : i1
      %sub3A_311 = arith.constant 1 : i32
      %sub3A_312 = arith.subi %div3A_291, %sub3A_311 : i32
      %select_n3A_313 = arith.select %and3A_310, %sub3A_312, %div3A_291 : i32
      %add3A_314 = arith.addi %mul3A_289, %select_n3A_313 : i32
      %jit3A_315 = arith.constant 3 : i32
      %div3A_316 = arith.divsi %add3A_314, %jit3A_315 : i32
      %sign3A_317 = arith.constant 0 : i32
      %sign3A_318 = arith.cmpi sgt, %add3A_314, %sign3A_317 : i32
      %sign3A_319 = arith.extui %sign3A_318 : i1 to i32
      %sign3A_320 = arith.constant 0 : i32
      %sign3A_321 = arith.cmpi slt, %add3A_314, %sign3A_320 : i32
      %sign3A_322 = arith.extui %sign3A_321 : i1 to i32
      %sign3A_323 = arith.subi %sign3A_319, %sign3A_322 : i32
      %sign3A_324 = arith.constant 0 : i32
      %sign3A_325 = arith.cmpi sgt, %jit3A_315, %sign3A_324 : i32
      %sign3A_326 = arith.extui %sign3A_325 : i1 to i32
      %sign3A_327 = arith.constant 0 : i32
      %sign3A_328 = arith.cmpi slt, %jit3A_315, %sign3A_327 : i32
      %sign3A_329 = arith.extui %sign3A_328 : i1 to i32
      %sign3A_330 = arith.subi %sign3A_326, %sign3A_329 : i32
      %ne3A_331 = arith.cmpi ne, %sign3A_323, %sign3A_330 : i32
      %rem3A_332 = arith.remsi %add3A_314, %jit3A_315 : i32
      %ne3A_333 = arith.constant 0 : i32
      %ne3A_334 = arith.cmpi ne, %rem3A_332, %ne3A_333 : i32
      %and3A_335 = arith.andi %ne3A_331, %ne3A_334 : i1
      %sub3A_336 = arith.constant 1 : i32
      %sub3A_337 = arith.subi %div3A_316, %sub3A_336 : i32
      %select_n3A_338 = arith.select %and3A_335, %sub3A_337, %div3A_316 : i32
      %mul3A_339 = arith.constant 3 : i32
      %mul3A_340 = arith.muli %select_n3A_338, %mul3A_339 : i32
      %sub3A_341 = arith.subi %add3A_314, %mul3A_340 : i32
      %lt3A_342 = arith.constant 2 : i32
      %lt3A_343 = arith.cmpi slt, %select_n3A_287, %lt3A_342 : i32
      %mul3A_344 = arith.constant 48 : i32
      %mul3A_345 = arith.muli %mul3A_344, %select_n3A_287 : i32
      %mul3A_346 = arith.constant 64 : i32
      %mul3A_347 = arith.muli %mul3A_346, %select_n3A_287 : i32
      %sub3A_348 = arith.constant 32 : i32
      %sub3A_349 = arith.subi %mul3A_347, %sub3A_348 : i32
      %select_n3A_350 = arith.select %lt3A_343, %mul3A_345, %sub3A_349 : i32
      %lt3A_351 = arith.constant 2 : i32
      %lt3A_352 = arith.cmpi slt, %select_n3A_287, %lt3A_351 : i32
      %convert_element_type3A_353 = arith.extui %lt3A_352 : i1 to i32
      %cond3A_354 = arith.constant 0 : i32
      %cond3A_355 = arith.cmpi ne, %convert_element_type3A_353, %cond3A_354 : i32
      scf.if %cond3A_355 {
        %dma_wait3A_1359 = arith.constant 0 : i32
        %dma_wait3A_1360 = arith.constant 0 : i32
        %dma_wait3A_1361 = tpu.memref_slice %arg7[%dma_wait3A_1359, %dma_wait3A_1360] : memref<64x224xf32, #tpu.memory_space<vmem>> -> memref<48x224xf32, #tpu.memory_space<vmem>>
        %dma_wait3A_1362 = arith.constant 0 : i32
        %dma_wait3A_1363 = tpu.memref_slice %arg2[%select_n3A_338, %sub3A_341, %select_n3A_350, %dma_wait3A_1362] : memref<256x3x224x224xf32, #tpu.memory_space<hbm>> -> memref<1x1x48x224xf32, #tpu.memory_space<hbm>>
        %dma_wait3A_1364 = tpu.memref_squeeze %dma_wait3A_1363 : memref<1x1x48x224xf32, #tpu.memory_space<hbm>> -> memref<48x224xf32, #tpu.memory_space<hbm>>
        %dma_wait3A_1365 = arith.constant 0 : i32
        %dma_wait3A_1366 = arith.constant 0 : i32
        %dma_wait3A_1367 = tpu.memref_slice %arg7[%dma_wait3A_1365, %dma_wait3A_1366] : memref<64x224xf32, #tpu.memory_space<vmem>> -> memref<48x224xf32, #tpu.memory_space<vmem>>
        %dma_wait3A_1368 = arith.constant 0 : i32
        %dma_wait3A_1369 = tpu.memref_slice %arg2[%select_n3A_338, %sub3A_341, %select_n3A_350, %dma_wait3A_1368] : memref<256x3x224x224xf32, #tpu.memory_space<hbm>> -> memref<1x1x48x224xf32, #tpu.memory_space<hbm>>
        %dma_wait3A_1370 = tpu.memref_squeeze %dma_wait3A_1369 : memref<1x1x48x224xf32, #tpu.memory_space<hbm>> -> memref<48x224xf32, #tpu.memory_space<hbm>>
        tpu.wait_dma2 semaphore(%arg18 : memref<!tpu.dma_semaphore, #tpu.memory_space<semaphore_mem>>) src(%dma_wait3A_1370 : memref<48x224xf32, #tpu.memory_space<hbm>>) dst(%dma_wait3A_1367 : memref<48x224xf32, #tpu.memory_space<vmem>>)
      } else {
      }
      %ge3A = arith.constant 2 : i32
      %ge3A_356 = arith.cmpi sge, %select_n3A_287, %ge3A : i32
      %convert_element_type3A_357 = arith.extui %ge3A_356 : i1 to i32
      %cond3A_358 = arith.constant 0 : i32
      %cond3A_359 = arith.cmpi ne, %convert_element_type3A_357, %cond3A_358 : i32
      scf.if %cond3A_359 {
        %dma_wait3A_1359 = arith.constant 0 : i32
        %dma_wait3A_1360 = tpu.memref_slice %arg2[%select_n3A_338, %sub3A_341, %select_n3A_350, %dma_wait3A_1359] : memref<256x3x224x224xf32, #tpu.memory_space<hbm>> -> memref<1x1x64x224xf32, #tpu.memory_space<hbm>>
        %dma_wait3A_1361 = tpu.memref_squeeze %dma_wait3A_1360 : memref<1x1x64x224xf32, #tpu.memory_space<hbm>> -> memref<64x224xf32, #tpu.memory_space<hbm>>
        %dma_wait3A_1362 = arith.constant 0 : i32
        %dma_wait3A_1363 = tpu.memref_slice %arg2[%select_n3A_338, %sub3A_341, %select_n3A_350, %dma_wait3A_1362] : memref<256x3x224x224xf32, #tpu.memory_space<hbm>> -> memref<1x1x64x224xf32, #tpu.memory_space<hbm>>
        %dma_wait3A_1364 = tpu.memref_squeeze %dma_wait3A_1363 : memref<1x1x64x224xf32, #tpu.memory_space<hbm>> -> memref<64x224xf32, #tpu.memory_space<hbm>>
        tpu.wait_dma2 semaphore(%arg18 : memref<!tpu.dma_semaphore, #tpu.memory_space<semaphore_mem>>) src(%dma_wait3A_1364 : memref<64x224xf32, #tpu.memory_space<hbm>>) dst(%arg7 : memref<64x224xf32, #tpu.memory_space<vmem>>)
        %broadcast_in_dim3A = vector.broadcast %select_n3A_338 : i32 to vector<16xi32>
        %gather3A = tpu.vector_load_idx %arg15[%broadcast_in_dim3A] : memref<256xi32, #tpu.memory_space<vmem>>[vector<16xi32>], vector<16xi32>,
        %reduce_max3A = arith.constant true
        %reduce_max3A_1365 = vector.broadcast %reduce_max3A : i1 to vector<16xi1>
        %reduce_max3A_1366 = arith.constant -2147483648 : i32
        %reduce_max3A_1367 = vector.broadcast %reduce_max3A_1366 : i32 to vector<16xi32>
        %reduce_max3A_1368 = arith.xori %gather3A, %reduce_max3A_1367 : vector<16xi32>
        %reduce_max3A_1369 = tpu.scan <max>, %reduce_max3A_1368 masked %reduce_max3A_1365 : vector<16xi32>, vector<16xi1> -> vector<16xi32>
        %reduce_max3A_1370 = arith.xori %reduce_max3A_1369, %reduce_max3A_1367 : vector<16xi32>
        %reduce_max3A_1371 = vector.extract %reduce_max3A_1370[15] : i32 from vector<16xi32>
        %dma_wait3A_1372 = arith.constant 0 : i32
        %dma_wait3A_1373 = tpu.memref_slice %arg2[%reduce_max3A_1371, %sub3A_341, %select_n3A_350, %dma_wait3A_1372] : memref<256x3x224x224xf32, #tpu.memory_space<hbm>> -> memref<1x1x64x128xf32, #tpu.memory_space<hbm>>
        %dma_wait3A_1374 = tpu.memref_squeeze %dma_wait3A_1373 : memref<1x1x64x128xf32, #tpu.memory_space<hbm>> -> memref<64x128xf32, #tpu.memory_space<hbm>>
        %dma_wait3A_1375 = arith.constant 0 : i32
        %dma_wait3A_1376 = tpu.memref_slice %arg2[%reduce_max3A_1371, %sub3A_341, %select_n3A_350, %dma_wait3A_1375] : memref<256x3x224x224xf32, #tpu.memory_space<hbm>> -> memref<1x1x64x128xf32, #tpu.memory_space<hbm>>
        %dma_wait3A_1377 = tpu.memref_squeeze %dma_wait3A_1376 : memref<1x1x64x128xf32, #tpu.memory_space<hbm>> -> memref<64x128xf32, #tpu.memory_space<hbm>>
        tpu.wait_dma2 semaphore(%arg22 : memref<!tpu.dma_semaphore, #tpu.memory_space<semaphore_mem>>) src(%dma_wait3A_1377 : memref<64x128xf32, #tpu.memory_space<hbm>>) dst(%arg11 : memref<64x128xf32, #tpu.memory_space<vmem>>)
      } else {
      }
      %jit3A_360 = arith.constant 4 : i32
      %eq3A_361 = arith.constant 0 : i32
      %eq3A_362 = arith.cmpi eq, %jit3A_360, %eq3A_361 : i32
      %jit3A_363 = arith.constant 1 : i32
      %select_n3A_364 = arith.select %eq3A_362, %jit3A_363, %jit3A_360 : i32
      %rem3A_365 = arith.remsi %add3A_272, %select_n3A_364 : i32
      %ne3A_366 = arith.constant 0 : i32
      %ne3A_367 = arith.cmpi ne, %rem3A_365, %ne3A_366 : i32
      %lt3A_368 = arith.constant 0 : i32
      %lt3A_369 = arith.cmpi slt, %rem3A_365, %lt3A_368 : i32
      %lt3A_370 = arith.constant 0 : i32
      %lt3A_371 = arith.cmpi slt, %select_n3A_364, %lt3A_370 : i32
      %ne3A_372 = arith.xori %lt3A_369, %lt3A_371 : i1
      %and3A_373 = arith.andi %ne3A_372, %ne3A_367 : i1
      %add3A_374 = arith.addi %rem3A_365, %select_n3A_364 : i32
      %select_n3A_375 = arith.select %and3A_373, %add3A_374, %rem3A_365 : i32
      %mul3A_376 = arith.constant 24 : i32
      %mul3A_377 = arith.muli %add3A, %mul3A_376 : i32
      %jit3A_378 = arith.constant 4 : i32
      %div3A_379 = arith.divsi %add3A_272, %jit3A_378 : i32
      %sign3A_380 = arith.constant 0 : i32
      %sign3A_381 = arith.cmpi sgt, %add3A_272, %sign3A_380 : i32
      %sign3A_382 = arith.extui %sign3A_381 : i1 to i32
      %sign3A_383 = arith.constant 0 : i32
      %sign3A_384 = arith.cmpi slt, %add3A_272, %sign3A_383 : i32
      %sign3A_385 = arith.extui %sign3A_384 : i1 to i32
      %sign3A_386 = arith.subi %sign3A_382, %sign3A_385 : i32
      %sign3A_387 = arith.constant 0 : i32
      %sign3A_388 = arith.cmpi sgt, %jit3A_378, %sign3A_387 : i32
      %sign3A_389 = arith.extui %sign3A_388 : i1 to i32
      %sign3A_390 = arith.constant 0 : i32
      %sign3A_391 = arith.cmpi slt, %jit3A_378, %sign3A_390 : i32
      %sign3A_392 = arith.extui %sign3A_391 : i1 to i32
      %sign3A_393 = arith.subi %sign3A_389, %sign3A_392 : i32
      %ne3A_394 = arith.cmpi ne, %sign3A_386, %sign3A_393 : i32
      %rem3A_395 = arith.remsi %add3A_272, %jit3A_378 : i32
      %ne3A_396 = arith.constant 0 : i32
      %ne3A_397 = arith.cmpi ne, %rem3A_395, %ne3A_396 : i32
      %and3A_398 = arith.andi %ne3A_394, %ne3A_397 : i1
      %sub3A_399 = arith.constant 1 : i32
      %sub3A_400 = arith.subi %div3A_379, %sub3A_399 : i32
      %select_n3A_401 = arith.select %and3A_398, %sub3A_400, %div3A_379 : i32
      %add3A_402 = arith.addi %mul3A_377, %select_n3A_401 : i32
      %jit3A_403 = arith.constant 3 : i32
      %div3A_404 = arith.divsi %add3A_402, %jit3A_403 : i32
      %sign3A_405 = arith.constant 0 : i32
      %sign3A_406 = arith.cmpi sgt, %add3A_402, %sign3A_405 : i32
      %sign3A_407 = arith.extui %sign3A_406 : i1 to i32
      %sign3A_408 = arith.constant 0 : i32
      %sign3A_409 = arith.cmpi slt, %add3A_402, %sign3A_408 : i32
      %sign3A_410 = arith.extui %sign3A_409 : i1 to i32
      %sign3A_411 = arith.subi %sign3A_407, %sign3A_410 : i32
      %sign3A_412 = arith.constant 0 : i32
      %sign3A_413 = arith.cmpi sgt, %jit3A_403, %sign3A_412 : i32
      %sign3A_414 = arith.extui %sign3A_413 : i1 to i32
      %sign3A_415 = arith.constant 0 : i32
      %sign3A_416 = arith.cmpi slt, %jit3A_403, %sign3A_415 : i32
      %sign3A_417 = arith.extui %sign3A_416 : i1 to i32
      %sign3A_418 = arith.subi %sign3A_414, %sign3A_417 : i32
      %ne3A_419 = arith.cmpi ne, %sign3A_411, %sign3A_418 : i32
      %rem3A_420 = arith.remsi %add3A_402, %jit3A_403 : i32
      %ne3A_421 = arith.constant 0 : i32
      %ne3A_422 = arith.cmpi ne, %rem3A_420, %ne3A_421 : i32
      %and3A_423 = arith.andi %ne3A_419, %ne3A_422 : i1
      %sub3A_424 = arith.constant 1 : i32
      %sub3A_425 = arith.subi %div3A_404, %sub3A_424 : i32
      %select_n3A_426 = arith.select %and3A_423, %sub3A_425, %div3A_404 : i32
      %mul3A_427 = arith.constant 3 : i32
      %mul3A_428 = arith.muli %select_n3A_426, %mul3A_427 : i32
      %sub3A_429 = arith.subi %add3A_402, %mul3A_428 : i32
      %lt3A_430 = arith.constant 2 : i32
      %lt3A_431 = arith.cmpi slt, %select_n3A_375, %lt3A_430 : i32
      %mul3A_432 = arith.constant 48 : i32
      %mul3A_433 = arith.muli %mul3A_432, %select_n3A_375 : i32
      %mul3A_434 = arith.constant 64 : i32
      %mul3A_435 = arith.muli %mul3A_434, %select_n3A_375 : i32
      %sub3A_436 = arith.constant 32 : i32
      %sub3A_437 = arith.subi %mul3A_435, %sub3A_436 : i32
      %select_n3A_438 = arith.select %lt3A_431, %mul3A_433, %sub3A_437 : i32
      %ge3A_439 = arith.constant 2 : i32
      %ge3A_440 = arith.cmpi sge, %select_n3A_375, %ge3A_439 : i32
      %convert_element_type3A_441 = arith.extui %ge3A_440 : i1 to i32
      %cond3A_442 = arith.constant 0 : i32
      %cond3A_443 = arith.cmpi ne, %convert_element_type3A_441, %cond3A_442 : i32
      scf.if %cond3A_443 {
        %eq3A_1359 = arith.constant 2 : i32
        %eq3A_1360 = arith.cmpi eq, %select_n3A_375, %eq3A_1359 : i32
        %jit3A_1361 = arith.constant 7 : i32
        %jit3A_1362 = arith.constant 0 : i32
        %select_n3A_1363 = arith.select %eq3A_1360, %jit3A_1361, %jit3A_1362 : i32
        %while3A = arith.constant 0 : i32
        %while3A_1364 = arith.constant 64 : i32
        %while3A_1365 = arith.subi %while3A_1364, %select_n3A_1363 : i32
        %while3A_1366 = arith.addi %select_n3A_1363, %while3A_1365 : i32
        %while3A_1367 = arith.constant 1 : i32
        %while3A_1368 = arith.divsi %while3A_1365, %while3A_1367 : i32
        %while3A_1369 = arith.muli %while3A_1368, %while3A_1367 : i32
        %while3A_1370 = arith.addi %select_n3A_1363, %while3A_1369 : i32
        %while3A_1371 = arith.constant 1 : i32
        scf.for %while3A_1373 = %select_n3A_1363 to %while3A_1370 step %while3A_1371  : i32 {
          %get3A = arith.index_cast %while3A_1373 : i32 to index
          %get3A_1374 = arith.constant 0 : index
          %get3A_1375 = tpu.vector_load %arg11[%get3A, %get3A_1374] {strides = array<i32>} : memref<64x128xf32, #tpu.memory_space<vmem>>, vector<16xf32>,
          %swap3A = arith.index_cast %while3A_1373 : i32 to index
          %swap3A_1376 = arith.constant 0 : index
          %swap3A_1377 = tpu.vector_load %arg7[%swap3A, %swap3A_1376] {strides = array<i32>} : memref<64x224xf32, #tpu.memory_space<vmem>>, vector<16xf32>,
          tpu.vector_store %arg7[%swap3A, %swap3A_1376], %get3A_1375 {strides = array<i32>} : memref<64x224xf32, #tpu.memory_space<vmem>>, vector<16xf32>,
          %get3A_1378 = arith.index_cast %while3A_1373 : i32 to index
          %get3A_1379 = arith.constant 16 : index
          %get3A_1380 = tpu.vector_load %arg11[%get3A_1378, %get3A_1379] {strides = array<i32>} : memref<64x128xf32, #tpu.memory_space<vmem>>, vector<16xf32>,
          %swap3A_1381 = arith.index_cast %while3A_1373 : i32 to index
          %swap3A_1382 = arith.constant 16 : index
          %swap3A_1383 = tpu.vector_load %arg7[%swap3A_1381, %swap3A_1382] {strides = array<i32>} : memref<64x224xf32, #tpu.memory_space<vmem>>, vector<16xf32>,
          tpu.vector_store %arg7[%swap3A_1381, %swap3A_1382], %get3A_1380 {strides = array<i32>} : memref<64x224xf32, #tpu.memory_space<vmem>>, vector<16xf32>,
          %get3A_1384 = arith.index_cast %while3A_1373 : i32 to index
          %get3A_1385 = arith.constant 32 : index
          %get3A_1386 = tpu.vector_load %arg11[%get3A_1384, %get3A_1385] {strides = array<i32>} : memref<64x128xf32, #tpu.memory_space<vmem>>, vector<16xf32>,
          %swap3A_1387 = arith.index_cast %while3A_1373 : i32 to index
          %swap3A_1388 = arith.constant 32 : index
          %swap3A_1389 = tpu.vector_load %arg7[%swap3A_1387, %swap3A_1388] {strides = array<i32>} : memref<64x224xf32, #tpu.memory_space<vmem>>, vector<16xf32>,
          tpu.vector_store %arg7[%swap3A_1387, %swap3A_1388], %get3A_1386 {strides = array<i32>} : memref<64x224xf32, #tpu.memory_space<vmem>>, vector<16xf32>,
          %get3A_1390 = arith.index_cast %while3A_1373 : i32 to index
          %get3A_1391 = arith.constant 48 : index
          %get3A_1392 = tpu.vector_load %arg11[%get3A_1390, %get3A_1391] {strides = array<i32>} : memref<64x128xf32, #tpu.memory_space<vmem>>, vector<16xf32>,
          %swap3A_1393 = arith.index_cast %while3A_1373 : i32 to index
          %swap3A_1394 = arith.constant 48 : index
          %swap3A_1395 = tpu.vector_load %arg7[%swap3A_1393, %swap3A_1394] {strides = array<i32>} : memref<64x224xf32, #tpu.memory_space<vmem>>, vector<16xf32>,
          tpu.vector_store %arg7[%swap3A_1393, %swap3A_1394], %get3A_1392 {strides = array<i32>} : memref<64x224xf32, #tpu.memory_space<vmem>>, vector<16xf32>,
          %get3A_1396 = arith.index_cast %while3A_1373 : i32 to index
          %get3A_1397 = arith.constant 64 : index
          %get3A_1398 = tpu.vector_load %arg11[%get3A_1396, %get3A_1397] {strides = array<i32>} : memref<64x128xf32, #tpu.memory_space<vmem>>, vector<16xf32>,
          %swap3A_1399 = arith.index_cast %while3A_1373 : i32 to index
          %swap3A_1400 = arith.constant 64 : index
          %swap3A_1401 = tpu.vector_load %arg7[%swap3A_1399, %swap3A_1400] {strides = array<i32>} : memref<64x224xf32, #tpu.memory_space<vmem>>, vector<16xf32>,
          tpu.vector_store %arg7[%swap3A_1399, %swap3A_1400], %get3A_1398 {strides = array<i32>} : memref<64x224xf32, #tpu.memory_space<vmem>>, vector<16xf32>,
          %get3A_1402 = arith.index_cast %while3A_1373 : i32 to index
          %get3A_1403 = arith.constant 80 : index
          %get3A_1404 = tpu.vector_load %arg11[%get3A_1402, %get3A_1403] {strides = array<i32>} : memref<64x128xf32, #tpu.memory_space<vmem>>, vector<16xf32>,
          %get3A_1405 = arith.index_cast %while3A_1373 : i32 to index
          %get3A_1406 = arith.constant 80 : index
          %get3A_1407 = tpu.vector_load %arg7[%get3A_1405, %get3A_1406] {strides = array<i32>} : memref<64x224xf32, #tpu.memory_space<vmem>>, vector<16xf32>,
          %lt3A_1408 = arith.constant 7 : i32
          %lt3A_1409 = vector.broadcast %lt3A_1408 : i32 to vector<16xi32>
          %lt3A_1410 = arith.cmpi slt, %iota3A, %lt3A_1409 : vector<16xi32>
          %select_n3A_1411 = arith.select %lt3A_1410, %get3A_1404, %get3A_1407 : vector<16xi1>, vector<16xf32>
          %swap3A_1412 = arith.index_cast %while3A_1373 : i32 to index
          %swap3A_1413 = arith.constant 80 : index
          %swap3A_1414 = tpu.vector_load %arg7[%swap3A_1412, %swap3A_1413] {strides = array<i32>} : memref<64x224xf32, #tpu.memory_space<vmem>>, vector<16xf32>,
          tpu.vector_store %arg7[%swap3A_1412, %swap3A_1413], %select_n3A_1411 {strides = array<i32>} : memref<64x224xf32, #tpu.memory_space<vmem>>, vector<16xf32>,
        }
        %while3A_1372 = arith.constant 1 : i32
        scf.for %while3A_1373 = %while3A_1370 to %while3A_1366 step %while3A_1372  : i32 {
          %get3A = arith.index_cast %while3A_1373 : i32 to index
          %get3A_1374 = arith.constant 0 : index
          %get3A_1375 = tpu.vector_load %arg11[%get3A, %get3A_1374] {strides = array<i32>} : memref<64x128xf32, #tpu.memory_space<vmem>>, vector<16xf32>,
          %swap3A = arith.index_cast %while3A_1373 : i32 to index
          %swap3A_1376 = arith.constant 0 : index
          %swap3A_1377 = tpu.vector_load %arg7[%swap3A, %swap3A_1376] {strides = array<i32>} : memref<64x224xf32, #tpu.memory_space<vmem>>, vector<16xf32>,
          tpu.vector_store %arg7[%swap3A, %swap3A_1376], %get3A_1375 {strides = array<i32>} : memref<64x224xf32, #tpu.memory_space<vmem>>, vector<16xf32>,
          %get3A_1378 = arith.index_cast %while3A_1373 : i32 to index
          %get3A_1379 = arith.constant 16 : index
          %get3A_1380 = tpu.vector_load %arg11[%get3A_1378, %get3A_1379] {strides = array<i32>} : memref<64x128xf32, #tpu.memory_space<vmem>>, vector<16xf32>,
          %swap3A_1381 = arith.index_cast %while3A_1373 : i32 to index
          %swap3A_1382 = arith.constant 16 : index
          %swap3A_1383 = tpu.vector_load %arg7[%swap3A_1381, %swap3A_1382] {strides = array<i32>} : memref<64x224xf32, #tpu.memory_space<vmem>>, vector<16xf32>,
          tpu.vector_store %arg7[%swap3A_1381, %swap3A_1382], %get3A_1380 {strides = array<i32>} : memref<64x224xf32, #tpu.memory_space<vmem>>, vector<16xf32>,
          %get3A_1384 = arith.index_cast %while3A_1373 : i32 to index
          %get3A_1385 = arith.constant 32 : index
          %get3A_1386 = tpu.vector_load %arg11[%get3A_1384, %get3A_1385] {strides = array<i32>} : memref<64x128xf32, #tpu.memory_space<vmem>>, vector<16xf32>,
          %swap3A_1387 = arith.index_cast %while3A_1373 : i32 to index
          %swap3A_1388 = arith.constant 32 : index
          %swap3A_1389 = tpu.vector_load %arg7[%swap3A_1387, %swap3A_1388] {strides = array<i32>} : memref<64x224xf32, #tpu.memory_space<vmem>>, vector<16xf32>,
          tpu.vector_store %arg7[%swap3A_1387, %swap3A_1388], %get3A_1386 {strides = array<i32>} : memref<64x224xf32, #tpu.memory_space<vmem>>, vector<16xf32>,
          %get3A_1390 = arith.index_cast %while3A_1373 : i32 to index
          %get3A_1391 = arith.constant 48 : index
          %get3A_1392 = tpu.vector_load %arg11[%get3A_1390, %get3A_1391] {strides = array<i32>} : memref<64x128xf32, #tpu.memory_space<vmem>>, vector<16xf32>,
          %swap3A_1393 = arith.index_cast %while3A_1373 : i32 to index
          %swap3A_1394 = arith.constant 48 : index
          %swap3A_1395 = tpu.vector_load %arg7[%swap3A_1393, %swap3A_1394] {strides = array<i32>} : memref<64x224xf32, #tpu.memory_space<vmem>>, vector<16xf32>,
          tpu.vector_store %arg7[%swap3A_1393, %swap3A_1394], %get3A_1392 {strides = array<i32>} : memref<64x224xf32, #tpu.memory_space<vmem>>, vector<16xf32>,
          %get3A_1396 = arith.index_cast %while3A_1373 : i32 to index
          %get3A_1397 = arith.constant 64 : index
          %get3A_1398 = tpu.vector_load %arg11[%get3A_1396, %get3A_1397] {strides = array<i32>} : memref<64x128xf32, #tpu.memory_space<vmem>>, vector<16xf32>,
          %swap3A_1399 = arith.index_cast %while3A_1373 : i32 to index
          %swap3A_1400 = arith.constant 64 : index
          %swap3A_1401 = tpu.vector_load %arg7[%swap3A_1399, %swap3A_1400] {strides = array<i32>} : memref<64x224xf32, #tpu.memory_space<vmem>>, vector<16xf32>,
          tpu.vector_store %arg7[%swap3A_1399, %swap3A_1400], %get3A_1398 {strides = array<i32>} : memref<64x224xf32, #tpu.memory_space<vmem>>, vector<16xf32>,
          %get3A_1402 = arith.index_cast %while3A_1373 : i32 to index
          %get3A_1403 = arith.constant 80 : index
          %get3A_1404 = tpu.vector_load %arg11[%get3A_1402, %get3A_1403] {strides = array<i32>} : memref<64x128xf32, #tpu.memory_space<vmem>>, vector<16xf32>,
          %get3A_1405 = arith.index_cast %while3A_1373 : i32 to index
          %get3A_1406 = arith.constant 80 : index
          %get3A_1407 = tpu.vector_load %arg7[%get3A_1405, %get3A_1406] {strides = array<i32>} : memref<64x224xf32, #tpu.memory_space<vmem>>, vector<16xf32>,
          %lt3A_1408 = arith.constant 7 : i32
          %lt3A_1409 = vector.broadcast %lt3A_1408 : i32 to vector<16xi32>
          %lt3A_1410 = arith.cmpi slt, %iota3A, %lt3A_1409 : vector<16xi32>
          %select_n3A_1411 = arith.select %lt3A_1410, %get3A_1404, %get3A_1407 : vector<16xi1>, vector<16xf32>
          %swap3A_1412 = arith.index_cast %while3A_1373 : i32 to index
          %swap3A_1413 = arith.constant 80 : index
          %swap3A_1414 = tpu.vector_load %arg7[%swap3A_1412, %swap3A_1413] {strides = array<i32>} : memref<64x224xf32, #tpu.memory_space<vmem>>, vector<16xf32>,
          tpu.vector_store %arg7[%swap3A_1412, %swap3A_1413], %select_n3A_1411 {strides = array<i32>} : memref<64x224xf32, #tpu.memory_space<vmem>>, vector<16xf32>,
        }
      } else {
      }
      %jit3A_444 = arith.constant 4 : i32
      %eq3A_445 = arith.constant 0 : i32
      %eq3A_446 = arith.cmpi eq, %jit3A_444, %eq3A_445 : i32
      %jit3A_447 = arith.constant 1 : i32
      %select_n3A_448 = arith.select %eq3A_446, %jit3A_447, %jit3A_444 : i32
      %rem3A_449 = arith.remsi %add3A_272, %select_n3A_448 : i32
      %ne3A_450 = arith.constant 0 : i32
      %ne3A_451 = arith.cmpi ne, %rem3A_449, %ne3A_450 : i32
      %lt3A_452 = arith.constant 0 : i32
      %lt3A_453 = arith.cmpi slt, %rem3A_449, %lt3A_452 : i32
      %lt3A_454 = arith.constant 0 : i32
      %lt3A_455 = arith.cmpi slt, %select_n3A_448, %lt3A_454 : i32
      %ne3A_456 = arith.xori %lt3A_453, %lt3A_455 : i1
      %and3A_457 = arith.andi %ne3A_456, %ne3A_451 : i1
      %add3A_458 = arith.addi %rem3A_449, %select_n3A_448 : i32
      %select_n3A_459 = arith.select %and3A_457, %add3A_458, %rem3A_449 : i32
      %mul3A_460 = arith.constant 24 : i32
      %mul3A_461 = arith.muli %add3A, %mul3A_460 : i32
      %jit3A_462 = arith.constant 4 : i32
      %div3A_463 = arith.divsi %add3A_272, %jit3A_462 : i32
      %sign3A_464 = arith.constant 0 : i32
      %sign3A_465 = arith.cmpi sgt, %add3A_272, %sign3A_464 : i32
      %sign3A_466 = arith.extui %sign3A_465 : i1 to i32
      %sign3A_467 = arith.constant 0 : i32
      %sign3A_468 = arith.cmpi slt, %add3A_272, %sign3A_467 : i32
      %sign3A_469 = arith.extui %sign3A_468 : i1 to i32
      %sign3A_470 = arith.subi %sign3A_466, %sign3A_469 : i32
      %sign3A_471 = arith.constant 0 : i32
      %sign3A_472 = arith.cmpi sgt, %jit3A_462, %sign3A_471 : i32
      %sign3A_473 = arith.extui %sign3A_472 : i1 to i32
      %sign3A_474 = arith.constant 0 : i32
      %sign3A_475 = arith.cmpi slt, %jit3A_462, %sign3A_474 : i32
      %sign3A_476 = arith.extui %sign3A_475 : i1 to i32
      %sign3A_477 = arith.subi %sign3A_473, %sign3A_476 : i32
      %ne3A_478 = arith.cmpi ne, %sign3A_470, %sign3A_477 : i32
      %rem3A_479 = arith.remsi %add3A_272, %jit3A_462 : i32
      %ne3A_480 = arith.constant 0 : i32
      %ne3A_481 = arith.cmpi ne, %rem3A_479, %ne3A_480 : i32
      %and3A_482 = arith.andi %ne3A_478, %ne3A_481 : i1
      %sub3A_483 = arith.constant 1 : i32
      %sub3A_484 = arith.subi %div3A_463, %sub3A_483 : i32
      %select_n3A_485 = arith.select %and3A_482, %sub3A_484, %div3A_463 : i32
      %add3A_486 = arith.addi %mul3A_461, %select_n3A_485 : i32
      %jit3A_487 = arith.constant 3 : i32
      %div3A_488 = arith.divsi %add3A_486, %jit3A_487 : i32
      %sign3A_489 = arith.constant 0 : i32
      %sign3A_490 = arith.cmpi sgt, %add3A_486, %sign3A_489 : i32
      %sign3A_491 = arith.extui %sign3A_490 : i1 to i32
      %sign3A_492 = arith.constant 0 : i32
      %sign3A_493 = arith.cmpi slt, %add3A_486, %sign3A_492 : i32
      %sign3A_494 = arith.extui %sign3A_493 : i1 to i32
      %sign3A_495 = arith.subi %sign3A_491, %sign3A_494 : i32
      %sign3A_496 = arith.constant 0 : i32
      %sign3A_497 = arith.cmpi sgt, %jit3A_487, %sign3A_496 : i32
      %sign3A_498 = arith.extui %sign3A_497 : i1 to i32
      %sign3A_499 = arith.constant 0 : i32
      %sign3A_500 = arith.cmpi slt, %jit3A_487, %sign3A_499 : i32
      %sign3A_501 = arith.extui %sign3A_500 : i1 to i32
      %sign3A_502 = arith.subi %sign3A_498, %sign3A_501 : i32
      %ne3A_503 = arith.cmpi ne, %sign3A_495, %sign3A_502 : i32
      %rem3A_504 = arith.remsi %add3A_486, %jit3A_487 : i32
      %ne3A_505 = arith.constant 0 : i32
      %ne3A_506 = arith.cmpi ne, %rem3A_504, %ne3A_505 : i32
      %and3A_507 = arith.andi %ne3A_503, %ne3A_506 : i1
      %sub3A_508 = arith.constant 1 : i32
      %sub3A_509 = arith.subi %div3A_488, %sub3A_508 : i32
      %select_n3A_510 = arith.select %and3A_507, %sub3A_509, %div3A_488 : i32
      %mul3A_511 = arith.constant 3 : i32
      %mul3A_512 = arith.muli %select_n3A_510, %mul3A_511 : i32
      %sub3A_513 = arith.subi %add3A_486, %mul3A_512 : i32
      %lt3A_514 = arith.constant 2 : i32
      %lt3A_515 = arith.cmpi slt, %select_n3A_459, %lt3A_514 : i32
      %mul3A_516 = arith.constant 48 : i32
      %mul3A_517 = arith.muli %mul3A_516, %select_n3A_459 : i32
      %mul3A_518 = arith.constant 64 : i32
      %mul3A_519 = arith.muli %mul3A_518, %select_n3A_459 : i32
      %sub3A_520 = arith.constant 32 : i32
      %sub3A_521 = arith.subi %mul3A_519, %sub3A_520 : i32
      %select_n3A_522 = arith.select %lt3A_515, %mul3A_517, %sub3A_521 : i32
      %lt3A_523 = arith.constant 2 : i32
      %lt3A_524 = arith.cmpi slt, %select_n3A_459, %lt3A_523 : i32
      %convert_element_type3A_525 = arith.extui %lt3A_524 : i1 to i32
      %cond3A_526 = arith.constant 0 : i32
      %cond3A_527 = arith.cmpi ne, %convert_element_type3A_525, %cond3A_526 : i32
      scf.if %cond3A_527 {
        %dma_start3A_1359 = arith.constant 0 : i32
        %dma_start3A_1360 = arith.constant 0 : i32
        %dma_start3A_1361 = tpu.memref_slice %arg7[%dma_start3A_1359, %dma_start3A_1360] : memref<64x224xf32, #tpu.memory_space<vmem>> -> memref<48x224xf32, #tpu.memory_space<vmem>>
        %dma_start3A_1362 = arith.constant 0 : i32
        %dma_start3A_1363 = tpu.memref_slice %arg5[%select_n3A_510, %sub3A_513, %select_n3A_522, %dma_start3A_1362] : memref<256x3x224x224xf32, #tpu.memory_space<hbm>> -> memref<1x1x48x224xf32, #tpu.memory_space<hbm>>
        %dma_start3A_1364 = tpu.memref_squeeze %dma_start3A_1363 : memref<1x1x48x224xf32, #tpu.memory_space<hbm>> -> memref<48x224xf32, #tpu.memory_space<hbm>>
        %dma_start3A_1365 = arith.constant 0 : i32
        %dma_start3A_1366 = tpu.memref_slice %arg5[%select_n3A_510, %sub3A_513, %select_n3A_522, %dma_start3A_1365] : memref<256x3x224x224xf32, #tpu.memory_space<hbm>> -> memref<1x1x48x224xf32, #tpu.memory_space<hbm>>
        %dma_start3A_1367 = tpu.memref_squeeze %dma_start3A_1366 : memref<1x1x48x224xf32, #tpu.memory_space<hbm>> -> memref<48x224xf32, #tpu.memory_space<hbm>>
        %dma_start3A_1368 = arith.constant 0 : i32
        %dma_start3A_1369 = arith.constant 0 : i32
        %dma_start3A_1370 = tpu.memref_slice %arg7[%dma_start3A_1368, %dma_start3A_1369] : memref<64x224xf32, #tpu.memory_space<vmem>> -> memref<48x224xf32, #tpu.memory_space<vmem>>
        tpu.enqueue_dma source(%dma_start3A_1370 : memref<48x224xf32, #tpu.memory_space<vmem>>) target(%dma_start3A_1367 : memref<48x224xf32, #tpu.memory_space<hbm>>) target_semaphore(%arg26 : memref<!tpu.dma_semaphore, #tpu.memory_space<semaphore_mem>>)
      } else {
      }
      %ge3A_528 = arith.constant 2 : i32
      %ge3A_529 = arith.cmpi sge, %select_n3A_459, %ge3A_528 : i32
      %convert_element_type3A_530 = arith.extui %ge3A_529 : i1 to i32
      %cond3A_531 = arith.constant 0 : i32
      %cond3A_532 = arith.cmpi ne, %convert_element_type3A_530, %cond3A_531 : i32
      scf.if %cond3A_532 {
        %dma_start3A_1359 = arith.constant 0 : i32
        %dma_start3A_1360 = tpu.memref_slice %arg5[%select_n3A_510, %sub3A_513, %select_n3A_522, %dma_start3A_1359] : memref<256x3x224x224xf32, #tpu.memory_space<hbm>> -> memref<1x1x64x224xf32, #tpu.memory_space<hbm>>
        %dma_start3A_1361 = tpu.memref_squeeze %dma_start3A_1360 : memref<1x1x64x224xf32, #tpu.memory_space<hbm>> -> memref<64x224xf32, #tpu.memory_space<hbm>>
        %dma_start3A_1362 = arith.constant 0 : i32
        %dma_start3A_1363 = tpu.memref_slice %arg5[%select_n3A_510, %sub3A_513, %select_n3A_522, %dma_start3A_1362] : memref<256x3x224x224xf32, #tpu.memory_space<hbm>> -> memref<1x1x64x224xf32, #tpu.memory_space<hbm>>
        %dma_start3A_1364 = tpu.memref_squeeze %dma_start3A_1363 : memref<1x1x64x224xf32, #tpu.memory_space<hbm>> -> memref<64x224xf32, #tpu.memory_space<hbm>>
        tpu.enqueue_dma source(%arg7 : memref<64x224xf32, #tpu.memory_space<vmem>>) target(%dma_start3A_1364 : memref<64x224xf32, #tpu.memory_space<hbm>>) target_semaphore(%arg26 : memref<!tpu.dma_semaphore, #tpu.memory_space<semaphore_mem>>)
      } else {
      }
      %add3A_533 = arith.constant 2 : i32
      %add3A_534 = arith.addi %add3A_272, %add3A_533 : i32
      %lt3A_535 = arith.constant 96 : i32
      %lt3A_536 = arith.cmpi slt, %add3A_534, %lt3A_535 : i32
      %convert_element_type3A_537 = arith.extui %lt3A_536 : i1 to i32
      %cond3A_538 = arith.constant 0 : i32
      %cond3A_539 = arith.cmpi ne, %convert_element_type3A_537, %cond3A_538 : i32
      scf.if %cond3A_539 {
        %ge3A_1359 = arith.constant 4 : i32
        %ge3A_1360 = arith.cmpi sge, %add3A_534, %ge3A_1359 : i32
        %convert_element_type3A_1361 = arith.extui %ge3A_1360 : i1 to i32
        %cond3A_1362 = arith.constant 0 : i32
        %cond3A_1363 = arith.cmpi ne, %convert_element_type3A_1361, %cond3A_1362 : i32
        scf.if %cond3A_1363 {
          %sub3A_1453 = arith.constant 4 : i32
          %sub3A_1454 = arith.subi %add3A_534, %sub3A_1453 : i32
          %jit3A_1455 = arith.constant 4 : i32
          %eq3A_1456 = arith.constant 0 : i32
          %eq3A_1457 = arith.cmpi eq, %jit3A_1455, %eq3A_1456 : i32
          %jit3A_1458 = arith.constant 1 : i32
          %select_n3A_1459 = arith.select %eq3A_1457, %jit3A_1458, %jit3A_1455 : i32
          %rem3A_1460 = arith.remsi %sub3A_1454, %select_n3A_1459 : i32
          %ne3A_1461 = arith.constant 0 : i32
          %ne3A_1462 = arith.cmpi ne, %rem3A_1460, %ne3A_1461 : i32
          %lt3A_1463 = arith.constant 0 : i32
          %lt3A_1464 = arith.cmpi slt, %rem3A_1460, %lt3A_1463 : i32
          %lt3A_1465 = arith.constant 0 : i32
          %lt3A_1466 = arith.cmpi slt, %select_n3A_1459, %lt3A_1465 : i32
          %ne3A_1467 = arith.xori %lt3A_1464, %lt3A_1466 : i1
          %and3A_1468 = arith.andi %ne3A_1467, %ne3A_1462 : i1
          %add3A_1469 = arith.addi %rem3A_1460, %select_n3A_1459 : i32
          %select_n3A_1470 = arith.select %and3A_1468, %add3A_1469, %rem3A_1460 : i32
          %mul3A_1471 = arith.constant 24 : i32
          %mul3A_1472 = arith.muli %add3A, %mul3A_1471 : i32
          %jit3A_1473 = arith.constant 4 : i32
          %div3A_1474 = arith.divsi %sub3A_1454, %jit3A_1473 : i32
          %sign3A_1475 = arith.constant 0 : i32
          %sign3A_1476 = arith.cmpi sgt, %sub3A_1454, %sign3A_1475 : i32
          %sign3A_1477 = arith.extui %sign3A_1476 : i1 to i32
          %sign3A_1478 = arith.constant 0 : i32
          %sign3A_1479 = arith.cmpi slt, %sub3A_1454, %sign3A_1478 : i32
          %sign3A_1480 = arith.extui %sign3A_1479 : i1 to i32
          %sign3A_1481 = arith.subi %sign3A_1477, %sign3A_1480 : i32
          %sign3A_1482 = arith.constant 0 : i32
          %sign3A_1483 = arith.cmpi sgt, %jit3A_1473, %sign3A_1482 : i32
          %sign3A_1484 = arith.extui %sign3A_1483 : i1 to i32
          %sign3A_1485 = arith.constant 0 : i32
          %sign3A_1486 = arith.cmpi slt, %jit3A_1473, %sign3A_1485 : i32
          %sign3A_1487 = arith.extui %sign3A_1486 : i1 to i32
          %sign3A_1488 = arith.subi %sign3A_1484, %sign3A_1487 : i32
          %ne3A_1489 = arith.cmpi ne, %sign3A_1481, %sign3A_1488 : i32
          %rem3A_1490 = arith.remsi %sub3A_1454, %jit3A_1473 : i32
          %ne3A_1491 = arith.constant 0 : i32
          %ne3A_1492 = arith.cmpi ne, %rem3A_1490, %ne3A_1491 : i32
          %and3A_1493 = arith.andi %ne3A_1489, %ne3A_1492 : i1
          %sub3A_1494 = arith.constant 1 : i32
          %sub3A_1495 = arith.subi %div3A_1474, %sub3A_1494 : i32
          %select_n3A_1496 = arith.select %and3A_1493, %sub3A_1495, %div3A_1474 : i32
          %add3A_1497 = arith.addi %mul3A_1472, %select_n3A_1496 : i32
          %jit3A_1498 = arith.constant 3 : i32
          %div3A_1499 = arith.divsi %add3A_1497, %jit3A_1498 : i32
          %sign3A_1500 = arith.constant 0 : i32
          %sign3A_1501 = arith.cmpi sgt, %add3A_1497, %sign3A_1500 : i32
          %sign3A_1502 = arith.extui %sign3A_1501 : i1 to i32
          %sign3A_1503 = arith.constant 0 : i32
          %sign3A_1504 = arith.cmpi slt, %add3A_1497, %sign3A_1503 : i32
          %sign3A_1505 = arith.extui %sign3A_1504 : i1 to i32
          %sign3A_1506 = arith.subi %sign3A_1502, %sign3A_1505 : i32
          %sign3A_1507 = arith.constant 0 : i32
          %sign3A_1508 = arith.cmpi sgt, %jit3A_1498, %sign3A_1507 : i32
          %sign3A_1509 = arith.extui %sign3A_1508 : i1 to i32
          %sign3A_1510 = arith.constant 0 : i32
          %sign3A_1511 = arith.cmpi slt, %jit3A_1498, %sign3A_1510 : i32
          %sign3A_1512 = arith.extui %sign3A_1511 : i1 to i32
          %sign3A_1513 = arith.subi %sign3A_1509, %sign3A_1512 : i32
          %ne3A_1514 = arith.cmpi ne, %sign3A_1506, %sign3A_1513 : i32
          %rem3A_1515 = arith.remsi %add3A_1497, %jit3A_1498 : i32
          %ne3A_1516 = arith.constant 0 : i32
          %ne3A_1517 = arith.cmpi ne, %rem3A_1515, %ne3A_1516 : i32
          %and3A_1518 = arith.andi %ne3A_1514, %ne3A_1517 : i1
          %sub3A_1519 = arith.constant 1 : i32
          %sub3A_1520 = arith.subi %div3A_1499, %sub3A_1519 : i32
          %select_n3A_1521 = arith.select %and3A_1518, %sub3A_1520, %div3A_1499 : i32
          %mul3A_1522 = arith.constant 3 : i32
          %mul3A_1523 = arith.muli %select_n3A_1521, %mul3A_1522 : i32
          %sub3A_1524 = arith.subi %add3A_1497, %mul3A_1523 : i32
          %lt3A_1525 = arith.constant 2 : i32
          %lt3A_1526 = arith.cmpi slt, %select_n3A_1470, %lt3A_1525 : i32
          %mul3A_1527 = arith.constant 48 : i32
          %mul3A_1528 = arith.muli %mul3A_1527, %select_n3A_1470 : i32
          %mul3A_1529 = arith.constant 64 : i32
          %mul3A_1530 = arith.muli %mul3A_1529, %select_n3A_1470 : i32
          %sub3A_1531 = arith.constant 32 : i32
          %sub3A_1532 = arith.subi %mul3A_1530, %sub3A_1531 : i32
          %select_n3A_1533 = arith.select %lt3A_1526, %mul3A_1528, %sub3A_1532 : i32
          %lt3A_1534 = arith.constant 2 : i32
          %lt3A_1535 = arith.cmpi slt, %select_n3A_1470, %lt3A_1534 : i32
          %convert_element_type3A_1536 = arith.extui %lt3A_1535 : i1 to i32
          %cond3A_1537 = arith.constant 0 : i32
          %cond3A_1538 = arith.cmpi ne, %convert_element_type3A_1536, %cond3A_1537 : i32
          scf.if %cond3A_1538 {
            %dma_wait3A_1544 = arith.constant 0 : i32
            %dma_wait3A_1545 = arith.constant 0 : i32
            %dma_wait3A_1546 = tpu.memref_slice %arg9[%dma_wait3A_1544, %dma_wait3A_1545] : memref<64x224xf32, #tpu.memory_space<vmem>> -> memref<48x224xf32, #tpu.memory_space<vmem>>
            %dma_wait3A_1547 = arith.constant 0 : i32
            %dma_wait3A_1548 = tpu.memref_slice %arg5[%select_n3A_1521, %sub3A_1524, %select_n3A_1533, %dma_wait3A_1547] : memref<256x3x224x224xf32, #tpu.memory_space<hbm>> -> memref<1x1x48x224xf32, #tpu.memory_space<hbm>>
            %dma_wait3A_1549 = tpu.memref_squeeze %dma_wait3A_1548 : memref<1x1x48x224xf32, #tpu.memory_space<hbm>> -> memref<48x224xf32, #tpu.memory_space<hbm>>
            %dma_wait3A_1550 = arith.constant 0 : i32
            %dma_wait3A_1551 = tpu.memref_slice %arg5[%select_n3A_1521, %sub3A_1524, %select_n3A_1533, %dma_wait3A_1550] : memref<256x3x224x224xf32, #tpu.memory_space<hbm>> -> memref<1x1x48x224xf32, #tpu.memory_space<hbm>>
            %dma_wait3A_1552 = tpu.memref_squeeze %dma_wait3A_1551 : memref<1x1x48x224xf32, #tpu.memory_space<hbm>> -> memref<48x224xf32, #tpu.memory_space<hbm>>
            %dma_wait3A_1553 = arith.constant 0 : i32
            %dma_wait3A_1554 = arith.constant 0 : i32
            %dma_wait3A_1555 = tpu.memref_slice %arg9[%dma_wait3A_1553, %dma_wait3A_1554] : memref<64x224xf32, #tpu.memory_space<vmem>> -> memref<48x224xf32, #tpu.memory_space<vmem>>
            tpu.wait_dma2 semaphore(%arg28 : memref<!tpu.dma_semaphore, #tpu.memory_space<semaphore_mem>>) src(%dma_wait3A_1555 : memref<48x224xf32, #tpu.memory_space<vmem>>) dst(%dma_wait3A_1552 : memref<48x224xf32, #tpu.memory_space<hbm>>)
          } else {
          }
          %ge3A_1539 = arith.constant 2 : i32
          %ge3A_1540 = arith.cmpi sge, %select_n3A_1470, %ge3A_1539 : i32
          %convert_element_type3A_1541 = arith.extui %ge3A_1540 : i1 to i32
          %cond3A_1542 = arith.constant 0 : i32
          %cond3A_1543 = arith.cmpi ne, %convert_element_type3A_1541, %cond3A_1542 : i32
          scf.if %cond3A_1543 {
            %dma_wait3A_1544 = arith.constant 0 : i32
            %dma_wait3A_1545 = tpu.memref_slice %arg5[%select_n3A_1521, %sub3A_1524, %select_n3A_1533, %dma_wait3A_1544] : memref<256x3x224x224xf32, #tpu.memory_space<hbm>> -> memref<1x1x64x224xf32, #tpu.memory_space<hbm>>
            %dma_wait3A_1546 = tpu.memref_squeeze %dma_wait3A_1545 : memref<1x1x64x224xf32, #tpu.memory_space<hbm>> -> memref<64x224xf32, #tpu.memory_space<hbm>>
            %dma_wait3A_1547 = arith.constant 0 : i32
            %dma_wait3A_1548 = tpu.memref_slice %arg5[%select_n3A_1521, %sub3A_1524, %select_n3A_1533, %dma_wait3A_1547] : memref<256x3x224x224xf32, #tpu.memory_space<hbm>> -> memref<1x1x64x224xf32, #tpu.memory_space<hbm>>
            %dma_wait3A_1549 = tpu.memref_squeeze %dma_wait3A_1548 : memref<1x1x64x224xf32, #tpu.memory_space<hbm>> -> memref<64x224xf32, #tpu.memory_space<hbm>>
            tpu.wait_dma2 semaphore(%arg28 : memref<!tpu.dma_semaphore, #tpu.memory_space<semaphore_mem>>) src(%arg9 : memref<64x224xf32, #tpu.memory_space<vmem>>) dst(%dma_wait3A_1549 : memref<64x224xf32, #tpu.memory_space<hbm>>)
          } else {
          }
        } else {
        }
        %jit3A_1364 = arith.constant 4 : i32
        %eq3A_1365 = arith.constant 0 : i32
        %eq3A_1366 = arith.cmpi eq, %jit3A_1364, %eq3A_1365 : i32
        %jit3A_1367 = arith.constant 1 : i32
        %select_n3A_1368 = arith.select %eq3A_1366, %jit3A_1367, %jit3A_1364 : i32
        %rem3A_1369 = arith.remsi %add3A_534, %select_n3A_1368 : i32
        %ne3A_1370 = arith.constant 0 : i32
        %ne3A_1371 = arith.cmpi ne, %rem3A_1369, %ne3A_1370 : i32
        %lt3A_1372 = arith.constant 0 : i32
        %lt3A_1373 = arith.cmpi slt, %rem3A_1369, %lt3A_1372 : i32
        %lt3A_1374 = arith.constant 0 : i32
        %lt3A_1375 = arith.cmpi slt, %select_n3A_1368, %lt3A_1374 : i32
        %ne3A_1376 = arith.xori %lt3A_1373, %lt3A_1375 : i1
        %and3A_1377 = arith.andi %ne3A_1376, %ne3A_1371 : i1
        %add3A_1378 = arith.addi %rem3A_1369, %select_n3A_1368 : i32
        %select_n3A_1379 = arith.select %and3A_1377, %add3A_1378, %rem3A_1369 : i32
        %mul3A_1380 = arith.constant 24 : i32
        %mul3A_1381 = arith.muli %add3A, %mul3A_1380 : i32
        %jit3A_1382 = arith.constant 4 : i32
        %div3A_1383 = arith.divsi %add3A_534, %jit3A_1382 : i32
        %sign3A_1384 = arith.constant 0 : i32
        %sign3A_1385 = arith.cmpi sgt, %add3A_534, %sign3A_1384 : i32
        %sign3A_1386 = arith.extui %sign3A_1385 : i1 to i32
        %sign3A_1387 = arith.constant 0 : i32
        %sign3A_1388 = arith.cmpi slt, %add3A_534, %sign3A_1387 : i32
        %sign3A_1389 = arith.extui %sign3A_1388 : i1 to i32
        %sign3A_1390 = arith.subi %sign3A_1386, %sign3A_1389 : i32
        %sign3A_1391 = arith.constant 0 : i32
        %sign3A_1392 = arith.cmpi sgt, %jit3A_1382, %sign3A_1391 : i32
        %sign3A_1393 = arith.extui %sign3A_1392 : i1 to i32
        %sign3A_1394 = arith.constant 0 : i32
        %sign3A_1395 = arith.cmpi slt, %jit3A_1382, %sign3A_1394 : i32
        %sign3A_1396 = arith.extui %sign3A_1395 : i1 to i32
        %sign3A_1397 = arith.subi %sign3A_1393, %sign3A_1396 : i32
        %ne3A_1398 = arith.cmpi ne, %sign3A_1390, %sign3A_1397 : i32
        %rem3A_1399 = arith.remsi %add3A_534, %jit3A_1382 : i32
        %ne3A_1400 = arith.constant 0 : i32
        %ne3A_1401 = arith.cmpi ne, %rem3A_1399, %ne3A_1400 : i32
        %and3A_1402 = arith.andi %ne3A_1398, %ne3A_1401 : i1
        %sub3A_1403 = arith.constant 1 : i32
        %sub3A_1404 = arith.subi %div3A_1383, %sub3A_1403 : i32
        %select_n3A_1405 = arith.select %and3A_1402, %sub3A_1404, %div3A_1383 : i32
        %add3A_1406 = arith.addi %mul3A_1381, %select_n3A_1405 : i32
        %jit3A_1407 = arith.constant 3 : i32
        %div3A_1408 = arith.divsi %add3A_1406, %jit3A_1407 : i32
        %sign3A_1409 = arith.constant 0 : i32
        %sign3A_1410 = arith.cmpi sgt, %add3A_1406, %sign3A_1409 : i32
        %sign3A_1411 = arith.extui %sign3A_1410 : i1 to i32
        %sign3A_1412 = arith.constant 0 : i32
        %sign3A_1413 = arith.cmpi slt, %add3A_1406, %sign3A_1412 : i32
        %sign3A_1414 = arith.extui %sign3A_1413 : i1 to i32
        %sign3A_1415 = arith.subi %sign3A_1411, %sign3A_1414 : i32
        %sign3A_1416 = arith.constant 0 : i32
        %sign3A_1417 = arith.cmpi sgt, %jit3A_1407, %sign3A_1416 : i32
        %sign3A_1418 = arith.extui %sign3A_1417 : i1 to i32
        %sign3A_1419 = arith.constant 0 : i32
        %sign3A_1420 = arith.cmpi slt, %jit3A_1407, %sign3A_1419 : i32
        %sign3A_1421 = arith.extui %sign3A_1420 : i1 to i32
        %sign3A_1422 = arith.subi %sign3A_1418, %sign3A_1421 : i32
        %ne3A_1423 = arith.cmpi ne, %sign3A_1415, %sign3A_1422 : i32
        %rem3A_1424 = arith.remsi %add3A_1406, %jit3A_1407 : i32
        %ne3A_1425 = arith.constant 0 : i32
        %ne3A_1426 = arith.cmpi ne, %rem3A_1424, %ne3A_1425 : i32
        %and3A_1427 = arith.andi %ne3A_1423, %ne3A_1426 : i1
        %sub3A_1428 = arith.constant 1 : i32
        %sub3A_1429 = arith.subi %div3A_1408, %sub3A_1428 : i32
        %select_n3A_1430 = arith.select %and3A_1427, %sub3A_1429, %div3A_1408 : i32
        %mul3A_1431 = arith.constant 3 : i32
        %mul3A_1432 = arith.muli %select_n3A_1430, %mul3A_1431 : i32
        %sub3A_1433 = arith.subi %add3A_1406, %mul3A_1432 : i32
        %lt3A_1434 = arith.constant 2 : i32
        %lt3A_1435 = arith.cmpi slt, %select_n3A_1379, %lt3A_1434 : i32
        %mul3A_1436 = arith.constant 48 : i32
        %mul3A_1437 = arith.muli %mul3A_1436, %select_n3A_1379 : i32
        %mul3A_1438 = arith.constant 64 : i32
        %mul3A_1439 = arith.muli %mul3A_1438, %select_n3A_1379 : i32
        %sub3A_1440 = arith.constant 32 : i32
        %sub3A_1441 = arith.subi %mul3A_1439, %sub3A_1440 : i32
        %select_n3A_1442 = arith.select %lt3A_1435, %mul3A_1437, %sub3A_1441 : i32
        %lt3A_1443 = arith.constant 2 : i32
        %lt3A_1444 = arith.cmpi slt, %select_n3A_1379, %lt3A_1443 : i32
        %convert_element_type3A_1445 = arith.extui %lt3A_1444 : i1 to i32
        %cond3A_1446 = arith.constant 0 : i32
        %cond3A_1447 = arith.cmpi ne, %convert_element_type3A_1445, %cond3A_1446 : i32
        scf.if %cond3A_1447 {
          %dma_start3A_1453 = arith.constant 0 : i32
          %dma_start3A_1454 = arith.constant 0 : i32
          %dma_start3A_1455 = tpu.memref_slice %arg9[%dma_start3A_1453, %dma_start3A_1454] : memref<64x224xf32, #tpu.memory_space<vmem>> -> memref<48x224xf32, #tpu.memory_space<vmem>>
          %dma_start3A_1456 = arith.constant 0 : i32
          %dma_start3A_1457 = tpu.memref_slice %arg2[%select_n3A_1430, %sub3A_1433, %select_n3A_1442, %dma_start3A_1456] : memref<256x3x224x224xf32, #tpu.memory_space<hbm>> -> memref<1x1x48x224xf32, #tpu.memory_space<hbm>>
          %dma_start3A_1458 = tpu.memref_squeeze %dma_start3A_1457 : memref<1x1x48x224xf32, #tpu.memory_space<hbm>> -> memref<48x224xf32, #tpu.memory_space<hbm>>
          %dma_start3A_1459 = arith.constant 0 : i32
          %dma_start3A_1460 = arith.constant 0 : i32
          %dma_start3A_1461 = tpu.memref_slice %arg9[%dma_start3A_1459, %dma_start3A_1460] : memref<64x224xf32, #tpu.memory_space<vmem>> -> memref<48x224xf32, #tpu.memory_space<vmem>>
          %dma_start3A_1462 = arith.constant 0 : i32
          %dma_start3A_1463 = tpu.memref_slice %arg2[%select_n3A_1430, %sub3A_1433, %select_n3A_1442, %dma_start3A_1462] : memref<256x3x224x224xf32, #tpu.memory_space<hbm>> -> memref<1x1x48x224xf32, #tpu.memory_space<hbm>>
          %dma_start3A_1464 = tpu.memref_squeeze %dma_start3A_1463 : memref<1x1x48x224xf32, #tpu.memory_space<hbm>> -> memref<48x224xf32, #tpu.memory_space<hbm>>
          tpu.enqueue_dma source(%dma_start3A_1464 : memref<48x224xf32, #tpu.memory_space<hbm>>) target(%dma_start3A_1461 : memref<48x224xf32, #tpu.memory_space<vmem>>) target_semaphore(%arg20 : memref<!tpu.dma_semaphore, #tpu.memory_space<semaphore_mem>>)
        } else {
        }
        %ge3A_1448 = arith.constant 2 : i32
        %ge3A_1449 = arith.cmpi sge, %select_n3A_1379, %ge3A_1448 : i32
        %convert_element_type3A_1450 = arith.extui %ge3A_1449 : i1 to i32
        %cond3A_1451 = arith.constant 0 : i32
        %cond3A_1452 = arith.cmpi ne, %convert_element_type3A_1450, %cond3A_1451 : i32
        scf.if %cond3A_1452 {
          %dma_start3A_1453 = arith.constant 0 : i32
          %dma_start3A_1454 = tpu.memref_slice %arg2[%select_n3A_1430, %sub3A_1433, %select_n3A_1442, %dma_start3A_1453] : memref<256x3x224x224xf32, #tpu.memory_space<hbm>> -> memref<1x1x64x224xf32, #tpu.memory_space<hbm>>
          %dma_start3A_1455 = tpu.memref_squeeze %dma_start3A_1454 : memref<1x1x64x224xf32, #tpu.memory_space<hbm>> -> memref<64x224xf32, #tpu.memory_space<hbm>>
          %dma_start3A_1456 = arith.constant 0 : i32
          %dma_start3A_1457 = tpu.memref_slice %arg2[%select_n3A_1430, %sub3A_1433, %select_n3A_1442, %dma_start3A_1456] : memref<256x3x224x224xf32, #tpu.memory_space<hbm>> -> memref<1x1x64x224xf32, #tpu.memory_space<hbm>>
          %dma_start3A_1458 = tpu.memref_squeeze %dma_start3A_1457 : memref<1x1x64x224xf32, #tpu.memory_space<hbm>> -> memref<64x224xf32, #tpu.memory_space<hbm>>
          tpu.enqueue_dma source(%dma_start3A_1458 : memref<64x224xf32, #tpu.memory_space<hbm>>) target(%arg9 : memref<64x224xf32, #tpu.memory_space<vmem>>) target_semaphore(%arg20 : memref<!tpu.dma_semaphore, #tpu.memory_space<semaphore_mem>>)
          %broadcast_in_dim3A = vector.broadcast %select_n3A_1430 : i32 to vector<16xi32>
          %gather3A = tpu.vector_load_idx %arg15[%broadcast_in_dim3A] : memref<256xi32, #tpu.memory_space<vmem>>[vector<16xi32>], vector<16xi32>,
          %reduce_max3A = arith.constant true
          %reduce_max3A_1459 = vector.broadcast %reduce_max3A : i1 to vector<16xi1>
          %reduce_max3A_1460 = arith.constant -2147483648 : i32
          %reduce_max3A_1461 = vector.broadcast %reduce_max3A_1460 : i32 to vector<16xi32>
          %reduce_max3A_1462 = arith.xori %gather3A, %reduce_max3A_1461 : vector<16xi32>
          %reduce_max3A_1463 = tpu.scan <max>, %reduce_max3A_1462 masked %reduce_max3A_1459 : vector<16xi32>, vector<16xi1> -> vector<16xi32>
          %reduce_max3A_1464 = arith.xori %reduce_max3A_1463, %reduce_max3A_1461 : vector<16xi32>
          %reduce_max3A_1465 = vector.extract %reduce_max3A_1464[15] : i32 from vector<16xi32>
          %dma_start3A_1466 = arith.constant 0 : i32
          %dma_start3A_1467 = tpu.memref_slice %arg2[%reduce_max3A_1465, %sub3A_1433, %select_n3A_1442, %dma_start3A_1466] : memref<256x3x224x224xf32, #tpu.memory_space<hbm>> -> memref<1x1x64x128xf32, #tpu.memory_space<hbm>>
          %dma_start3A_1468 = tpu.memref_squeeze %dma_start3A_1467 : memref<1x1x64x128xf32, #tpu.memory_space<hbm>> -> memref<64x128xf32, #tpu.memory_space<hbm>>
          %dma_start3A_1469 = arith.constant 0 : i32
          %dma_start3A_1470 = tpu.memref_slice %arg2[%reduce_max3A_1465, %sub3A_1433, %select_n3A_1442, %dma_start3A_1469] : memref<256x3x224x224xf32, #tpu.memory_space<hbm>> -> memref<1x1x64x128xf32, #tpu.memory_space<hbm>>
          %dma_start3A_1471 = tpu.memref_squeeze %dma_start3A_1470 : memref<1x1x64x128xf32, #tpu.memory_space<hbm>> -> memref<64x128xf32, #tpu.memory_space<hbm>>
          tpu.enqueue_dma source(%dma_start3A_1471 : memref<64x128xf32, #tpu.memory_space<hbm>>) target(%arg13 : memref<64x128xf32, #tpu.memory_space<vmem>>) target_semaphore(%arg24 : memref<!tpu.dma_semaphore, #tpu.memory_space<semaphore_mem>>)
        } else {
        }
      } else {
      }
      %mul3A_540 = arith.constant 4 : i32
      %mul3A_541 = arith.muli %scan3A_268, %mul3A_540 : i32
      %add3A_542 = arith.constant 1 : i32
      %add3A_543 = arith.addi %mul3A_541, %add3A_542 : i32
      %jit3A_544 = arith.constant 4 : i32
      %eq3A_545 = arith.constant 0 : i32
      %eq3A_546 = arith.cmpi eq, %jit3A_544, %eq3A_545 : i32
      %jit3A_547 = arith.constant 1 : i32
      %select_n3A_548 = arith.select %eq3A_546, %jit3A_547, %jit3A_544 : i32
      %rem3A_549 = arith.remsi %add3A_543, %select_n3A_548 : i32
      %ne3A_550 = arith.constant 0 : i32
      %ne3A_551 = arith.cmpi ne, %rem3A_549, %ne3A_550 : i32
      %lt3A_552 = arith.constant 0 : i32
      %lt3A_553 = arith.cmpi slt, %rem3A_549, %lt3A_552 : i32
      %lt3A_554 = arith.constant 0 : i32
      %lt3A_555 = arith.cmpi slt, %select_n3A_548, %lt3A_554 : i32
      %ne3A_556 = arith.xori %lt3A_553, %lt3A_555 : i1
      %and3A_557 = arith.andi %ne3A_556, %ne3A_551 : i1
      %add3A_558 = arith.addi %rem3A_549, %select_n3A_548 : i32
      %select_n3A_559 = arith.select %and3A_557, %add3A_558, %rem3A_549 : i32
      %mul3A_560 = arith.constant 24 : i32
      %mul3A_561 = arith.muli %add3A, %mul3A_560 : i32
      %jit3A_562 = arith.constant 4 : i32
      %div3A_563 = arith.divsi %add3A_543, %jit3A_562 : i32
      %sign3A_564 = arith.constant 0 : i32
      %sign3A_565 = arith.cmpi sgt, %add3A_543, %sign3A_564 : i32
      %sign3A_566 = arith.extui %sign3A_565 : i1 to i32
      %sign3A_567 = arith.constant 0 : i32
      %sign3A_568 = arith.cmpi slt, %add3A_543, %sign3A_567 : i32
      %sign3A_569 = arith.extui %sign3A_568 : i1 to i32
      %sign3A_570 = arith.subi %sign3A_566, %sign3A_569 : i32
      %sign3A_571 = arith.constant 0 : i32
      %sign3A_572 = arith.cmpi sgt, %jit3A_562, %sign3A_571 : i32
      %sign3A_573 = arith.extui %sign3A_572 : i1 to i32
      %sign3A_574 = arith.constant 0 : i32
      %sign3A_575 = arith.cmpi slt, %jit3A_562, %sign3A_574 : i32
      %sign3A_576 = arith.extui %sign3A_575 : i1 to i32
      %sign3A_577 = arith.subi %sign3A_573, %sign3A_576 : i32
      %ne3A_578 = arith.cmpi ne, %sign3A_570, %sign3A_577 : i32
      %rem3A_579 = arith.remsi %add3A_543, %jit3A_562 : i32
      %ne3A_580 = arith.constant 0 : i32
      %ne3A_581 = arith.cmpi ne, %rem3A_579, %ne3A_580 : i32
      %and3A_582 = arith.andi %ne3A_578, %ne3A_581 : i1
      %sub3A_583 = arith.constant 1 : i32
      %sub3A_584 = arith.subi %div3A_563, %sub3A_583 : i32
      %select_n3A_585 = arith.select %and3A_582, %sub3A_584, %div3A_563 : i32
      %add3A_586 = arith.addi %mul3A_561, %select_n3A_585 : i32
      %jit3A_587 = arith.constant 3 : i32
      %div3A_588 = arith.divsi %add3A_586, %jit3A_587 : i32
      %sign3A_589 = arith.constant 0 : i32
      %sign3A_590 = arith.cmpi sgt, %add3A_586, %sign3A_589 : i32
      %sign3A_591 = arith.extui %sign3A_590 : i1 to i32
      %sign3A_592 = arith.constant 0 : i32
      %sign3A_593 = arith.cmpi slt, %add3A_586, %sign3A_592 : i32
      %sign3A_594 = arith.extui %sign3A_593 : i1 to i32
      %sign3A_595 = arith.subi %sign3A_591, %sign3A_594 : i32
      %sign3A_596 = arith.constant 0 : i32
      %sign3A_597 = arith.cmpi sgt, %jit3A_587, %sign3A_596 : i32
      %sign3A_598 = arith.extui %sign3A_597 : i1 to i32
      %sign3A_599 = arith.constant 0 : i32
      %sign3A_600 = arith.cmpi slt, %jit3A_587, %sign3A_599 : i32
      %sign3A_601 = arith.extui %sign3A_600 : i1 to i32
      %sign3A_602 = arith.subi %sign3A_598, %sign3A_601 : i32
      %ne3A_603 = arith.cmpi ne, %sign3A_595, %sign3A_602 : i32
      %rem3A_604 = arith.remsi %add3A_586, %jit3A_587 : i32
      %ne3A_605 = arith.constant 0 : i32
      %ne3A_606 = arith.cmpi ne, %rem3A_604, %ne3A_605 : i32
      %and3A_607 = arith.andi %ne3A_603, %ne3A_606 : i1
      %sub3A_608 = arith.constant 1 : i32
      %sub3A_609 = arith.subi %div3A_588, %sub3A_608 : i32
      %select_n3A_610 = arith.select %and3A_607, %sub3A_609, %div3A_588 : i32
      %mul3A_611 = arith.constant 3 : i32
      %mul3A_612 = arith.muli %select_n3A_610, %mul3A_611 : i32
      %sub3A_613 = arith.subi %add3A_586, %mul3A_612 : i32
      %lt3A_614 = arith.constant 2 : i32
      %lt3A_615 = arith.cmpi slt, %select_n3A_559, %lt3A_614 : i32
      %mul3A_616 = arith.constant 48 : i32
      %mul3A_617 = arith.muli %mul3A_616, %select_n3A_559 : i32
      %mul3A_618 = arith.constant 64 : i32
      %mul3A_619 = arith.muli %mul3A_618, %select_n3A_559 : i32
      %sub3A_620 = arith.constant 32 : i32
      %sub3A_621 = arith.subi %mul3A_619, %sub3A_620 : i32
      %select_n3A_622 = arith.select %lt3A_615, %mul3A_617, %sub3A_621 : i32
      %lt3A_623 = arith.constant 2 : i32
      %lt3A_624 = arith.cmpi slt, %select_n3A_559, %lt3A_623 : i32
      %convert_element_type3A_625 = arith.extui %lt3A_624 : i1 to i32
      %cond3A_626 = arith.constant 0 : i32
      %cond3A_627 = arith.cmpi ne, %convert_element_type3A_625, %cond3A_626 : i32
      scf.if %cond3A_627 {
        %dma_wait3A_1359 = arith.constant 0 : i32
        %dma_wait3A_1360 = arith.constant 0 : i32
        %dma_wait3A_1361 = tpu.memref_slice %arg8[%dma_wait3A_1359, %dma_wait3A_1360] : memref<64x224xf32, #tpu.memory_space<vmem>> -> memref<48x224xf32, #tpu.memory_space<vmem>>
        %dma_wait3A_1362 = arith.constant 0 : i32
        %dma_wait3A_1363 = tpu.memref_slice %arg2[%select_n3A_610, %sub3A_613, %select_n3A_622, %dma_wait3A_1362] : memref<256x3x224x224xf32, #tpu.memory_space<hbm>> -> memref<1x1x48x224xf32, #tpu.memory_space<hbm>>
        %dma_wait3A_1364 = tpu.memref_squeeze %dma_wait3A_1363 : memref<1x1x48x224xf32, #tpu.memory_space<hbm>> -> memref<48x224xf32, #tpu.memory_space<hbm>>
        %dma_wait3A_1365 = arith.constant 0 : i32
        %dma_wait3A_1366 = arith.constant 0 : i32
        %dma_wait3A_1367 = tpu.memref_slice %arg8[%dma_wait3A_1365, %dma_wait3A_1366] : memref<64x224xf32, #tpu.memory_space<vmem>> -> memref<48x224xf32, #tpu.memory_space<vmem>>
        %dma_wait3A_1368 = arith.constant 0 : i32
        %dma_wait3A_1369 = tpu.memref_slice %arg2[%select_n3A_610, %sub3A_613, %select_n3A_622, %dma_wait3A_1368] : memref<256x3x224x224xf32, #tpu.memory_space<hbm>> -> memref<1x1x48x224xf32, #tpu.memory_space<hbm>>
        %dma_wait3A_1370 = tpu.memref_squeeze %dma_wait3A_1369 : memref<1x1x48x224xf32, #tpu.memory_space<hbm>> -> memref<48x224xf32, #tpu.memory_space<hbm>>
        tpu.wait_dma2 semaphore(%arg19 : memref<!tpu.dma_semaphore, #tpu.memory_space<semaphore_mem>>) src(%dma_wait3A_1370 : memref<48x224xf32, #tpu.memory_space<hbm>>) dst(%dma_wait3A_1367 : memref<48x224xf32, #tpu.memory_space<vmem>>)
      } else {
      }
      %ge3A_628 = arith.constant 2 : i32
      %ge3A_629 = arith.cmpi sge, %select_n3A_559, %ge3A_628 : i32
      %convert_element_type3A_630 = arith.extui %ge3A_629 : i1 to i32
      %cond3A_631 = arith.constant 0 : i32
      %cond3A_632 = arith.cmpi ne, %convert_element_type3A_630, %cond3A_631 : i32
      scf.if %cond3A_632 {
        %dma_wait3A_1359 = arith.constant 0 : i32
        %dma_wait3A_1360 = tpu.memref_slice %arg2[%select_n3A_610, %sub3A_613, %select_n3A_622, %dma_wait3A_1359] : memref<256x3x224x224xf32, #tpu.memory_space<hbm>> -> memref<1x1x64x224xf32, #tpu.memory_space<hbm>>
        %dma_wait3A_1361 = tpu.memref_squeeze %dma_wait3A_1360 : memref<1x1x64x224xf32, #tpu.memory_space<hbm>> -> memref<64x224xf32, #tpu.memory_space<hbm>>
        %dma_wait3A_1362 = arith.constant 0 : i32
        %dma_wait3A_1363 = tpu.memref_slice %arg2[%select_n3A_610, %sub3A_613, %select_n3A_622, %dma_wait3A_1362] : memref<256x3x224x224xf32, #tpu.memory_space<hbm>> -> memref<1x1x64x224xf32, #tpu.memory_space<hbm>>
        %dma_wait3A_1364 = tpu.memref_squeeze %dma_wait3A_1363 : memref<1x1x64x224xf32, #tpu.memory_space<hbm>> -> memref<64x224xf32, #tpu.memory_space<hbm>>
        tpu.wait_dma2 semaphore(%arg19 : memref<!tpu.dma_semaphore, #tpu.memory_space<semaphore_mem>>) src(%dma_wait3A_1364 : memref<64x224xf32, #tpu.memory_space<hbm>>) dst(%arg8 : memref<64x224xf32, #tpu.memory_space<vmem>>)
        %broadcast_in_dim3A = vector.broadcast %select_n3A_610 : i32 to vector<16xi32>
        %gather3A = tpu.vector_load_idx %arg15[%broadcast_in_dim3A] : memref<256xi32, #tpu.memory_space<vmem>>[vector<16xi32>], vector<16xi32>,
        %reduce_max3A = arith.constant true
        %reduce_max3A_1365 = vector.broadcast %reduce_max3A : i1 to vector<16xi1>
        %reduce_max3A_1366 = arith.constant -2147483648 : i32
        %reduce_max3A_1367 = vector.broadcast %reduce_max3A_1366 : i32 to vector<16xi32>
        %reduce_max3A_1368 = arith.xori %gather3A, %reduce_max3A_1367 : vector<16xi32>
        %reduce_max3A_1369 = tpu.scan <max>, %reduce_max3A_1368 masked %reduce_max3A_1365 : vector<16xi32>, vector<16xi1> -> vector<16xi32>
        %reduce_max3A_1370 = arith.xori %reduce_max3A_1369, %reduce_max3A_1367 : vector<16xi32>
        %reduce_max3A_1371 = vector.extract %reduce_max3A_1370[15] : i32 from vector<16xi32>
        %dma_wait3A_1372 = arith.constant 0 : i32
        %dma_wait3A_1373 = tpu.memref_slice %arg2[%reduce_max3A_1371, %sub3A_613, %select_n3A_622, %dma_wait3A_1372] : memref<256x3x224x224xf32, #tpu.memory_space<hbm>> -> memref<1x1x64x128xf32, #tpu.memory_space<hbm>>
        %dma_wait3A_1374 = tpu.memref_squeeze %dma_wait3A_1373 : memref<1x1x64x128xf32, #tpu.memory_space<hbm>> -> memref<64x128xf32, #tpu.memory_space<hbm>>
        %dma_wait3A_1375 = arith.constant 0 : i32
        %dma_wait3A_1376 = tpu.memref_slice %arg2[%reduce_max3A_1371, %sub3A_613, %select_n3A_622, %dma_wait3A_1375] : memref<256x3x224x224xf32, #tpu.memory_space<hbm>> -> memref<1x1x64x128xf32, #tpu.memory_space<hbm>>
        %dma_wait3A_1377 = tpu.memref_squeeze %dma_wait3A_1376 : memref<1x1x64x128xf32, #tpu.memory_space<hbm>> -> memref<64x128xf32, #tpu.memory_space<hbm>>
        tpu.wait_dma2 semaphore(%arg23 : memref<!tpu.dma_semaphore, #tpu.memory_space<semaphore_mem>>) src(%dma_wait3A_1377 : memref<64x128xf32, #tpu.memory_space<hbm>>) dst(%arg12 : memref<64x128xf32, #tpu.memory_space<vmem>>)
      } else {
      }
      %jit3A_633 = arith.constant 4 : i32
      %eq3A_634 = arith.constant 0 : i32
      %eq3A_635 = arith.cmpi eq, %jit3A_633, %eq3A_634 : i32
      %jit3A_636 = arith.constant 1 : i32
      %select_n3A_637 = arith.select %eq3A_635, %jit3A_636, %jit3A_633 : i32
      %rem3A_638 = arith.remsi %add3A_543, %select_n3A_637 : i32
      %ne3A_639 = arith.constant 0 : i32
      %ne3A_640 = arith.cmpi ne, %rem3A_638, %ne3A_639 : i32
      %lt3A_641 = arith.constant 0 : i32
      %lt3A_642 = arith.cmpi slt, %rem3A_638, %lt3A_641 : i32
      %lt3A_643 = arith.constant 0 : i32
      %lt3A_644 = arith.cmpi slt, %select_n3A_637, %lt3A_643 : i32
      %ne3A_645 = arith.xori %lt3A_642, %lt3A_644 : i1
      %and3A_646 = arith.andi %ne3A_645, %ne3A_640 : i1
      %add3A_647 = arith.addi %rem3A_638, %select_n3A_637 : i32
      %select_n3A_648 = arith.select %and3A_646, %add3A_647, %rem3A_638 : i32
      %mul3A_649 = arith.constant 24 : i32
      %mul3A_650 = arith.muli %add3A, %mul3A_649 : i32
      %jit3A_651 = arith.constant 4 : i32
      %div3A_652 = arith.divsi %add3A_543, %jit3A_651 : i32
      %sign3A_653 = arith.constant 0 : i32
      %sign3A_654 = arith.cmpi sgt, %add3A_543, %sign3A_653 : i32
      %sign3A_655 = arith.extui %sign3A_654 : i1 to i32
      %sign3A_656 = arith.constant 0 : i32
      %sign3A_657 = arith.cmpi slt, %add3A_543, %sign3A_656 : i32
      %sign3A_658 = arith.extui %sign3A_657 : i1 to i32
      %sign3A_659 = arith.subi %sign3A_655, %sign3A_658 : i32
      %sign3A_660 = arith.constant 0 : i32
      %sign3A_661 = arith.cmpi sgt, %jit3A_651, %sign3A_660 : i32
      %sign3A_662 = arith.extui %sign3A_661 : i1 to i32
      %sign3A_663 = arith.constant 0 : i32
      %sign3A_664 = arith.cmpi slt, %jit3A_651, %sign3A_663 : i32
      %sign3A_665 = arith.extui %sign3A_664 : i1 to i32
      %sign3A_666 = arith.subi %sign3A_662, %sign3A_665 : i32
      %ne3A_667 = arith.cmpi ne, %sign3A_659, %sign3A_666 : i32
      %rem3A_668 = arith.remsi %add3A_543, %jit3A_651 : i32
      %ne3A_669 = arith.constant 0 : i32
      %ne3A_670 = arith.cmpi ne, %rem3A_668, %ne3A_669 : i32
      %and3A_671 = arith.andi %ne3A_667, %ne3A_670 : i1
      %sub3A_672 = arith.constant 1 : i32
      %sub3A_673 = arith.subi %div3A_652, %sub3A_672 : i32
      %select_n3A_674 = arith.select %and3A_671, %sub3A_673, %div3A_652 : i32
      %add3A_675 = arith.addi %mul3A_650, %select_n3A_674 : i32
      %jit3A_676 = arith.constant 3 : i32
      %div3A_677 = arith.divsi %add3A_675, %jit3A_676 : i32
      %sign3A_678 = arith.constant 0 : i32
      %sign3A_679 = arith.cmpi sgt, %add3A_675, %sign3A_678 : i32
      %sign3A_680 = arith.extui %sign3A_679 : i1 to i32
      %sign3A_681 = arith.constant 0 : i32
      %sign3A_682 = arith.cmpi slt, %add3A_675, %sign3A_681 : i32
      %sign3A_683 = arith.extui %sign3A_682 : i1 to i32
      %sign3A_684 = arith.subi %sign3A_680, %sign3A_683 : i32
      %sign3A_685 = arith.constant 0 : i32
      %sign3A_686 = arith.cmpi sgt, %jit3A_676, %sign3A_685 : i32
      %sign3A_687 = arith.extui %sign3A_686 : i1 to i32
      %sign3A_688 = arith.constant 0 : i32
      %sign3A_689 = arith.cmpi slt, %jit3A_676, %sign3A_688 : i32
      %sign3A_690 = arith.extui %sign3A_689 : i1 to i32
      %sign3A_691 = arith.subi %sign3A_687, %sign3A_690 : i32
      %ne3A_692 = arith.cmpi ne, %sign3A_684, %sign3A_691 : i32
      %rem3A_693 = arith.remsi %add3A_675, %jit3A_676 : i32
      %ne3A_694 = arith.constant 0 : i32
      %ne3A_695 = arith.cmpi ne, %rem3A_693, %ne3A_694 : i32
      %and3A_696 = arith.andi %ne3A_692, %ne3A_695 : i1
      %sub3A_697 = arith.constant 1 : i32
      %sub3A_698 = arith.subi %div3A_677, %sub3A_697 : i32
      %select_n3A_699 = arith.select %and3A_696, %sub3A_698, %div3A_677 : i32
      %mul3A_700 = arith.constant 3 : i32
      %mul3A_701 = arith.muli %select_n3A_699, %mul3A_700 : i32
      %sub3A_702 = arith.subi %add3A_675, %mul3A_701 : i32
      %lt3A_703 = arith.constant 2 : i32
      %lt3A_704 = arith.cmpi slt, %select_n3A_648, %lt3A_703 : i32
      %mul3A_705 = arith.constant 48 : i32
      %mul3A_706 = arith.muli %mul3A_705, %select_n3A_648 : i32
      %mul3A_707 = arith.constant 64 : i32
      %mul3A_708 = arith.muli %mul3A_707, %select_n3A_648 : i32
      %sub3A_709 = arith.constant 32 : i32
      %sub3A_710 = arith.subi %mul3A_708, %sub3A_709 : i32
      %select_n3A_711 = arith.select %lt3A_704, %mul3A_706, %sub3A_710 : i32
      %ge3A_712 = arith.constant 2 : i32
      %ge3A_713 = arith.cmpi sge, %select_n3A_648, %ge3A_712 : i32
      %convert_element_type3A_714 = arith.extui %ge3A_713 : i1 to i32
      %cond3A_715 = arith.constant 0 : i32
      %cond3A_716 = arith.cmpi ne, %convert_element_type3A_714, %cond3A_715 : i32
      scf.if %cond3A_716 {
        %eq3A_1359 = arith.constant 2 : i32
        %eq3A_1360 = arith.cmpi eq, %select_n3A_648, %eq3A_1359 : i32
        %jit3A_1361 = arith.constant 7 : i32
        %jit3A_1362 = arith.constant 0 : i32
        %select_n3A_1363 = arith.select %eq3A_1360, %jit3A_1361, %jit3A_1362 : i32
        %while3A = arith.constant 0 : i32
        %while3A_1364 = arith.constant 64 : i32
        %while3A_1365 = arith.subi %while3A_1364, %select_n3A_1363 : i32
        %while3A_1366 = arith.addi %select_n3A_1363, %while3A_1365 : i32
        %while3A_1367 = arith.constant 1 : i32
        %while3A_1368 = arith.divsi %while3A_1365, %while3A_1367 : i32
        %while3A_1369 = arith.muli %while3A_1368, %while3A_1367 : i32
        %while3A_1370 = arith.addi %select_n3A_1363, %while3A_1369 : i32
        %while3A_1371 = arith.constant 1 : i32
        scf.for %while3A_1373 = %select_n3A_1363 to %while3A_1370 step %while3A_1371  : i32 {
          %get3A = arith.index_cast %while3A_1373 : i32 to index
          %get3A_1374 = arith.constant 0 : index
          %get3A_1375 = tpu.vector_load %arg12[%get3A, %get3A_1374] {strides = array<i32>} : memref<64x128xf32, #tpu.memory_space<vmem>>, vector<16xf32>,
          %swap3A = arith.index_cast %while3A_1373 : i32 to index
          %swap3A_1376 = arith.constant 0 : index
          %swap3A_1377 = tpu.vector_load %arg8[%swap3A, %swap3A_1376] {strides = array<i32>} : memref<64x224xf32, #tpu.memory_space<vmem>>, vector<16xf32>,
          tpu.vector_store %arg8[%swap3A, %swap3A_1376], %get3A_1375 {strides = array<i32>} : memref<64x224xf32, #tpu.memory_space<vmem>>, vector<16xf32>,
          %get3A_1378 = arith.index_cast %while3A_1373 : i32 to index
          %get3A_1379 = arith.constant 16 : index
          %get3A_1380 = tpu.vector_load %arg12[%get3A_1378, %get3A_1379] {strides = array<i32>} : memref<64x128xf32, #tpu.memory_space<vmem>>, vector<16xf32>,
          %swap3A_1381 = arith.index_cast %while3A_1373 : i32 to index
          %swap3A_1382 = arith.constant 16 : index
          %swap3A_1383 = tpu.vector_load %arg8[%swap3A_1381, %swap3A_1382] {strides = array<i32>} : memref<64x224xf32, #tpu.memory_space<vmem>>, vector<16xf32>,
          tpu.vector_store %arg8[%swap3A_1381, %swap3A_1382], %get3A_1380 {strides = array<i32>} : memref<64x224xf32, #tpu.memory_space<vmem>>, vector<16xf32>,
          %get3A_1384 = arith.index_cast %while3A_1373 : i32 to index
          %get3A_1385 = arith.constant 32 : index
          %get3A_1386 = tpu.vector_load %arg12[%get3A_1384, %get3A_1385] {strides = array<i32>} : memref<64x128xf32, #tpu.memory_space<vmem>>, vector<16xf32>,
          %swap3A_1387 = arith.index_cast %while3A_1373 : i32 to index
          %swap3A_1388 = arith.constant 32 : index
          %swap3A_1389 = tpu.vector_load %arg8[%swap3A_1387, %swap3A_1388] {strides = array<i32>} : memref<64x224xf32, #tpu.memory_space<vmem>>, vector<16xf32>,
          tpu.vector_store %arg8[%swap3A_1387, %swap3A_1388], %get3A_1386 {strides = array<i32>} : memref<64x224xf32, #tpu.memory_space<vmem>>, vector<16xf32>,
          %get3A_1390 = arith.index_cast %while3A_1373 : i32 to index
          %get3A_1391 = arith.constant 48 : index
          %get3A_1392 = tpu.vector_load %arg12[%get3A_1390, %get3A_1391] {strides = array<i32>} : memref<64x128xf32, #tpu.memory_space<vmem>>, vector<16xf32>,
          %swap3A_1393 = arith.index_cast %while3A_1373 : i32 to index
          %swap3A_1394 = arith.constant 48 : index
          %swap3A_1395 = tpu.vector_load %arg8[%swap3A_1393, %swap3A_1394] {strides = array<i32>} : memref<64x224xf32, #tpu.memory_space<vmem>>, vector<16xf32>,
          tpu.vector_store %arg8[%swap3A_1393, %swap3A_1394], %get3A_1392 {strides = array<i32>} : memref<64x224xf32, #tpu.memory_space<vmem>>, vector<16xf32>,
          %get3A_1396 = arith.index_cast %while3A_1373 : i32 to index
          %get3A_1397 = arith.constant 64 : index
          %get3A_1398 = tpu.vector_load %arg12[%get3A_1396, %get3A_1397] {strides = array<i32>} : memref<64x128xf32, #tpu.memory_space<vmem>>, vector<16xf32>,
          %swap3A_1399 = arith.index_cast %while3A_1373 : i32 to index
          %swap3A_1400 = arith.constant 64 : index
          %swap3A_1401 = tpu.vector_load %arg8[%swap3A_1399, %swap3A_1400] {strides = array<i32>} : memref<64x224xf32, #tpu.memory_space<vmem>>, vector<16xf32>,
          tpu.vector_store %arg8[%swap3A_1399, %swap3A_1400], %get3A_1398 {strides = array<i32>} : memref<64x224xf32, #tpu.memory_space<vmem>>, vector<16xf32>,
          %get3A_1402 = arith.index_cast %while3A_1373 : i32 to index
          %get3A_1403 = arith.constant 80 : index
          %get3A_1404 = tpu.vector_load %arg12[%get3A_1402, %get3A_1403] {strides = array<i32>} : memref<64x128xf32, #tpu.memory_space<vmem>>, vector<16xf32>,
          %get3A_1405 = arith.index_cast %while3A_1373 : i32 to index
          %get3A_1406 = arith.constant 80 : index
          %get3A_1407 = tpu.vector_load %arg8[%get3A_1405, %get3A_1406] {strides = array<i32>} : memref<64x224xf32, #tpu.memory_space<vmem>>, vector<16xf32>,
          %lt3A_1408 = arith.constant 7 : i32
          %lt3A_1409 = vector.broadcast %lt3A_1408 : i32 to vector<16xi32>
          %lt3A_1410 = arith.cmpi slt, %iota3A, %lt3A_1409 : vector<16xi32>
          %select_n3A_1411 = arith.select %lt3A_1410, %get3A_1404, %get3A_1407 : vector<16xi1>, vector<16xf32>
          %swap3A_1412 = arith.index_cast %while3A_1373 : i32 to index
          %swap3A_1413 = arith.constant 80 : index
          %swap3A_1414 = tpu.vector_load %arg8[%swap3A_1412, %swap3A_1413] {strides = array<i32>} : memref<64x224xf32, #tpu.memory_space<vmem>>, vector<16xf32>,
          tpu.vector_store %arg8[%swap3A_1412, %swap3A_1413], %select_n3A_1411 {strides = array<i32>} : memref<64x224xf32, #tpu.memory_space<vmem>>, vector<16xf32>,
        }
        %while3A_1372 = arith.constant 1 : i32
        scf.for %while3A_1373 = %while3A_1370 to %while3A_1366 step %while3A_1372  : i32 {
          %get3A = arith.index_cast %while3A_1373 : i32 to index
          %get3A_1374 = arith.constant 0 : index
          %get3A_1375 = tpu.vector_load %arg12[%get3A, %get3A_1374] {strides = array<i32>} : memref<64x128xf32, #tpu.memory_space<vmem>>, vector<16xf32>,
          %swap3A = arith.index_cast %while3A_1373 : i32 to index
          %swap3A_1376 = arith.constant 0 : index
          %swap3A_1377 = tpu.vector_load %arg8[%swap3A, %swap3A_1376] {strides = array<i32>} : memref<64x224xf32, #tpu.memory_space<vmem>>, vector<16xf32>,
          tpu.vector_store %arg8[%swap3A, %swap3A_1376], %get3A_1375 {strides = array<i32>} : memref<64x224xf32, #tpu.memory_space<vmem>>, vector<16xf32>,
          %get3A_1378 = arith.index_cast %while3A_1373 : i32 to index
          %get3A_1379 = arith.constant 16 : index
          %get3A_1380 = tpu.vector_load %arg12[%get3A_1378, %get3A_1379] {strides = array<i32>} : memref<64x128xf32, #tpu.memory_space<vmem>>, vector<16xf32>,
          %swap3A_1381 = arith.index_cast %while3A_1373 : i32 to index
          %swap3A_1382 = arith.constant 16 : index
          %swap3A_1383 = tpu.vector_load %arg8[%swap3A_1381, %swap3A_1382] {strides = array<i32>} : memref<64x224xf32, #tpu.memory_space<vmem>>, vector<16xf32>,
          tpu.vector_store %arg8[%swap3A_1381, %swap3A_1382], %get3A_1380 {strides = array<i32>} : memref<64x224xf32, #tpu.memory_space<vmem>>, vector<16xf32>,
          %get3A_1384 = arith.index_cast %while3A_1373 : i32 to index
          %get3A_1385 = arith.constant 32 : index
          %get3A_1386 = tpu.vector_load %arg12[%get3A_1384, %get3A_1385] {strides = array<i32>} : memref<64x128xf32, #tpu.memory_space<vmem>>, vector<16xf32>,
          %swap3A_1387 = arith.index_cast %while3A_1373 : i32 to index
          %swap3A_1388 = arith.constant 32 : index
          %swap3A_1389 = tpu.vector_load %arg8[%swap3A_1387, %swap3A_1388] {strides = array<i32>} : memref<64x224xf32, #tpu.memory_space<vmem>>, vector<16xf32>,
          tpu.vector_store %arg8[%swap3A_1387, %swap3A_1388], %get3A_1386 {strides = array<i32>} : memref<64x224xf32, #tpu.memory_space<vmem>>, vector<16xf32>,
          %get3A_1390 = arith.index_cast %while3A_1373 : i32 to index
          %get3A_1391 = arith.constant 48 : index
          %get3A_1392 = tpu.vector_load %arg12[%get3A_1390, %get3A_1391] {strides = array<i32>} : memref<64x128xf32, #tpu.memory_space<vmem>>, vector<16xf32>,
          %swap3A_1393 = arith.index_cast %while3A_1373 : i32 to index
          %swap3A_1394 = arith.constant 48 : index
          %swap3A_1395 = tpu.vector_load %arg8[%swap3A_1393, %swap3A_1394] {strides = array<i32>} : memref<64x224xf32, #tpu.memory_space<vmem>>, vector<16xf32>,
          tpu.vector_store %arg8[%swap3A_1393, %swap3A_1394], %get3A_1392 {strides = array<i32>} : memref<64x224xf32, #tpu.memory_space<vmem>>, vector<16xf32>,
          %get3A_1396 = arith.index_cast %while3A_1373 : i32 to index
          %get3A_1397 = arith.constant 64 : index
          %get3A_1398 = tpu.vector_load %arg12[%get3A_1396, %get3A_1397] {strides = array<i32>} : memref<64x128xf32, #tpu.memory_space<vmem>>, vector<16xf32>,
          %swap3A_1399 = arith.index_cast %while3A_1373 : i32 to index
          %swap3A_1400 = arith.constant 64 : index
          %swap3A_1401 = tpu.vector_load %arg8[%swap3A_1399, %swap3A_1400] {strides = array<i32>} : memref<64x224xf32, #tpu.memory_space<vmem>>, vector<16xf32>,
          tpu.vector_store %arg8[%swap3A_1399, %swap3A_1400], %get3A_1398 {strides = array<i32>} : memref<64x224xf32, #tpu.memory_space<vmem>>, vector<16xf32>,
          %get3A_1402 = arith.index_cast %while3A_1373 : i32 to index
          %get3A_1403 = arith.constant 80 : index
          %get3A_1404 = tpu.vector_load %arg12[%get3A_1402, %get3A_1403] {strides = array<i32>} : memref<64x128xf32, #tpu.memory_space<vmem>>, vector<16xf32>,
          %get3A_1405 = arith.index_cast %while3A_1373 : i32 to index
          %get3A_1406 = arith.constant 80 : index
          %get3A_1407 = tpu.vector_load %arg8[%get3A_1405, %get3A_1406] {strides = array<i32>} : memref<64x224xf32, #tpu.memory_space<vmem>>, vector<16xf32>,
          %lt3A_1408 = arith.constant 7 : i32
          %lt3A_1409 = vector.broadcast %lt3A_1408 : i32 to vector<16xi32>
          %lt3A_1410 = arith.cmpi slt, %iota3A, %lt3A_1409 : vector<16xi32>
          %select_n3A_1411 = arith.select %lt3A_1410, %get3A_1404, %get3A_1407 : vector<16xi1>, vector<16xf32>
          %swap3A_1412 = arith.index_cast %while3A_1373 : i32 to index
          %swap3A_1413 = arith.constant 80 : index
          %swap3A_1414 = tpu.vector_load %arg8[%swap3A_1412, %swap3A_1413] {strides = array<i32>} : memref<64x224xf32, #tpu.memory_space<vmem>>, vector<16xf32>,
          tpu.vector_store %arg8[%swap3A_1412, %swap3A_1413], %select_n3A_1411 {strides = array<i32>} : memref<64x224xf32, #tpu.memory_space<vmem>>, vector<16xf32>,
        }
      } else {
      }
      %jit3A_717 = arith.constant 4 : i32
      %eq3A_718 = arith.constant 0 : i32
      %eq3A_719 = arith.cmpi eq, %jit3A_717, %eq3A_718 : i32
      %jit3A_720 = arith.constant 1 : i32
      %select_n3A_721 = arith.select %eq3A_719, %jit3A_720, %jit3A_717 : i32
      %rem3A_722 = arith.remsi %add3A_543, %select_n3A_721 : i32
      %ne3A_723 = arith.constant 0 : i32
      %ne3A_724 = arith.cmpi ne, %rem3A_722, %ne3A_723 : i32
      %lt3A_725 = arith.constant 0 : i32
      %lt3A_726 = arith.cmpi slt, %rem3A_722, %lt3A_725 : i32
      %lt3A_727 = arith.constant 0 : i32
      %lt3A_728 = arith.cmpi slt, %select_n3A_721, %lt3A_727 : i32
      %ne3A_729 = arith.xori %lt3A_726, %lt3A_728 : i1
      %and3A_730 = arith.andi %ne3A_729, %ne3A_724 : i1
      %add3A_731 = arith.addi %rem3A_722, %select_n3A_721 : i32
      %select_n3A_732 = arith.select %and3A_730, %add3A_731, %rem3A_722 : i32
      %mul3A_733 = arith.constant 24 : i32
      %mul3A_734 = arith.muli %add3A, %mul3A_733 : i32
      %jit3A_735 = arith.constant 4 : i32
      %div3A_736 = arith.divsi %add3A_543, %jit3A_735 : i32
      %sign3A_737 = arith.constant 0 : i32
      %sign3A_738 = arith.cmpi sgt, %add3A_543, %sign3A_737 : i32
      %sign3A_739 = arith.extui %sign3A_738 : i1 to i32
      %sign3A_740 = arith.constant 0 : i32
      %sign3A_741 = arith.cmpi slt, %add3A_543, %sign3A_740 : i32
      %sign3A_742 = arith.extui %sign3A_741 : i1 to i32
      %sign3A_743 = arith.subi %sign3A_739, %sign3A_742 : i32
      %sign3A_744 = arith.constant 0 : i32
      %sign3A_745 = arith.cmpi sgt, %jit3A_735, %sign3A_744 : i32
      %sign3A_746 = arith.extui %sign3A_745 : i1 to i32
      %sign3A_747 = arith.constant 0 : i32
      %sign3A_748 = arith.cmpi slt, %jit3A_735, %sign3A_747 : i32
      %sign3A_749 = arith.extui %sign3A_748 : i1 to i32
      %sign3A_750 = arith.subi %sign3A_746, %sign3A_749 : i32
      %ne3A_751 = arith.cmpi ne, %sign3A_743, %sign3A_750 : i32
      %rem3A_752 = arith.remsi %add3A_543, %jit3A_735 : i32
      %ne3A_753 = arith.constant 0 : i32
      %ne3A_754 = arith.cmpi ne, %rem3A_752, %ne3A_753 : i32
      %and3A_755 = arith.andi %ne3A_751, %ne3A_754 : i1
      %sub3A_756 = arith.constant 1 : i32
      %sub3A_757 = arith.subi %div3A_736, %sub3A_756 : i32
      %select_n3A_758 = arith.select %and3A_755, %sub3A_757, %div3A_736 : i32
      %add3A_759 = arith.addi %mul3A_734, %select_n3A_758 : i32
      %jit3A_760 = arith.constant 3 : i32
      %div3A_761 = arith.divsi %add3A_759, %jit3A_760 : i32
      %sign3A_762 = arith.constant 0 : i32
      %sign3A_763 = arith.cmpi sgt, %add3A_759, %sign3A_762 : i32
      %sign3A_764 = arith.extui %sign3A_763 : i1 to i32
      %sign3A_765 = arith.constant 0 : i32
      %sign3A_766 = arith.cmpi slt, %add3A_759, %sign3A_765 : i32
      %sign3A_767 = arith.extui %sign3A_766 : i1 to i32
      %sign3A_768 = arith.subi %sign3A_764, %sign3A_767 : i32
      %sign3A_769 = arith.constant 0 : i32
      %sign3A_770 = arith.cmpi sgt, %jit3A_760, %sign3A_769 : i32
      %sign3A_771 = arith.extui %sign3A_770 : i1 to i32
      %sign3A_772 = arith.constant 0 : i32
      %sign3A_773 = arith.cmpi slt, %jit3A_760, %sign3A_772 : i32
      %sign3A_774 = arith.extui %sign3A_773 : i1 to i32
      %sign3A_775 = arith.subi %sign3A_771, %sign3A_774 : i32
      %ne3A_776 = arith.cmpi ne, %sign3A_768, %sign3A_775 : i32
      %rem3A_777 = arith.remsi %add3A_759, %jit3A_760 : i32
      %ne3A_778 = arith.constant 0 : i32
      %ne3A_779 = arith.cmpi ne, %rem3A_777, %ne3A_778 : i32
      %and3A_780 = arith.andi %ne3A_776, %ne3A_779 : i1
      %sub3A_781 = arith.constant 1 : i32
      %sub3A_782 = arith.subi %div3A_761, %sub3A_781 : i32
      %select_n3A_783 = arith.select %and3A_780, %sub3A_782, %div3A_761 : i32
      %mul3A_784 = arith.constant 3 : i32
      %mul3A_785 = arith.muli %select_n3A_783, %mul3A_784 : i32
      %sub3A_786 = arith.subi %add3A_759, %mul3A_785 : i32
      %lt3A_787 = arith.constant 2 : i32
      %lt3A_788 = arith.cmpi slt, %select_n3A_732, %lt3A_787 : i32
      %mul3A_789 = arith.constant 48 : i32
      %mul3A_790 = arith.muli %mul3A_789, %select_n3A_732 : i32
      %mul3A_791 = arith.constant 64 : i32
      %mul3A_792 = arith.muli %mul3A_791, %select_n3A_732 : i32
      %sub3A_793 = arith.constant 32 : i32
      %sub3A_794 = arith.subi %mul3A_792, %sub3A_793 : i32
      %select_n3A_795 = arith.select %lt3A_788, %mul3A_790, %sub3A_794 : i32
      %lt3A_796 = arith.constant 2 : i32
      %lt3A_797 = arith.cmpi slt, %select_n3A_732, %lt3A_796 : i32
      %convert_element_type3A_798 = arith.extui %lt3A_797 : i1 to i32
      %cond3A_799 = arith.constant 0 : i32
      %cond3A_800 = arith.cmpi ne, %convert_element_type3A_798, %cond3A_799 : i32
      scf.if %cond3A_800 {
        %dma_start3A_1359 = arith.constant 0 : i32
        %dma_start3A_1360 = arith.constant 0 : i32
        %dma_start3A_1361 = tpu.memref_slice %arg8[%dma_start3A_1359, %dma_start3A_1360] : memref<64x224xf32, #tpu.memory_space<vmem>> -> memref<48x224xf32, #tpu.memory_space<vmem>>
        %dma_start3A_1362 = arith.constant 0 : i32
        %dma_start3A_1363 = tpu.memref_slice %arg5[%select_n3A_783, %sub3A_786, %select_n3A_795, %dma_start3A_1362] : memref<256x3x224x224xf32, #tpu.memory_space<hbm>> -> memref<1x1x48x224xf32, #tpu.memory_space<hbm>>
        %dma_start3A_1364 = tpu.memref_squeeze %dma_start3A_1363 : memref<1x1x48x224xf32, #tpu.memory_space<hbm>> -> memref<48x224xf32, #tpu.memory_space<hbm>>
        %dma_start3A_1365 = arith.constant 0 : i32
        %dma_start3A_1366 = tpu.memref_slice %arg5[%select_n3A_783, %sub3A_786, %select_n3A_795, %dma_start3A_1365] : memref<256x3x224x224xf32, #tpu.memory_space<hbm>> -> memref<1x1x48x224xf32, #tpu.memory_space<hbm>>
        %dma_start3A_1367 = tpu.memref_squeeze %dma_start3A_1366 : memref<1x1x48x224xf32, #tpu.memory_space<hbm>> -> memref<48x224xf32, #tpu.memory_space<hbm>>
        %dma_start3A_1368 = arith.constant 0 : i32
        %dma_start3A_1369 = arith.constant 0 : i32
        %dma_start3A_1370 = tpu.memref_slice %arg8[%dma_start3A_1368, %dma_start3A_1369] : memref<64x224xf32, #tpu.memory_space<vmem>> -> memref<48x224xf32, #tpu.memory_space<vmem>>
        tpu.enqueue_dma source(%dma_start3A_1370 : memref<48x224xf32, #tpu.memory_space<vmem>>) target(%dma_start3A_1367 : memref<48x224xf32, #tpu.memory_space<hbm>>) target_semaphore(%arg27 : memref<!tpu.dma_semaphore, #tpu.memory_space<semaphore_mem>>)
      } else {
      }
      %ge3A_801 = arith.constant 2 : i32
      %ge3A_802 = arith.cmpi sge, %select_n3A_732, %ge3A_801 : i32
      %convert_element_type3A_803 = arith.extui %ge3A_802 : i1 to i32
      %cond3A_804 = arith.constant 0 : i32
      %cond3A_805 = arith.cmpi ne, %convert_element_type3A_803, %cond3A_804 : i32
      scf.if %cond3A_805 {
        %dma_start3A_1359 = arith.constant 0 : i32
        %dma_start3A_1360 = tpu.memref_slice %arg5[%select_n3A_783, %sub3A_786, %select_n3A_795, %dma_start3A_1359] : memref<256x3x224x224xf32, #tpu.memory_space<hbm>> -> memref<1x1x64x224xf32, #tpu.memory_space<hbm>>
        %dma_start3A_1361 = tpu.memref_squeeze %dma_start3A_1360 : memref<1x1x64x224xf32, #tpu.memory_space<hbm>> -> memref<64x224xf32, #tpu.memory_space<hbm>>
        %dma_start3A_1362 = arith.constant 0 : i32
        %dma_start3A_1363 = tpu.memref_slice %arg5[%select_n3A_783, %sub3A_786, %select_n3A_795, %dma_start3A_1362] : memref<256x3x224x224xf32, #tpu.memory_space<hbm>> -> memref<1x1x64x224xf32, #tpu.memory_space<hbm>>
        %dma_start3A_1364 = tpu.memref_squeeze %dma_start3A_1363 : memref<1x1x64x224xf32, #tpu.memory_space<hbm>> -> memref<64x224xf32, #tpu.memory_space<hbm>>
        tpu.enqueue_dma source(%arg8 : memref<64x224xf32, #tpu.memory_space<vmem>>) target(%dma_start3A_1364 : memref<64x224xf32, #tpu.memory_space<hbm>>) target_semaphore(%arg27 : memref<!tpu.dma_semaphore, #tpu.memory_space<semaphore_mem>>)
      } else {
      }
      %add3A_806 = arith.constant 2 : i32
      %add3A_807 = arith.addi %add3A_543, %add3A_806 : i32
      %lt3A_808 = arith.constant 96 : i32
      %lt3A_809 = arith.cmpi slt, %add3A_807, %lt3A_808 : i32
      %convert_element_type3A_810 = arith.extui %lt3A_809 : i1 to i32
      %cond3A_811 = arith.constant 0 : i32
      %cond3A_812 = arith.cmpi ne, %convert_element_type3A_810, %cond3A_811 : i32
      scf.if %cond3A_812 {
        %ge3A_1359 = arith.constant 4 : i32
        %ge3A_1360 = arith.cmpi sge, %add3A_807, %ge3A_1359 : i32
        %convert_element_type3A_1361 = arith.extui %ge3A_1360 : i1 to i32
        %cond3A_1362 = arith.constant 0 : i32
        %cond3A_1363 = arith.cmpi ne, %convert_element_type3A_1361, %cond3A_1362 : i32
        scf.if %cond3A_1363 {
          %sub3A_1453 = arith.constant 4 : i32
          %sub3A_1454 = arith.subi %add3A_807, %sub3A_1453 : i32
          %jit3A_1455 = arith.constant 4 : i32
          %eq3A_1456 = arith.constant 0 : i32
          %eq3A_1457 = arith.cmpi eq, %jit3A_1455, %eq3A_1456 : i32
          %jit3A_1458 = arith.constant 1 : i32
          %select_n3A_1459 = arith.select %eq3A_1457, %jit3A_1458, %jit3A_1455 : i32
          %rem3A_1460 = arith.remsi %sub3A_1454, %select_n3A_1459 : i32
          %ne3A_1461 = arith.constant 0 : i32
          %ne3A_1462 = arith.cmpi ne, %rem3A_1460, %ne3A_1461 : i32
          %lt3A_1463 = arith.constant 0 : i32
          %lt3A_1464 = arith.cmpi slt, %rem3A_1460, %lt3A_1463 : i32
          %lt3A_1465 = arith.constant 0 : i32
          %lt3A_1466 = arith.cmpi slt, %select_n3A_1459, %lt3A_1465 : i32
          %ne3A_1467 = arith.xori %lt3A_1464, %lt3A_1466 : i1
          %and3A_1468 = arith.andi %ne3A_1467, %ne3A_1462 : i1
          %add3A_1469 = arith.addi %rem3A_1460, %select_n3A_1459 : i32
          %select_n3A_1470 = arith.select %and3A_1468, %add3A_1469, %rem3A_1460 : i32
          %mul3A_1471 = arith.constant 24 : i32
          %mul3A_1472 = arith.muli %add3A, %mul3A_1471 : i32
          %jit3A_1473 = arith.constant 4 : i32
          %div3A_1474 = arith.divsi %sub3A_1454, %jit3A_1473 : i32
          %sign3A_1475 = arith.constant 0 : i32
          %sign3A_1476 = arith.cmpi sgt, %sub3A_1454, %sign3A_1475 : i32
          %sign3A_1477 = arith.extui %sign3A_1476 : i1 to i32
          %sign3A_1478 = arith.constant 0 : i32
          %sign3A_1479 = arith.cmpi slt, %sub3A_1454, %sign3A_1478 : i32
          %sign3A_1480 = arith.extui %sign3A_1479 : i1 to i32
          %sign3A_1481 = arith.subi %sign3A_1477, %sign3A_1480 : i32
          %sign3A_1482 = arith.constant 0 : i32
          %sign3A_1483 = arith.cmpi sgt, %jit3A_1473, %sign3A_1482 : i32
          %sign3A_1484 = arith.extui %sign3A_1483 : i1 to i32
          %sign3A_1485 = arith.constant 0 : i32
          %sign3A_1486 = arith.cmpi slt, %jit3A_1473, %sign3A_1485 : i32
          %sign3A_1487 = arith.extui %sign3A_1486 : i1 to i32
          %sign3A_1488 = arith.subi %sign3A_1484, %sign3A_1487 : i32
          %ne3A_1489 = arith.cmpi ne, %sign3A_1481, %sign3A_1488 : i32
          %rem3A_1490 = arith.remsi %sub3A_1454, %jit3A_1473 : i32
          %ne3A_1491 = arith.constant 0 : i32
          %ne3A_1492 = arith.cmpi ne, %rem3A_1490, %ne3A_1491 : i32
          %and3A_1493 = arith.andi %ne3A_1489, %ne3A_1492 : i1
          %sub3A_1494 = arith.constant 1 : i32
          %sub3A_1495 = arith.subi %div3A_1474, %sub3A_1494 : i32
          %select_n3A_1496 = arith.select %and3A_1493, %sub3A_1495, %div3A_1474 : i32
          %add3A_1497 = arith.addi %mul3A_1472, %select_n3A_1496 : i32
          %jit3A_1498 = arith.constant 3 : i32
          %div3A_1499 = arith.divsi %add3A_1497, %jit3A_1498 : i32
          %sign3A_1500 = arith.constant 0 : i32
          %sign3A_1501 = arith.cmpi sgt, %add3A_1497, %sign3A_1500 : i32
          %sign3A_1502 = arith.extui %sign3A_1501 : i1 to i32
          %sign3A_1503 = arith.constant 0 : i32
          %sign3A_1504 = arith.cmpi slt, %add3A_1497, %sign3A_1503 : i32
          %sign3A_1505 = arith.extui %sign3A_1504 : i1 to i32
          %sign3A_1506 = arith.subi %sign3A_1502, %sign3A_1505 : i32
          %sign3A_1507 = arith.constant 0 : i32
          %sign3A_1508 = arith.cmpi sgt, %jit3A_1498, %sign3A_1507 : i32
          %sign3A_1509 = arith.extui %sign3A_1508 : i1 to i32
          %sign3A_1510 = arith.constant 0 : i32
          %sign3A_1511 = arith.cmpi slt, %jit3A_1498, %sign3A_1510 : i32
          %sign3A_1512 = arith.extui %sign3A_1511 : i1 to i32
          %sign3A_1513 = arith.subi %sign3A_1509, %sign3A_1512 : i32
          %ne3A_1514 = arith.cmpi ne, %sign3A_1506, %sign3A_1513 : i32
          %rem3A_1515 = arith.remsi %add3A_1497, %jit3A_1498 : i32
          %ne3A_1516 = arith.constant 0 : i32
          %ne3A_1517 = arith.cmpi ne, %rem3A_1515, %ne3A_1516 : i32
          %and3A_1518 = arith.andi %ne3A_1514, %ne3A_1517 : i1
          %sub3A_1519 = arith.constant 1 : i32
          %sub3A_1520 = arith.subi %div3A_1499, %sub3A_1519 : i32
          %select_n3A_1521 = arith.select %and3A_1518, %sub3A_1520, %div3A_1499 : i32
          %mul3A_1522 = arith.constant 3 : i32
          %mul3A_1523 = arith.muli %select_n3A_1521, %mul3A_1522 : i32
          %sub3A_1524 = arith.subi %add3A_1497, %mul3A_1523 : i32
          %lt3A_1525 = arith.constant 2 : i32
          %lt3A_1526 = arith.cmpi slt, %select_n3A_1470, %lt3A_1525 : i32
          %mul3A_1527 = arith.constant 48 : i32
          %mul3A_1528 = arith.muli %mul3A_1527, %select_n3A_1470 : i32
          %mul3A_1529 = arith.constant 64 : i32
          %mul3A_1530 = arith.muli %mul3A_1529, %select_n3A_1470 : i32
          %sub3A_1531 = arith.constant 32 : i32
          %sub3A_1532 = arith.subi %mul3A_1530, %sub3A_1531 : i32
          %select_n3A_1533 = arith.select %lt3A_1526, %mul3A_1528, %sub3A_1532 : i32
          %lt3A_1534 = arith.constant 2 : i32
          %lt3A_1535 = arith.cmpi slt, %select_n3A_1470, %lt3A_1534 : i32
          %convert_element_type3A_1536 = arith.extui %lt3A_1535 : i1 to i32
          %cond3A_1537 = arith.constant 0 : i32
          %cond3A_1538 = arith.cmpi ne, %convert_element_type3A_1536, %cond3A_1537 : i32
          scf.if %cond3A_1538 {
            %dma_wait3A_1544 = arith.constant 0 : i32
            %dma_wait3A_1545 = arith.constant 0 : i32
            %dma_wait3A_1546 = tpu.memref_slice %arg10[%dma_wait3A_1544, %dma_wait3A_1545] : memref<64x224xf32, #tpu.memory_space<vmem>> -> memref<48x224xf32, #tpu.memory_space<vmem>>
            %dma_wait3A_1547 = arith.constant 0 : i32
            %dma_wait3A_1548 = tpu.memref_slice %arg5[%select_n3A_1521, %sub3A_1524, %select_n3A_1533, %dma_wait3A_1547] : memref<256x3x224x224xf32, #tpu.memory_space<hbm>> -> memref<1x1x48x224xf32, #tpu.memory_space<hbm>>
            %dma_wait3A_1549 = tpu.memref_squeeze %dma_wait3A_1548 : memref<1x1x48x224xf32, #tpu.memory_space<hbm>> -> memref<48x224xf32, #tpu.memory_space<hbm>>
            %dma_wait3A_1550 = arith.constant 0 : i32
            %dma_wait3A_1551 = tpu.memref_slice %arg5[%select_n3A_1521, %sub3A_1524, %select_n3A_1533, %dma_wait3A_1550] : memref<256x3x224x224xf32, #tpu.memory_space<hbm>> -> memref<1x1x48x224xf32, #tpu.memory_space<hbm>>
            %dma_wait3A_1552 = tpu.memref_squeeze %dma_wait3A_1551 : memref<1x1x48x224xf32, #tpu.memory_space<hbm>> -> memref<48x224xf32, #tpu.memory_space<hbm>>
            %dma_wait3A_1553 = arith.constant 0 : i32
            %dma_wait3A_1554 = arith.constant 0 : i32
            %dma_wait3A_1555 = tpu.memref_slice %arg10[%dma_wait3A_1553, %dma_wait3A_1554] : memref<64x224xf32, #tpu.memory_space<vmem>> -> memref<48x224xf32, #tpu.memory_space<vmem>>
            tpu.wait_dma2 semaphore(%arg29 : memref<!tpu.dma_semaphore, #tpu.memory_space<semaphore_mem>>) src(%dma_wait3A_1555 : memref<48x224xf32, #tpu.memory_space<vmem>>) dst(%dma_wait3A_1552 : memref<48x224xf32, #tpu.memory_space<hbm>>)
          } else {
          }
          %ge3A_1539 = arith.constant 2 : i32
          %ge3A_1540 = arith.cmpi sge, %select_n3A_1470, %ge3A_1539 : i32
          %convert_element_type3A_1541 = arith.extui %ge3A_1540 : i1 to i32
          %cond3A_1542 = arith.constant 0 : i32
          %cond3A_1543 = arith.cmpi ne, %convert_element_type3A_1541, %cond3A_1542 : i32
          scf.if %cond3A_1543 {
            %dma_wait3A_1544 = arith.constant 0 : i32
            %dma_wait3A_1545 = tpu.memref_slice %arg5[%select_n3A_1521, %sub3A_1524, %select_n3A_1533, %dma_wait3A_1544] : memref<256x3x224x224xf32, #tpu.memory_space<hbm>> -> memref<1x1x64x224xf32, #tpu.memory_space<hbm>>
            %dma_wait3A_1546 = tpu.memref_squeeze %dma_wait3A_1545 : memref<1x1x64x224xf32, #tpu.memory_space<hbm>> -> memref<64x224xf32, #tpu.memory_space<hbm>>
            %dma_wait3A_1547 = arith.constant 0 : i32
            %dma_wait3A_1548 = tpu.memref_slice %arg5[%select_n3A_1521, %sub3A_1524, %select_n3A_1533, %dma_wait3A_1547] : memref<256x3x224x224xf32, #tpu.memory_space<hbm>> -> memref<1x1x64x224xf32, #tpu.memory_space<hbm>>
            %dma_wait3A_1549 = tpu.memref_squeeze %dma_wait3A_1548 : memref<1x1x64x224xf32, #tpu.memory_space<hbm>> -> memref<64x224xf32, #tpu.memory_space<hbm>>
            tpu.wait_dma2 semaphore(%arg29 : memref<!tpu.dma_semaphore, #tpu.memory_space<semaphore_mem>>) src(%arg10 : memref<64x224xf32, #tpu.memory_space<vmem>>) dst(%dma_wait3A_1549 : memref<64x224xf32, #tpu.memory_space<hbm>>)
          } else {
          }
        } else {
        }
        %jit3A_1364 = arith.constant 4 : i32
        %eq3A_1365 = arith.constant 0 : i32
        %eq3A_1366 = arith.cmpi eq, %jit3A_1364, %eq3A_1365 : i32
        %jit3A_1367 = arith.constant 1 : i32
        %select_n3A_1368 = arith.select %eq3A_1366, %jit3A_1367, %jit3A_1364 : i32
        %rem3A_1369 = arith.remsi %add3A_807, %select_n3A_1368 : i32
        %ne3A_1370 = arith.constant 0 : i32
        %ne3A_1371 = arith.cmpi ne, %rem3A_1369, %ne3A_1370 : i32
        %lt3A_1372 = arith.constant 0 : i32
        %lt3A_1373 = arith.cmpi slt, %rem3A_1369, %lt3A_1372 : i32
        %lt3A_1374 = arith.constant 0 : i32
        %lt3A_1375 = arith.cmpi slt, %select_n3A_1368, %lt3A_1374 : i32
        %ne3A_1376 = arith.xori %lt3A_1373, %lt3A_1375 : i1
        %and3A_1377 = arith.andi %ne3A_1376, %ne3A_1371 : i1
        %add3A_1378 = arith.addi %rem3A_1369, %select_n3A_1368 : i32
        %select_n3A_1379 = arith.select %and3A_1377, %add3A_1378, %rem3A_1369 : i32
        %mul3A_1380 = arith.constant 24 : i32
        %mul3A_1381 = arith.muli %add3A, %mul3A_1380 : i32
        %jit3A_1382 = arith.constant 4 : i32
        %div3A_1383 = arith.divsi %add3A_807, %jit3A_1382 : i32
        %sign3A_1384 = arith.constant 0 : i32
        %sign3A_1385 = arith.cmpi sgt, %add3A_807, %sign3A_1384 : i32
        %sign3A_1386 = arith.extui %sign3A_1385 : i1 to i32
        %sign3A_1387 = arith.constant 0 : i32
        %sign3A_1388 = arith.cmpi slt, %add3A_807, %sign3A_1387 : i32
        %sign3A_1389 = arith.extui %sign3A_1388 : i1 to i32
        %sign3A_1390 = arith.subi %sign3A_1386, %sign3A_1389 : i32
        %sign3A_1391 = arith.constant 0 : i32
        %sign3A_1392 = arith.cmpi sgt, %jit3A_1382, %sign3A_1391 : i32
        %sign3A_1393 = arith.extui %sign3A_1392 : i1 to i32
        %sign3A_1394 = arith.constant 0 : i32
        %sign3A_1395 = arith.cmpi slt, %jit3A_1382, %sign3A_1394 : i32
        %sign3A_1396 = arith.extui %sign3A_1395 : i1 to i32
        %sign3A_1397 = arith.subi %sign3A_1393, %sign3A_1396 : i32
        %ne3A_1398 = arith.cmpi ne, %sign3A_1390, %sign3A_1397 : i32
        %rem3A_1399 = arith.remsi %add3A_807, %jit3A_1382 : i32
        %ne3A_1400 = arith.constant 0 : i32
        %ne3A_1401 = arith.cmpi ne, %rem3A_1399, %ne3A_1400 : i32
        %and3A_1402 = arith.andi %ne3A_1398, %ne3A_1401 : i1
        %sub3A_1403 = arith.constant 1 : i32
        %sub3A_1404 = arith.subi %div3A_1383, %sub3A_1403 : i32
        %select_n3A_1405 = arith.select %and3A_1402, %sub3A_1404, %div3A_1383 : i32
        %add3A_1406 = arith.addi %mul3A_1381, %select_n3A_1405 : i32
        %jit3A_1407 = arith.constant 3 : i32
        %div3A_1408 = arith.divsi %add3A_1406, %jit3A_1407 : i32
        %sign3A_1409 = arith.constant 0 : i32
        %sign3A_1410 = arith.cmpi sgt, %add3A_1406, %sign3A_1409 : i32
        %sign3A_1411 = arith.extui %sign3A_1410 : i1 to i32
        %sign3A_1412 = arith.constant 0 : i32
        %sign3A_1413 = arith.cmpi slt, %add3A_1406, %sign3A_1412 : i32
        %sign3A_1414 = arith.extui %sign3A_1413 : i1 to i32
        %sign3A_1415 = arith.subi %sign3A_1411, %sign3A_1414 : i32
        %sign3A_1416 = arith.constant 0 : i32
        %sign3A_1417 = arith.cmpi sgt, %jit3A_1407, %sign3A_1416 : i32
        %sign3A_1418 = arith.extui %sign3A_1417 : i1 to i32
        %sign3A_1419 = arith.constant 0 : i32
        %sign3A_1420 = arith.cmpi slt, %jit3A_1407, %sign3A_1419 : i32
        %sign3A_1421 = arith.extui %sign3A_1420 : i1 to i32
        %sign3A_1422 = arith.subi %sign3A_1418, %sign3A_1421 : i32
        %ne3A_1423 = arith.cmpi ne, %sign3A_1415, %sign3A_1422 : i32
        %rem3A_1424 = arith.remsi %add3A_1406, %jit3A_1407 : i32
        %ne3A_1425 = arith.constant 0 : i32
        %ne3A_1426 = arith.cmpi ne, %rem3A_1424, %ne3A_1425 : i32
        %and3A_1427 = arith.andi %ne3A_1423, %ne3A_1426 : i1
        %sub3A_1428 = arith.constant 1 : i32
        %sub3A_1429 = arith.subi %div3A_1408, %sub3A_1428 : i32
        %select_n3A_1430 = arith.select %and3A_1427, %sub3A_1429, %div3A_1408 : i32
        %mul3A_1431 = arith.constant 3 : i32
        %mul3A_1432 = arith.muli %select_n3A_1430, %mul3A_1431 : i32
        %sub3A_1433 = arith.subi %add3A_1406, %mul3A_1432 : i32
        %lt3A_1434 = arith.constant 2 : i32
        %lt3A_1435 = arith.cmpi slt, %select_n3A_1379, %lt3A_1434 : i32
        %mul3A_1436 = arith.constant 48 : i32
        %mul3A_1437 = arith.muli %mul3A_1436, %select_n3A_1379 : i32
        %mul3A_1438 = arith.constant 64 : i32
        %mul3A_1439 = arith.muli %mul3A_1438, %select_n3A_1379 : i32
        %sub3A_1440 = arith.constant 32 : i32
        %sub3A_1441 = arith.subi %mul3A_1439, %sub3A_1440 : i32
        %select_n3A_1442 = arith.select %lt3A_1435, %mul3A_1437, %sub3A_1441 : i32
        %lt3A_1443 = arith.constant 2 : i32
        %lt3A_1444 = arith.cmpi slt, %select_n3A_1379, %lt3A_1443 : i32
        %convert_element_type3A_1445 = arith.extui %lt3A_1444 : i1 to i32
        %cond3A_1446 = arith.constant 0 : i32
        %cond3A_1447 = arith.cmpi ne, %convert_element_type3A_1445, %cond3A_1446 : i32
        scf.if %cond3A_1447 {
          %dma_start3A_1453 = arith.constant 0 : i32
          %dma_start3A_1454 = arith.constant 0 : i32
          %dma_start3A_1455 = tpu.memref_slice %arg10[%dma_start3A_1453, %dma_start3A_1454] : memref<64x224xf32, #tpu.memory_space<vmem>> -> memref<48x224xf32, #tpu.memory_space<vmem>>
          %dma_start3A_1456 = arith.constant 0 : i32
          %dma_start3A_1457 = tpu.memref_slice %arg2[%select_n3A_1430, %sub3A_1433, %select_n3A_1442, %dma_start3A_1456] : memref<256x3x224x224xf32, #tpu.memory_space<hbm>> -> memref<1x1x48x224xf32, #tpu.memory_space<hbm>>
          %dma_start3A_1458 = tpu.memref_squeeze %dma_start3A_1457 : memref<1x1x48x224xf32, #tpu.memory_space<hbm>> -> memref<48x224xf32, #tpu.memory_space<hbm>>
          %dma_start3A_1459 = arith.constant 0 : i32
          %dma_start3A_1460 = arith.constant 0 : i32
          %dma_start3A_1461 = tpu.memref_slice %arg10[%dma_start3A_1459, %dma_start3A_1460] : memref<64x224xf32, #tpu.memory_space<vmem>> -> memref<48x224xf32, #tpu.memory_space<vmem>>
          %dma_start3A_1462 = arith.constant 0 : i32
          %dma_start3A_1463 = tpu.memref_slice %arg2[%select_n3A_1430, %sub3A_1433, %select_n3A_1442, %dma_start3A_1462] : memref<256x3x224x224xf32, #tpu.memory_space<hbm>> -> memref<1x1x48x224xf32, #tpu.memory_space<hbm>>
          %dma_start3A_1464 = tpu.memref_squeeze %dma_start3A_1463 : memref<1x1x48x224xf32, #tpu.memory_space<hbm>> -> memref<48x224xf32, #tpu.memory_space<hbm>>
          tpu.enqueue_dma source(%dma_start3A_1464 : memref<48x224xf32, #tpu.memory_space<hbm>>) target(%dma_start3A_1461 : memref<48x224xf32, #tpu.memory_space<vmem>>) target_semaphore(%arg21 : memref<!tpu.dma_semaphore, #tpu.memory_space<semaphore_mem>>)
        } else {
        }
        %ge3A_1448 = arith.constant 2 : i32
        %ge3A_1449 = arith.cmpi sge, %select_n3A_1379, %ge3A_1448 : i32
        %convert_element_type3A_1450 = arith.extui %ge3A_1449 : i1 to i32
        %cond3A_1451 = arith.constant 0 : i32
        %cond3A_1452 = arith.cmpi ne, %convert_element_type3A_1450, %cond3A_1451 : i32
        scf.if %cond3A_1452 {
          %dma_start3A_1453 = arith.constant 0 : i32
          %dma_start3A_1454 = tpu.memref_slice %arg2[%select_n3A_1430, %sub3A_1433, %select_n3A_1442, %dma_start3A_1453] : memref<256x3x224x224xf32, #tpu.memory_space<hbm>> -> memref<1x1x64x224xf32, #tpu.memory_space<hbm>>
          %dma_start3A_1455 = tpu.memref_squeeze %dma_start3A_1454 : memref<1x1x64x224xf32, #tpu.memory_space<hbm>> -> memref<64x224xf32, #tpu.memory_space<hbm>>
          %dma_start3A_1456 = arith.constant 0 : i32
          %dma_start3A_1457 = tpu.memref_slice %arg2[%select_n3A_1430, %sub3A_1433, %select_n3A_1442, %dma_start3A_1456] : memref<256x3x224x224xf32, #tpu.memory_space<hbm>> -> memref<1x1x64x224xf32, #tpu.memory_space<hbm>>
          %dma_start3A_1458 = tpu.memref_squeeze %dma_start3A_1457 : memref<1x1x64x224xf32, #tpu.memory_space<hbm>> -> memref<64x224xf32, #tpu.memory_space<hbm>>
          tpu.enqueue_dma source(%dma_start3A_1458 : memref<64x224xf32, #tpu.memory_space<hbm>>) target(%arg10 : memref<64x224xf32, #tpu.memory_space<vmem>>) target_semaphore(%arg21 : memref<!tpu.dma_semaphore, #tpu.memory_space<semaphore_mem>>)
          %broadcast_in_dim3A = vector.broadcast %select_n3A_1430 : i32 to vector<16xi32>
          %gather3A = tpu.vector_load_idx %arg15[%broadcast_in_dim3A] : memref<256xi32, #tpu.memory_space<vmem>>[vector<16xi32>], vector<16xi32>,
          %reduce_max3A = arith.constant true
          %reduce_max3A_1459 = vector.broadcast %reduce_max3A : i1 to vector<16xi1>
          %reduce_max3A_1460 = arith.constant -2147483648 : i32
          %reduce_max3A_1461 = vector.broadcast %reduce_max3A_1460 : i32 to vector<16xi32>
          %reduce_max3A_1462 = arith.xori %gather3A, %reduce_max3A_1461 : vector<16xi32>
          %reduce_max3A_1463 = tpu.scan <max>, %reduce_max3A_1462 masked %reduce_max3A_1459 : vector<16xi32>, vector<16xi1> -> vector<16xi32>
          %reduce_max3A_1464 = arith.xori %reduce_max3A_1463, %reduce_max3A_1461 : vector<16xi32>
          %reduce_max3A_1465 = vector.extract %reduce_max3A_1464[15] : i32 from vector<16xi32>
          %dma_start3A_1466 = arith.constant 0 : i32
          %dma_start3A_1467 = tpu.memref_slice %arg2[%reduce_max3A_1465, %sub3A_1433, %select_n3A_1442, %dma_start3A_1466] : memref<256x3x224x224xf32, #tpu.memory_space<hbm>> -> memref<1x1x64x128xf32, #tpu.memory_space<hbm>>
          %dma_start3A_1468 = tpu.memref_squeeze %dma_start3A_1467 : memref<1x1x64x128xf32, #tpu.memory_space<hbm>> -> memref<64x128xf32, #tpu.memory_space<hbm>>
          %dma_start3A_1469 = arith.constant 0 : i32
          %dma_start3A_1470 = tpu.memref_slice %arg2[%reduce_max3A_1465, %sub3A_1433, %select_n3A_1442, %dma_start3A_1469] : memref<256x3x224x224xf32, #tpu.memory_space<hbm>> -> memref<1x1x64x128xf32, #tpu.memory_space<hbm>>
          %dma_start3A_1471 = tpu.memref_squeeze %dma_start3A_1470 : memref<1x1x64x128xf32, #tpu.memory_space<hbm>> -> memref<64x128xf32, #tpu.memory_space<hbm>>
          tpu.enqueue_dma source(%dma_start3A_1471 : memref<64x128xf32, #tpu.memory_space<hbm>>) target(%arg14 : memref<64x128xf32, #tpu.memory_space<vmem>>) target_semaphore(%arg25 : memref<!tpu.dma_semaphore, #tpu.memory_space<semaphore_mem>>)
        } else {
        }
      } else {
      }
      %mul3A_813 = arith.constant 4 : i32
      %mul3A_814 = arith.muli %scan3A_268, %mul3A_813 : i32
      %add3A_815 = arith.constant 2 : i32
      %add3A_816 = arith.addi %mul3A_814, %add3A_815 : i32
      %jit3A_817 = arith.constant 4 : i32
      %eq3A_818 = arith.constant 0 : i32
      %eq3A_819 = arith.cmpi eq, %jit3A_817, %eq3A_818 : i32
      %jit3A_820 = arith.constant 1 : i32
      %select_n3A_821 = arith.select %eq3A_819, %jit3A_820, %jit3A_817 : i32
      %rem3A_822 = arith.remsi %add3A_816, %select_n3A_821 : i32
      %ne3A_823 = arith.constant 0 : i32
      %ne3A_824 = arith.cmpi ne, %rem3A_822, %ne3A_823 : i32
      %lt3A_825 = arith.constant 0 : i32
      %lt3A_826 = arith.cmpi slt, %rem3A_822, %lt3A_825 : i32
      %lt3A_827 = arith.constant 0 : i32
      %lt3A_828 = arith.cmpi slt, %select_n3A_821, %lt3A_827 : i32
      %ne3A_829 = arith.xori %lt3A_826, %lt3A_828 : i1
      %and3A_830 = arith.andi %ne3A_829, %ne3A_824 : i1
      %add3A_831 = arith.addi %rem3A_822, %select_n3A_821 : i32
      %select_n3A_832 = arith.select %and3A_830, %add3A_831, %rem3A_822 : i32
      %mul3A_833 = arith.constant 24 : i32
      %mul3A_834 = arith.muli %add3A, %mul3A_833 : i32
      %jit3A_835 = arith.constant 4 : i32
      %div3A_836 = arith.divsi %add3A_816, %jit3A_835 : i32
      %sign3A_837 = arith.constant 0 : i32
      %sign3A_838 = arith.cmpi sgt, %add3A_816, %sign3A_837 : i32
      %sign3A_839 = arith.extui %sign3A_838 : i1 to i32
      %sign3A_840 = arith.constant 0 : i32
      %sign3A_841 = arith.cmpi slt, %add3A_816, %sign3A_840 : i32
      %sign3A_842 = arith.extui %sign3A_841 : i1 to i32
      %sign3A_843 = arith.subi %sign3A_839, %sign3A_842 : i32
      %sign3A_844 = arith.constant 0 : i32
      %sign3A_845 = arith.cmpi sgt, %jit3A_835, %sign3A_844 : i32
      %sign3A_846 = arith.extui %sign3A_845 : i1 to i32
      %sign3A_847 = arith.constant 0 : i32
      %sign3A_848 = arith.cmpi slt, %jit3A_835, %sign3A_847 : i32
      %sign3A_849 = arith.extui %sign3A_848 : i1 to i32
      %sign3A_850 = arith.subi %sign3A_846, %sign3A_849 : i32
      %ne3A_851 = arith.cmpi ne, %sign3A_843, %sign3A_850 : i32
      %rem3A_852 = arith.remsi %add3A_816, %jit3A_835 : i32
      %ne3A_853 = arith.constant 0 : i32
      %ne3A_854 = arith.cmpi ne, %rem3A_852, %ne3A_853 : i32
      %and3A_855 = arith.andi %ne3A_851, %ne3A_854 : i1
      %sub3A_856 = arith.constant 1 : i32
      %sub3A_857 = arith.subi %div3A_836, %sub3A_856 : i32
      %select_n3A_858 = arith.select %and3A_855, %sub3A_857, %div3A_836 : i32
      %add3A_859 = arith.addi %mul3A_834, %select_n3A_858 : i32
      %jit3A_860 = arith.constant 3 : i32
      %div3A_861 = arith.divsi %add3A_859, %jit3A_860 : i32
      %sign3A_862 = arith.constant 0 : i32
      %sign3A_863 = arith.cmpi sgt, %add3A_859, %sign3A_862 : i32
      %sign3A_864 = arith.extui %sign3A_863 : i1 to i32
      %sign3A_865 = arith.constant 0 : i32
      %sign3A_866 = arith.cmpi slt, %add3A_859, %sign3A_865 : i32
      %sign3A_867 = arith.extui %sign3A_866 : i1 to i32
      %sign3A_868 = arith.subi %sign3A_864, %sign3A_867 : i32
      %sign3A_869 = arith.constant 0 : i32
      %sign3A_870 = arith.cmpi sgt, %jit3A_860, %sign3A_869 : i32
      %sign3A_871 = arith.extui %sign3A_870 : i1 to i32
      %sign3A_872 = arith.constant 0 : i32
      %sign3A_873 = arith.cmpi slt, %jit3A_860, %sign3A_872 : i32
      %sign3A_874 = arith.extui %sign3A_873 : i1 to i32
      %sign3A_875 = arith.subi %sign3A_871, %sign3A_874 : i32
      %ne3A_876 = arith.cmpi ne, %sign3A_868, %sign3A_875 : i32
      %rem3A_877 = arith.remsi %add3A_859, %jit3A_860 : i32
      %ne3A_878 = arith.constant 0 : i32
      %ne3A_879 = arith.cmpi ne, %rem3A_877, %ne3A_878 : i32
      %and3A_880 = arith.andi %ne3A_876, %ne3A_879 : i1
      %sub3A_881 = arith.constant 1 : i32
      %sub3A_882 = arith.subi %div3A_861, %sub3A_881 : i32
      %select_n3A_883 = arith.select %and3A_880, %sub3A_882, %div3A_861 : i32
      %mul3A_884 = arith.constant 3 : i32
      %mul3A_885 = arith.muli %select_n3A_883, %mul3A_884 : i32
      %sub3A_886 = arith.subi %add3A_859, %mul3A_885 : i32
      %lt3A_887 = arith.constant 2 : i32
      %lt3A_888 = arith.cmpi slt, %select_n3A_832, %lt3A_887 : i32
      %mul3A_889 = arith.constant 48 : i32
      %mul3A_890 = arith.muli %mul3A_889, %select_n3A_832 : i32
      %mul3A_891 = arith.constant 64 : i32
      %mul3A_892 = arith.muli %mul3A_891, %select_n3A_832 : i32
      %sub3A_893 = arith.constant 32 : i32
      %sub3A_894 = arith.subi %mul3A_892, %sub3A_893 : i32
      %select_n3A_895 = arith.select %lt3A_888, %mul3A_890, %sub3A_894 : i32
      %lt3A_896 = arith.constant 2 : i32
      %lt3A_897 = arith.cmpi slt, %select_n3A_832, %lt3A_896 : i32
      %convert_element_type3A_898 = arith.extui %lt3A_897 : i1 to i32
      %cond3A_899 = arith.constant 0 : i32
      %cond3A_900 = arith.cmpi ne, %convert_element_type3A_898, %cond3A_899 : i32
      scf.if %cond3A_900 {
        %dma_wait3A_1359 = arith.constant 0 : i32
        %dma_wait3A_1360 = arith.constant 0 : i32
        %dma_wait3A_1361 = tpu.memref_slice %arg9[%dma_wait3A_1359, %dma_wait3A_1360] : memref<64x224xf32, #tpu.memory_space<vmem>> -> memref<48x224xf32, #tpu.memory_space<vmem>>
        %dma_wait3A_1362 = arith.constant 0 : i32
        %dma_wait3A_1363 = tpu.memref_slice %arg2[%select_n3A_883, %sub3A_886, %select_n3A_895, %dma_wait3A_1362] : memref<256x3x224x224xf32, #tpu.memory_space<hbm>> -> memref<1x1x48x224xf32, #tpu.memory_space<hbm>>
        %dma_wait3A_1364 = tpu.memref_squeeze %dma_wait3A_1363 : memref<1x1x48x224xf32, #tpu.memory_space<hbm>> -> memref<48x224xf32, #tpu.memory_space<hbm>>
        %dma_wait3A_1365 = arith.constant 0 : i32
        %dma_wait3A_1366 = arith.constant 0 : i32
        %dma_wait3A_1367 = tpu.memref_slice %arg9[%dma_wait3A_1365, %dma_wait3A_1366] : memref<64x224xf32, #tpu.memory_space<vmem>> -> memref<48x224xf32, #tpu.memory_space<vmem>>
        %dma_wait3A_1368 = arith.constant 0 : i32
        %dma_wait3A_1369 = tpu.memref_slice %arg2[%select_n3A_883, %sub3A_886, %select_n3A_895, %dma_wait3A_1368] : memref<256x3x224x224xf32, #tpu.memory_space<hbm>> -> memref<1x1x48x224xf32, #tpu.memory_space<hbm>>
        %dma_wait3A_1370 = tpu.memref_squeeze %dma_wait3A_1369 : memref<1x1x48x224xf32, #tpu.memory_space<hbm>> -> memref<48x224xf32, #tpu.memory_space<hbm>>
        tpu.wait_dma2 semaphore(%arg20 : memref<!tpu.dma_semaphore, #tpu.memory_space<semaphore_mem>>) src(%dma_wait3A_1370 : memref<48x224xf32, #tpu.memory_space<hbm>>) dst(%dma_wait3A_1367 : memref<48x224xf32, #tpu.memory_space<vmem>>)
      } else {
      }
      %ge3A_901 = arith.constant 2 : i32
      %ge3A_902 = arith.cmpi sge, %select_n3A_832, %ge3A_901 : i32
      %convert_element_type3A_903 = arith.extui %ge3A_902 : i1 to i32
      %cond3A_904 = arith.constant 0 : i32
      %cond3A_905 = arith.cmpi ne, %convert_element_type3A_903, %cond3A_904 : i32
      scf.if %cond3A_905 {
        %dma_wait3A_1359 = arith.constant 0 : i32
        %dma_wait3A_1360 = tpu.memref_slice %arg2[%select_n3A_883, %sub3A_886, %select_n3A_895, %dma_wait3A_1359] : memref<256x3x224x224xf32, #tpu.memory_space<hbm>> -> memref<1x1x64x224xf32, #tpu.memory_space<hbm>>
        %dma_wait3A_1361 = tpu.memref_squeeze %dma_wait3A_1360 : memref<1x1x64x224xf32, #tpu.memory_space<hbm>> -> memref<64x224xf32, #tpu.memory_space<hbm>>
        %dma_wait3A_1362 = arith.constant 0 : i32
        %dma_wait3A_1363 = tpu.memref_slice %arg2[%select_n3A_883, %sub3A_886, %select_n3A_895, %dma_wait3A_1362] : memref<256x3x224x224xf32, #tpu.memory_space<hbm>> -> memref<1x1x64x224xf32, #tpu.memory_space<hbm>>
        %dma_wait3A_1364 = tpu.memref_squeeze %dma_wait3A_1363 : memref<1x1x64x224xf32, #tpu.memory_space<hbm>> -> memref<64x224xf32, #tpu.memory_space<hbm>>
        tpu.wait_dma2 semaphore(%arg20 : memref<!tpu.dma_semaphore, #tpu.memory_space<semaphore_mem>>) src(%dma_wait3A_1364 : memref<64x224xf32, #tpu.memory_space<hbm>>) dst(%arg9 : memref<64x224xf32, #tpu.memory_space<vmem>>)
        %broadcast_in_dim3A = vector.broadcast %select_n3A_883 : i32 to vector<16xi32>
        %gather3A = tpu.vector_load_idx %arg15[%broadcast_in_dim3A] : memref<256xi32, #tpu.memory_space<vmem>>[vector<16xi32>], vector<16xi32>,
        %reduce_max3A = arith.constant true
        %reduce_max3A_1365 = vector.broadcast %reduce_max3A : i1 to vector<16xi1>
        %reduce_max3A_1366 = arith.constant -2147483648 : i32
        %reduce_max3A_1367 = vector.broadcast %reduce_max3A_1366 : i32 to vector<16xi32>
        %reduce_max3A_1368 = arith.xori %gather3A, %reduce_max3A_1367 : vector<16xi32>
        %reduce_max3A_1369 = tpu.scan <max>, %reduce_max3A_1368 masked %reduce_max3A_1365 : vector<16xi32>, vector<16xi1> -> vector<16xi32>
        %reduce_max3A_1370 = arith.xori %reduce_max3A_1369, %reduce_max3A_1367 : vector<16xi32>
        %reduce_max3A_1371 = vector.extract %reduce_max3A_1370[15] : i32 from vector<16xi32>
        %dma_wait3A_1372 = arith.constant 0 : i32
        %dma_wait3A_1373 = tpu.memref_slice %arg2[%reduce_max3A_1371, %sub3A_886, %select_n3A_895, %dma_wait3A_1372] : memref<256x3x224x224xf32, #tpu.memory_space<hbm>> -> memref<1x1x64x128xf32, #tpu.memory_space<hbm>>
        %dma_wait3A_1374 = tpu.memref_squeeze %dma_wait3A_1373 : memref<1x1x64x128xf32, #tpu.memory_space<hbm>> -> memref<64x128xf32, #tpu.memory_space<hbm>>
        %dma_wait3A_1375 = arith.constant 0 : i32
        %dma_wait3A_1376 = tpu.memref_slice %arg2[%reduce_max3A_1371, %sub3A_886, %select_n3A_895, %dma_wait3A_1375] : memref<256x3x224x224xf32, #tpu.memory_space<hbm>> -> memref<1x1x64x128xf32, #tpu.memory_space<hbm>>
        %dma_wait3A_1377 = tpu.memref_squeeze %dma_wait3A_1376 : memref<1x1x64x128xf32, #tpu.memory_space<hbm>> -> memref<64x128xf32, #tpu.memory_space<hbm>>
        tpu.wait_dma2 semaphore(%arg24 : memref<!tpu.dma_semaphore, #tpu.memory_space<semaphore_mem>>) src(%dma_wait3A_1377 : memref<64x128xf32, #tpu.memory_space<hbm>>) dst(%arg13 : memref<64x128xf32, #tpu.memory_space<vmem>>)
      } else {
      }
      %jit3A_906 = arith.constant 4 : i32
      %eq3A_907 = arith.constant 0 : i32
      %eq3A_908 = arith.cmpi eq, %jit3A_906, %eq3A_907 : i32
      %jit3A_909 = arith.constant 1 : i32
      %select_n3A_910 = arith.select %eq3A_908, %jit3A_909, %jit3A_906 : i32
      %rem3A_911 = arith.remsi %add3A_816, %select_n3A_910 : i32
      %ne3A_912 = arith.constant 0 : i32
      %ne3A_913 = arith.cmpi ne, %rem3A_911, %ne3A_912 : i32
      %lt3A_914 = arith.constant 0 : i32
      %lt3A_915 = arith.cmpi slt, %rem3A_911, %lt3A_914 : i32
      %lt3A_916 = arith.constant 0 : i32
      %lt3A_917 = arith.cmpi slt, %select_n3A_910, %lt3A_916 : i32
      %ne3A_918 = arith.xori %lt3A_915, %lt3A_917 : i1
      %and3A_919 = arith.andi %ne3A_918, %ne3A_913 : i1
      %add3A_920 = arith.addi %rem3A_911, %select_n3A_910 : i32
      %select_n3A_921 = arith.select %and3A_919, %add3A_920, %rem3A_911 : i32
      %mul3A_922 = arith.constant 24 : i32
      %mul3A_923 = arith.muli %add3A, %mul3A_922 : i32
      %jit3A_924 = arith.constant 4 : i32
      %div3A_925 = arith.divsi %add3A_816, %jit3A_924 : i32
      %sign3A_926 = arith.constant 0 : i32
      %sign3A_927 = arith.cmpi sgt, %add3A_816, %sign3A_926 : i32
      %sign3A_928 = arith.extui %sign3A_927 : i1 to i32
      %sign3A_929 = arith.constant 0 : i32
      %sign3A_930 = arith.cmpi slt, %add3A_816, %sign3A_929 : i32
      %sign3A_931 = arith.extui %sign3A_930 : i1 to i32
      %sign3A_932 = arith.subi %sign3A_928, %sign3A_931 : i32
      %sign3A_933 = arith.constant 0 : i32
      %sign3A_934 = arith.cmpi sgt, %jit3A_924, %sign3A_933 : i32
      %sign3A_935 = arith.extui %sign3A_934 : i1 to i32
      %sign3A_936 = arith.constant 0 : i32
      %sign3A_937 = arith.cmpi slt, %jit3A_924, %sign3A_936 : i32
      %sign3A_938 = arith.extui %sign3A_937 : i1 to i32
      %sign3A_939 = arith.subi %sign3A_935, %sign3A_938 : i32
      %ne3A_940 = arith.cmpi ne, %sign3A_932, %sign3A_939 : i32
      %rem3A_941 = arith.remsi %add3A_816, %jit3A_924 : i32
      %ne3A_942 = arith.constant 0 : i32
      %ne3A_943 = arith.cmpi ne, %rem3A_941, %ne3A_942 : i32
      %and3A_944 = arith.andi %ne3A_940, %ne3A_943 : i1
      %sub3A_945 = arith.constant 1 : i32
      %sub3A_946 = arith.subi %div3A_925, %sub3A_945 : i32
      %select_n3A_947 = arith.select %and3A_944, %sub3A_946, %div3A_925 : i32
      %add3A_948 = arith.addi %mul3A_923, %select_n3A_947 : i32
      %jit3A_949 = arith.constant 3 : i32
      %div3A_950 = arith.divsi %add3A_948, %jit3A_949 : i32
      %sign3A_951 = arith.constant 0 : i32
      %sign3A_952 = arith.cmpi sgt, %add3A_948, %sign3A_951 : i32
      %sign3A_953 = arith.extui %sign3A_952 : i1 to i32
      %sign3A_954 = arith.constant 0 : i32
      %sign3A_955 = arith.cmpi slt, %add3A_948, %sign3A_954 : i32
      %sign3A_956 = arith.extui %sign3A_955 : i1 to i32
      %sign3A_957 = arith.subi %sign3A_953, %sign3A_956 : i32
      %sign3A_958 = arith.constant 0 : i32
      %sign3A_959 = arith.cmpi sgt, %jit3A_949, %sign3A_958 : i32
      %sign3A_960 = arith.extui %sign3A_959 : i1 to i32
      %sign3A_961 = arith.constant 0 : i32
      %sign3A_962 = arith.cmpi slt, %jit3A_949, %sign3A_961 : i32
      %sign3A_963 = arith.extui %sign3A_962 : i1 to i32
      %sign3A_964 = arith.subi %sign3A_960, %sign3A_963 : i32
      %ne3A_965 = arith.cmpi ne, %sign3A_957, %sign3A_964 : i32
      %rem3A_966 = arith.remsi %add3A_948, %jit3A_949 : i32
      %ne3A_967 = arith.constant 0 : i32
      %ne3A_968 = arith.cmpi ne, %rem3A_966, %ne3A_967 : i32
      %and3A_969 = arith.andi %ne3A_965, %ne3A_968 : i1
      %sub3A_970 = arith.constant 1 : i32
      %sub3A_971 = arith.subi %div3A_950, %sub3A_970 : i32
      %select_n3A_972 = arith.select %and3A_969, %sub3A_971, %div3A_950 : i32
      %mul3A_973 = arith.constant 3 : i32
      %mul3A_974 = arith.muli %select_n3A_972, %mul3A_973 : i32
      %sub3A_975 = arith.subi %add3A_948, %mul3A_974 : i32
      %lt3A_976 = arith.constant 2 : i32
      %lt3A_977 = arith.cmpi slt, %select_n3A_921, %lt3A_976 : i32
      %mul3A_978 = arith.constant 48 : i32
      %mul3A_979 = arith.muli %mul3A_978, %select_n3A_921 : i32
      %mul3A_980 = arith.constant 64 : i32
      %mul3A_981 = arith.muli %mul3A_980, %select_n3A_921 : i32
      %sub3A_982 = arith.constant 32 : i32
      %sub3A_983 = arith.subi %mul3A_981, %sub3A_982 : i32
      %select_n3A_984 = arith.select %lt3A_977, %mul3A_979, %sub3A_983 : i32
      %ge3A_985 = arith.constant 2 : i32
      %ge3A_986 = arith.cmpi sge, %select_n3A_921, %ge3A_985 : i32
      %convert_element_type3A_987 = arith.extui %ge3A_986 : i1 to i32
      %cond3A_988 = arith.constant 0 : i32
      %cond3A_989 = arith.cmpi ne, %convert_element_type3A_987, %cond3A_988 : i32
      scf.if %cond3A_989 {
        %eq3A_1359 = arith.constant 2 : i32
        %eq3A_1360 = arith.cmpi eq, %select_n3A_921, %eq3A_1359 : i32
        %jit3A_1361 = arith.constant 7 : i32
        %jit3A_1362 = arith.constant 0 : i32
        %select_n3A_1363 = arith.select %eq3A_1360, %jit3A_1361, %jit3A_1362 : i32
        %while3A = arith.constant 0 : i32
        %while3A_1364 = arith.constant 64 : i32
        %while3A_1365 = arith.subi %while3A_1364, %select_n3A_1363 : i32
        %while3A_1366 = arith.addi %select_n3A_1363, %while3A_1365 : i32
        %while3A_1367 = arith.constant 1 : i32
        %while3A_1368 = arith.divsi %while3A_1365, %while3A_1367 : i32
        %while3A_1369 = arith.muli %while3A_1368, %while3A_1367 : i32
        %while3A_1370 = arith.addi %select_n3A_1363, %while3A_1369 : i32
        %while3A_1371 = arith.constant 1 : i32
        scf.for %while3A_1373 = %select_n3A_1363 to %while3A_1370 step %while3A_1371  : i32 {
          %get3A = arith.index_cast %while3A_1373 : i32 to index
          %get3A_1374 = arith.constant 0 : index
          %get3A_1375 = tpu.vector_load %arg13[%get3A, %get3A_1374] {strides = array<i32>} : memref<64x128xf32, #tpu.memory_space<vmem>>, vector<16xf32>,
          %swap3A = arith.index_cast %while3A_1373 : i32 to index
          %swap3A_1376 = arith.constant 0 : index
          %swap3A_1377 = tpu.vector_load %arg9[%swap3A, %swap3A_1376] {strides = array<i32>} : memref<64x224xf32, #tpu.memory_space<vmem>>, vector<16xf32>,
          tpu.vector_store %arg9[%swap3A, %swap3A_1376], %get3A_1375 {strides = array<i32>} : memref<64x224xf32, #tpu.memory_space<vmem>>, vector<16xf32>,
          %get3A_1378 = arith.index_cast %while3A_1373 : i32 to index
          %get3A_1379 = arith.constant 16 : index
          %get3A_1380 = tpu.vector_load %arg13[%get3A_1378, %get3A_1379] {strides = array<i32>} : memref<64x128xf32, #tpu.memory_space<vmem>>, vector<16xf32>,
          %swap3A_1381 = arith.index_cast %while3A_1373 : i32 to index
          %swap3A_1382 = arith.constant 16 : index
          %swap3A_1383 = tpu.vector_load %arg9[%swap3A_1381, %swap3A_1382] {strides = array<i32>} : memref<64x224xf32, #tpu.memory_space<vmem>>, vector<16xf32>,
          tpu.vector_store %arg9[%swap3A_1381, %swap3A_1382], %get3A_1380 {strides = array<i32>} : memref<64x224xf32, #tpu.memory_space<vmem>>, vector<16xf32>,
          %get3A_1384 = arith.index_cast %while3A_1373 : i32 to index
          %get3A_1385 = arith.constant 32 : index
          %get3A_1386 = tpu.vector_load %arg13[%get3A_1384, %get3A_1385] {strides = array<i32>} : memref<64x128xf32, #tpu.memory_space<vmem>>, vector<16xf32>,
          %swap3A_1387 = arith.index_cast %while3A_1373 : i32 to index
          %swap3A_1388 = arith.constant 32 : index
          %swap3A_1389 = tpu.vector_load %arg9[%swap3A_1387, %swap3A_1388] {strides = array<i32>} : memref<64x224xf32, #tpu.memory_space<vmem>>, vector<16xf32>,
          tpu.vector_store %arg9[%swap3A_1387, %swap3A_1388], %get3A_1386 {strides = array<i32>} : memref<64x224xf32, #tpu.memory_space<vmem>>, vector<16xf32>,
          %get3A_1390 = arith.index_cast %while3A_1373 : i32 to index
          %get3A_1391 = arith.constant 48 : index
          %get3A_1392 = tpu.vector_load %arg13[%get3A_1390, %get3A_1391] {strides = array<i32>} : memref<64x128xf32, #tpu.memory_space<vmem>>, vector<16xf32>,
          %swap3A_1393 = arith.index_cast %while3A_1373 : i32 to index
          %swap3A_1394 = arith.constant 48 : index
          %swap3A_1395 = tpu.vector_load %arg9[%swap3A_1393, %swap3A_1394] {strides = array<i32>} : memref<64x224xf32, #tpu.memory_space<vmem>>, vector<16xf32>,
          tpu.vector_store %arg9[%swap3A_1393, %swap3A_1394], %get3A_1392 {strides = array<i32>} : memref<64x224xf32, #tpu.memory_space<vmem>>, vector<16xf32>,
          %get3A_1396 = arith.index_cast %while3A_1373 : i32 to index
          %get3A_1397 = arith.constant 64 : index
          %get3A_1398 = tpu.vector_load %arg13[%get3A_1396, %get3A_1397] {strides = array<i32>} : memref<64x128xf32, #tpu.memory_space<vmem>>, vector<16xf32>,
          %swap3A_1399 = arith.index_cast %while3A_1373 : i32 to index
          %swap3A_1400 = arith.constant 64 : index
          %swap3A_1401 = tpu.vector_load %arg9[%swap3A_1399, %swap3A_1400] {strides = array<i32>} : memref<64x224xf32, #tpu.memory_space<vmem>>, vector<16xf32>,
          tpu.vector_store %arg9[%swap3A_1399, %swap3A_1400], %get3A_1398 {strides = array<i32>} : memref<64x224xf32, #tpu.memory_space<vmem>>, vector<16xf32>,
          %get3A_1402 = arith.index_cast %while3A_1373 : i32 to index
          %get3A_1403 = arith.constant 80 : index
          %get3A_1404 = tpu.vector_load %arg13[%get3A_1402, %get3A_1403] {strides = array<i32>} : memref<64x128xf32, #tpu.memory_space<vmem>>, vector<16xf32>,
          %get3A_1405 = arith.index_cast %while3A_1373 : i32 to index
          %get3A_1406 = arith.constant 80 : index
          %get3A_1407 = tpu.vector_load %arg9[%get3A_1405, %get3A_1406] {strides = array<i32>} : memref<64x224xf32, #tpu.memory_space<vmem>>, vector<16xf32>,
          %lt3A_1408 = arith.constant 7 : i32
          %lt3A_1409 = vector.broadcast %lt3A_1408 : i32 to vector<16xi32>
          %lt3A_1410 = arith.cmpi slt, %iota3A, %lt3A_1409 : vector<16xi32>
          %select_n3A_1411 = arith.select %lt3A_1410, %get3A_1404, %get3A_1407 : vector<16xi1>, vector<16xf32>
          %swap3A_1412 = arith.index_cast %while3A_1373 : i32 to index
          %swap3A_1413 = arith.constant 80 : index
          %swap3A_1414 = tpu.vector_load %arg9[%swap3A_1412, %swap3A_1413] {strides = array<i32>} : memref<64x224xf32, #tpu.memory_space<vmem>>, vector<16xf32>,
          tpu.vector_store %arg9[%swap3A_1412, %swap3A_1413], %select_n3A_1411 {strides = array<i32>} : memref<64x224xf32, #tpu.memory_space<vmem>>, vector<16xf32>,
        }
        %while3A_1372 = arith.constant 1 : i32
        scf.for %while3A_1373 = %while3A_1370 to %while3A_1366 step %while3A_1372  : i32 {
          %get3A = arith.index_cast %while3A_1373 : i32 to index
          %get3A_1374 = arith.constant 0 : index
          %get3A_1375 = tpu.vector_load %arg13[%get3A, %get3A_1374] {strides = array<i32>} : memref<64x128xf32, #tpu.memory_space<vmem>>, vector<16xf32>,
          %swap3A = arith.index_cast %while3A_1373 : i32 to index
          %swap3A_1376 = arith.constant 0 : index
          %swap3A_1377 = tpu.vector_load %arg9[%swap3A, %swap3A_1376] {strides = array<i32>} : memref<64x224xf32, #tpu.memory_space<vmem>>, vector<16xf32>,
          tpu.vector_store %arg9[%swap3A, %swap3A_1376], %get3A_1375 {strides = array<i32>} : memref<64x224xf32, #tpu.memory_space<vmem>>, vector<16xf32>,
          %get3A_1378 = arith.index_cast %while3A_1373 : i32 to index
          %get3A_1379 = arith.constant 16 : index
          %get3A_1380 = tpu.vector_load %arg13[%get3A_1378, %get3A_1379] {strides = array<i32>} : memref<64x128xf32, #tpu.memory_space<vmem>>, vector<16xf32>,
          %swap3A_1381 = arith.index_cast %while3A_1373 : i32 to index
          %swap3A_1382 = arith.constant 16 : index
          %swap3A_1383 = tpu.vector_load %arg9[%swap3A_1381, %swap3A_1382] {strides = array<i32>} : memref<64x224xf32, #tpu.memory_space<vmem>>, vector<16xf32>,
          tpu.vector_store %arg9[%swap3A_1381, %swap3A_1382], %get3A_1380 {strides = array<i32>} : memref<64x224xf32, #tpu.memory_space<vmem>>, vector<16xf32>,
          %get3A_1384 = arith.index_cast %while3A_1373 : i32 to index
          %get3A_1385 = arith.constant 32 : index
          %get3A_1386 = tpu.vector_load %arg13[%get3A_1384, %get3A_1385] {strides = array<i32>} : memref<64x128xf32, #tpu.memory_space<vmem>>, vector<16xf32>,
          %swap3A_1387 = arith.index_cast %while3A_1373 : i32 to index
          %swap3A_1388 = arith.constant 32 : index
          %swap3A_1389 = tpu.vector_load %arg9[%swap3A_1387, %swap3A_1388] {strides = array<i32>} : memref<64x224xf32, #tpu.memory_space<vmem>>, vector<16xf32>,
          tpu.vector_store %arg9[%swap3A_1387, %swap3A_1388], %get3A_1386 {strides = array<i32>} : memref<64x224xf32, #tpu.memory_space<vmem>>, vector<16xf32>,
          %get3A_1390 = arith.index_cast %while3A_1373 : i32 to index
          %get3A_1391 = arith.constant 48 : index
          %get3A_1392 = tpu.vector_load %arg13[%get3A_1390, %get3A_1391] {strides = array<i32>} : memref<64x128xf32, #tpu.memory_space<vmem>>, vector<16xf32>,
          %swap3A_1393 = arith.index_cast %while3A_1373 : i32 to index
          %swap3A_1394 = arith.constant 48 : index
          %swap3A_1395 = tpu.vector_load %arg9[%swap3A_1393, %swap3A_1394] {strides = array<i32>} : memref<64x224xf32, #tpu.memory_space<vmem>>, vector<16xf32>,
          tpu.vector_store %arg9[%swap3A_1393, %swap3A_1394], %get3A_1392 {strides = array<i32>} : memref<64x224xf32, #tpu.memory_space<vmem>>, vector<16xf32>,
          %get3A_1396 = arith.index_cast %while3A_1373 : i32 to index
          %get3A_1397 = arith.constant 64 : index
          %get3A_1398 = tpu.vector_load %arg13[%get3A_1396, %get3A_1397] {strides = array<i32>} : memref<64x128xf32, #tpu.memory_space<vmem>>, vector<16xf32>,
          %swap3A_1399 = arith.index_cast %while3A_1373 : i32 to index
          %swap3A_1400 = arith.constant 64 : index
          %swap3A_1401 = tpu.vector_load %arg9[%swap3A_1399, %swap3A_1400] {strides = array<i32>} : memref<64x224xf32, #tpu.memory_space<vmem>>, vector<16xf32>,
          tpu.vector_store %arg9[%swap3A_1399, %swap3A_1400], %get3A_1398 {strides = array<i32>} : memref<64x224xf32, #tpu.memory_space<vmem>>, vector<16xf32>,
          %get3A_1402 = arith.index_cast %while3A_1373 : i32 to index
          %get3A_1403 = arith.constant 80 : index
          %get3A_1404 = tpu.vector_load %arg13[%get3A_1402, %get3A_1403] {strides = array<i32>} : memref<64x128xf32, #tpu.memory_space<vmem>>, vector<16xf32>,
          %get3A_1405 = arith.index_cast %while3A_1373 : i32 to index
          %get3A_1406 = arith.constant 80 : index
          %get3A_1407 = tpu.vector_load %arg9[%get3A_1405, %get3A_1406] {strides = array<i32>} : memref<64x224xf32, #tpu.memory_space<vmem>>, vector<16xf32>,
          %lt3A_1408 = arith.constant 7 : i32
          %lt3A_1409 = vector.broadcast %lt3A_1408 : i32 to vector<16xi32>
          %lt3A_1410 = arith.cmpi slt, %iota3A, %lt3A_1409 : vector<16xi32>
          %select_n3A_1411 = arith.select %lt3A_1410, %get3A_1404, %get3A_1407 : vector<16xi1>, vector<16xf32>
          %swap3A_1412 = arith.index_cast %while3A_1373 : i32 to index
          %swap3A_1413 = arith.constant 80 : index
          %swap3A_1414 = tpu.vector_load %arg9[%swap3A_1412, %swap3A_1413] {strides = array<i32>} : memref<64x224xf32, #tpu.memory_space<vmem>>, vector<16xf32>,
          tpu.vector_store %arg9[%swap3A_1412, %swap3A_1413], %select_n3A_1411 {strides = array<i32>} : memref<64x224xf32, #tpu.memory_space<vmem>>, vector<16xf32>,
        }
      } else {
      }
      %jit3A_990 = arith.constant 4 : i32
      %eq3A_991 = arith.constant 0 : i32
      %eq3A_992 = arith.cmpi eq, %jit3A_990, %eq3A_991 : i32
      %jit3A_993 = arith.constant 1 : i32
      %select_n3A_994 = arith.select %eq3A_992, %jit3A_993, %jit3A_990 : i32
      %rem3A_995 = arith.remsi %add3A_816, %select_n3A_994 : i32
      %ne3A_996 = arith.constant 0 : i32
      %ne3A_997 = arith.cmpi ne, %rem3A_995, %ne3A_996 : i32
      %lt3A_998 = arith.constant 0 : i32
      %lt3A_999 = arith.cmpi slt, %rem3A_995, %lt3A_998 : i32
      %lt3A_1000 = arith.constant 0 : i32
      %lt3A_1001 = arith.cmpi slt, %select_n3A_994, %lt3A_1000 : i32
      %ne3A_1002 = arith.xori %lt3A_999, %lt3A_1001 : i1
      %and3A_1003 = arith.andi %ne3A_1002, %ne3A_997 : i1
      %add3A_1004 = arith.addi %rem3A_995, %select_n3A_994 : i32
      %select_n3A_1005 = arith.select %and3A_1003, %add3A_1004, %rem3A_995 : i32
      %mul3A_1006 = arith.constant 24 : i32
      %mul3A_1007 = arith.muli %add3A, %mul3A_1006 : i32
      %jit3A_1008 = arith.constant 4 : i32
      %div3A_1009 = arith.divsi %add3A_816, %jit3A_1008 : i32
      %sign3A_1010 = arith.constant 0 : i32
      %sign3A_1011 = arith.cmpi sgt, %add3A_816, %sign3A_1010 : i32
      %sign3A_1012 = arith.extui %sign3A_1011 : i1 to i32
      %sign3A_1013 = arith.constant 0 : i32
      %sign3A_1014 = arith.cmpi slt, %add3A_816, %sign3A_1013 : i32
      %sign3A_1015 = arith.extui %sign3A_1014 : i1 to i32
      %sign3A_1016 = arith.subi %sign3A_1012, %sign3A_1015 : i32
      %sign3A_1017 = arith.constant 0 : i32
      %sign3A_1018 = arith.cmpi sgt, %jit3A_1008, %sign3A_1017 : i32
      %sign3A_1019 = arith.extui %sign3A_1018 : i1 to i32
      %sign3A_1020 = arith.constant 0 : i32
      %sign3A_1021 = arith.cmpi slt, %jit3A_1008, %sign3A_1020 : i32
      %sign3A_1022 = arith.extui %sign3A_1021 : i1 to i32
      %sign3A_1023 = arith.subi %sign3A_1019, %sign3A_1022 : i32
      %ne3A_1024 = arith.cmpi ne, %sign3A_1016, %sign3A_1023 : i32
      %rem3A_1025 = arith.remsi %add3A_816, %jit3A_1008 : i32
      %ne3A_1026 = arith.constant 0 : i32
      %ne3A_1027 = arith.cmpi ne, %rem3A_1025, %ne3A_1026 : i32
      %and3A_1028 = arith.andi %ne3A_1024, %ne3A_1027 : i1
      %sub3A_1029 = arith.constant 1 : i32
      %sub3A_1030 = arith.subi %div3A_1009, %sub3A_1029 : i32
      %select_n3A_1031 = arith.select %and3A_1028, %sub3A_1030, %div3A_1009 : i32
      %add3A_1032 = arith.addi %mul3A_1007, %select_n3A_1031 : i32
      %jit3A_1033 = arith.constant 3 : i32
      %div3A_1034 = arith.divsi %add3A_1032, %jit3A_1033 : i32
      %sign3A_1035 = arith.constant 0 : i32
      %sign3A_1036 = arith.cmpi sgt, %add3A_1032, %sign3A_1035 : i32
      %sign3A_1037 = arith.extui %sign3A_1036 : i1 to i32
      %sign3A_1038 = arith.constant 0 : i32
      %sign3A_1039 = arith.cmpi slt, %add3A_1032, %sign3A_1038 : i32
      %sign3A_1040 = arith.extui %sign3A_1039 : i1 to i32
      %sign3A_1041 = arith.subi %sign3A_1037, %sign3A_1040 : i32
      %sign3A_1042 = arith.constant 0 : i32
      %sign3A_1043 = arith.cmpi sgt, %jit3A_1033, %sign3A_1042 : i32
      %sign3A_1044 = arith.extui %sign3A_1043 : i1 to i32
      %sign3A_1045 = arith.constant 0 : i32
      %sign3A_1046 = arith.cmpi slt, %jit3A_1033, %sign3A_1045 : i32
      %sign3A_1047 = arith.extui %sign3A_1046 : i1 to i32
      %sign3A_1048 = arith.subi %sign3A_1044, %sign3A_1047 : i32
      %ne3A_1049 = arith.cmpi ne, %sign3A_1041, %sign3A_1048 : i32
      %rem3A_1050 = arith.remsi %add3A_1032, %jit3A_1033 : i32
      %ne3A_1051 = arith.constant 0 : i32
      %ne3A_1052 = arith.cmpi ne, %rem3A_1050, %ne3A_1051 : i32
      %and3A_1053 = arith.andi %ne3A_1049, %ne3A_1052 : i1
      %sub3A_1054 = arith.constant 1 : i32
      %sub3A_1055 = arith.subi %div3A_1034, %sub3A_1054 : i32
      %select_n3A_1056 = arith.select %and3A_1053, %sub3A_1055, %div3A_1034 : i32
      %mul3A_1057 = arith.constant 3 : i32
      %mul3A_1058 = arith.muli %select_n3A_1056, %mul3A_1057 : i32
      %sub3A_1059 = arith.subi %add3A_1032, %mul3A_1058 : i32
      %lt3A_1060 = arith.constant 2 : i32
      %lt3A_1061 = arith.cmpi slt, %select_n3A_1005, %lt3A_1060 : i32
      %mul3A_1062 = arith.constant 48 : i32
      %mul3A_1063 = arith.muli %mul3A_1062, %select_n3A_1005 : i32
      %mul3A_1064 = arith.constant 64 : i32
      %mul3A_1065 = arith.muli %mul3A_1064, %select_n3A_1005 : i32
      %sub3A_1066 = arith.constant 32 : i32
      %sub3A_1067 = arith.subi %mul3A_1065, %sub3A_1066 : i32
      %select_n3A_1068 = arith.select %lt3A_1061, %mul3A_1063, %sub3A_1067 : i32
      %lt3A_1069 = arith.constant 2 : i32
      %lt3A_1070 = arith.cmpi slt, %select_n3A_1005, %lt3A_1069 : i32
      %convert_element_type3A_1071 = arith.extui %lt3A_1070 : i1 to i32
      %cond3A_1072 = arith.constant 0 : i32
      %cond3A_1073 = arith.cmpi ne, %convert_element_type3A_1071, %cond3A_1072 : i32
      scf.if %cond3A_1073 {
        %dma_start3A_1359 = arith.constant 0 : i32
        %dma_start3A_1360 = arith.constant 0 : i32
        %dma_start3A_1361 = tpu.memref_slice %arg9[%dma_start3A_1359, %dma_start3A_1360] : memref<64x224xf32, #tpu.memory_space<vmem>> -> memref<48x224xf32, #tpu.memory_space<vmem>>
        %dma_start3A_1362 = arith.constant 0 : i32
        %dma_start3A_1363 = tpu.memref_slice %arg5[%select_n3A_1056, %sub3A_1059, %select_n3A_1068, %dma_start3A_1362] : memref<256x3x224x224xf32, #tpu.memory_space<hbm>> -> memref<1x1x48x224xf32, #tpu.memory_space<hbm>>
        %dma_start3A_1364 = tpu.memref_squeeze %dma_start3A_1363 : memref<1x1x48x224xf32, #tpu.memory_space<hbm>> -> memref<48x224xf32, #tpu.memory_space<hbm>>
        %dma_start3A_1365 = arith.constant 0 : i32
        %dma_start3A_1366 = tpu.memref_slice %arg5[%select_n3A_1056, %sub3A_1059, %select_n3A_1068, %dma_start3A_1365] : memref<256x3x224x224xf32, #tpu.memory_space<hbm>> -> memref<1x1x48x224xf32, #tpu.memory_space<hbm>>
        %dma_start3A_1367 = tpu.memref_squeeze %dma_start3A_1366 : memref<1x1x48x224xf32, #tpu.memory_space<hbm>> -> memref<48x224xf32, #tpu.memory_space<hbm>>
        %dma_start3A_1368 = arith.constant 0 : i32
        %dma_start3A_1369 = arith.constant 0 : i32
        %dma_start3A_1370 = tpu.memref_slice %arg9[%dma_start3A_1368, %dma_start3A_1369] : memref<64x224xf32, #tpu.memory_space<vmem>> -> memref<48x224xf32, #tpu.memory_space<vmem>>
        tpu.enqueue_dma source(%dma_start3A_1370 : memref<48x224xf32, #tpu.memory_space<vmem>>) target(%dma_start3A_1367 : memref<48x224xf32, #tpu.memory_space<hbm>>) target_semaphore(%arg28 : memref<!tpu.dma_semaphore, #tpu.memory_space<semaphore_mem>>)
      } else {
      }
      %ge3A_1074 = arith.constant 2 : i32
      %ge3A_1075 = arith.cmpi sge, %select_n3A_1005, %ge3A_1074 : i32
      %convert_element_type3A_1076 = arith.extui %ge3A_1075 : i1 to i32
      %cond3A_1077 = arith.constant 0 : i32
      %cond3A_1078 = arith.cmpi ne, %convert_element_type3A_1076, %cond3A_1077 : i32
      scf.if %cond3A_1078 {
        %dma_start3A_1359 = arith.constant 0 : i32
        %dma_start3A_1360 = tpu.memref_slice %arg5[%select_n3A_1056, %sub3A_1059, %select_n3A_1068, %dma_start3A_1359] : memref<256x3x224x224xf32, #tpu.memory_space<hbm>> -> memref<1x1x64x224xf32, #tpu.memory_space<hbm>>
        %dma_start3A_1361 = tpu.memref_squeeze %dma_start3A_1360 : memref<1x1x64x224xf32, #tpu.memory_space<hbm>> -> memref<64x224xf32, #tpu.memory_space<hbm>>
        %dma_start3A_1362 = arith.constant 0 : i32
        %dma_start3A_1363 = tpu.memref_slice %arg5[%select_n3A_1056, %sub3A_1059, %select_n3A_1068, %dma_start3A_1362] : memref<256x3x224x224xf32, #tpu.memory_space<hbm>> -> memref<1x1x64x224xf32, #tpu.memory_space<hbm>>
        %dma_start3A_1364 = tpu.memref_squeeze %dma_start3A_1363 : memref<1x1x64x224xf32, #tpu.memory_space<hbm>> -> memref<64x224xf32, #tpu.memory_space<hbm>>
        tpu.enqueue_dma source(%arg9 : memref<64x224xf32, #tpu.memory_space<vmem>>) target(%dma_start3A_1364 : memref<64x224xf32, #tpu.memory_space<hbm>>) target_semaphore(%arg28 : memref<!tpu.dma_semaphore, #tpu.memory_space<semaphore_mem>>)
      } else {
      }
      %add3A_1079 = arith.constant 2 : i32
      %add3A_1080 = arith.addi %add3A_816, %add3A_1079 : i32
      %lt3A_1081 = arith.constant 96 : i32
      %lt3A_1082 = arith.cmpi slt, %add3A_1080, %lt3A_1081 : i32
      %convert_element_type3A_1083 = arith.extui %lt3A_1082 : i1 to i32
      %cond3A_1084 = arith.constant 0 : i32
      %cond3A_1085 = arith.cmpi ne, %convert_element_type3A_1083, %cond3A_1084 : i32
      scf.if %cond3A_1085 {
        %ge3A_1359 = arith.constant 4 : i32
        %ge3A_1360 = arith.cmpi sge, %add3A_1080, %ge3A_1359 : i32
        %convert_element_type3A_1361 = arith.extui %ge3A_1360 : i1 to i32
        %cond3A_1362 = arith.constant 0 : i32
        %cond3A_1363 = arith.cmpi ne, %convert_element_type3A_1361, %cond3A_1362 : i32
        scf.if %cond3A_1363 {
          %sub3A_1453 = arith.constant 4 : i32
          %sub3A_1454 = arith.subi %add3A_1080, %sub3A_1453 : i32
          %jit3A_1455 = arith.constant 4 : i32
          %eq3A_1456 = arith.constant 0 : i32
          %eq3A_1457 = arith.cmpi eq, %jit3A_1455, %eq3A_1456 : i32
          %jit3A_1458 = arith.constant 1 : i32
          %select_n3A_1459 = arith.select %eq3A_1457, %jit3A_1458, %jit3A_1455 : i32
          %rem3A_1460 = arith.remsi %sub3A_1454, %select_n3A_1459 : i32
          %ne3A_1461 = arith.constant 0 : i32
          %ne3A_1462 = arith.cmpi ne, %rem3A_1460, %ne3A_1461 : i32
          %lt3A_1463 = arith.constant 0 : i32
          %lt3A_1464 = arith.cmpi slt, %rem3A_1460, %lt3A_1463 : i32
          %lt3A_1465 = arith.constant 0 : i32
          %lt3A_1466 = arith.cmpi slt, %select_n3A_1459, %lt3A_1465 : i32
          %ne3A_1467 = arith.xori %lt3A_1464, %lt3A_1466 : i1
          %and3A_1468 = arith.andi %ne3A_1467, %ne3A_1462 : i1
          %add3A_1469 = arith.addi %rem3A_1460, %select_n3A_1459 : i32
          %select_n3A_1470 = arith.select %and3A_1468, %add3A_1469, %rem3A_1460 : i32
          %mul3A_1471 = arith.constant 24 : i32
          %mul3A_1472 = arith.muli %add3A, %mul3A_1471 : i32
          %jit3A_1473 = arith.constant 4 : i32
          %div3A_1474 = arith.divsi %sub3A_1454, %jit3A_1473 : i32
          %sign3A_1475 = arith.constant 0 : i32
          %sign3A_1476 = arith.cmpi sgt, %sub3A_1454, %sign3A_1475 : i32
          %sign3A_1477 = arith.extui %sign3A_1476 : i1 to i32
          %sign3A_1478 = arith.constant 0 : i32
          %sign3A_1479 = arith.cmpi slt, %sub3A_1454, %sign3A_1478 : i32
          %sign3A_1480 = arith.extui %sign3A_1479 : i1 to i32
          %sign3A_1481 = arith.subi %sign3A_1477, %sign3A_1480 : i32
          %sign3A_1482 = arith.constant 0 : i32
          %sign3A_1483 = arith.cmpi sgt, %jit3A_1473, %sign3A_1482 : i32
          %sign3A_1484 = arith.extui %sign3A_1483 : i1 to i32
          %sign3A_1485 = arith.constant 0 : i32
          %sign3A_1486 = arith.cmpi slt, %jit3A_1473, %sign3A_1485 : i32
          %sign3A_1487 = arith.extui %sign3A_1486 : i1 to i32
          %sign3A_1488 = arith.subi %sign3A_1484, %sign3A_1487 : i32
          %ne3A_1489 = arith.cmpi ne, %sign3A_1481, %sign3A_1488 : i32
          %rem3A_1490 = arith.remsi %sub3A_1454, %jit3A_1473 : i32
          %ne3A_1491 = arith.constant 0 : i32
          %ne3A_1492 = arith.cmpi ne, %rem3A_1490, %ne3A_1491 : i32
          %and3A_1493 = arith.andi %ne3A_1489, %ne3A_1492 : i1
          %sub3A_1494 = arith.constant 1 : i32
          %sub3A_1495 = arith.subi %div3A_1474, %sub3A_1494 : i32
          %select_n3A_1496 = arith.select %and3A_1493, %sub3A_1495, %div3A_1474 : i32
          %add3A_1497 = arith.addi %mul3A_1472, %select_n3A_1496 : i32
          %jit3A_1498 = arith.constant 3 : i32
          %div3A_1499 = arith.divsi %add3A_1497, %jit3A_1498 : i32
          %sign3A_1500 = arith.constant 0 : i32
          %sign3A_1501 = arith.cmpi sgt, %add3A_1497, %sign3A_1500 : i32
          %sign3A_1502 = arith.extui %sign3A_1501 : i1 to i32
          %sign3A_1503 = arith.constant 0 : i32
          %sign3A_1504 = arith.cmpi slt, %add3A_1497, %sign3A_1503 : i32
          %sign3A_1505 = arith.extui %sign3A_1504 : i1 to i32
          %sign3A_1506 = arith.subi %sign3A_1502, %sign3A_1505 : i32
          %sign3A_1507 = arith.constant 0 : i32
          %sign3A_1508 = arith.cmpi sgt, %jit3A_1498, %sign3A_1507 : i32
          %sign3A_1509 = arith.extui %sign3A_1508 : i1 to i32
          %sign3A_1510 = arith.constant 0 : i32
          %sign3A_1511 = arith.cmpi slt, %jit3A_1498, %sign3A_1510 : i32
          %sign3A_1512 = arith.extui %sign3A_1511 : i1 to i32
          %sign3A_1513 = arith.subi %sign3A_1509, %sign3A_1512 : i32
          %ne3A_1514 = arith.cmpi ne, %sign3A_1506, %sign3A_1513 : i32
          %rem3A_1515 = arith.remsi %add3A_1497, %jit3A_1498 : i32
          %ne3A_1516 = arith.constant 0 : i32
          %ne3A_1517 = arith.cmpi ne, %rem3A_1515, %ne3A_1516 : i32
          %and3A_1518 = arith.andi %ne3A_1514, %ne3A_1517 : i1
          %sub3A_1519 = arith.constant 1 : i32
          %sub3A_1520 = arith.subi %div3A_1499, %sub3A_1519 : i32
          %select_n3A_1521 = arith.select %and3A_1518, %sub3A_1520, %div3A_1499 : i32
          %mul3A_1522 = arith.constant 3 : i32
          %mul3A_1523 = arith.muli %select_n3A_1521, %mul3A_1522 : i32
          %sub3A_1524 = arith.subi %add3A_1497, %mul3A_1523 : i32
          %lt3A_1525 = arith.constant 2 : i32
          %lt3A_1526 = arith.cmpi slt, %select_n3A_1470, %lt3A_1525 : i32
          %mul3A_1527 = arith.constant 48 : i32
          %mul3A_1528 = arith.muli %mul3A_1527, %select_n3A_1470 : i32
          %mul3A_1529 = arith.constant 64 : i32
          %mul3A_1530 = arith.muli %mul3A_1529, %select_n3A_1470 : i32
          %sub3A_1531 = arith.constant 32 : i32
          %sub3A_1532 = arith.subi %mul3A_1530, %sub3A_1531 : i32
          %select_n3A_1533 = arith.select %lt3A_1526, %mul3A_1528, %sub3A_1532 : i32
          %lt3A_1534 = arith.constant 2 : i32
          %lt3A_1535 = arith.cmpi slt, %select_n3A_1470, %lt3A_1534 : i32
          %convert_element_type3A_1536 = arith.extui %lt3A_1535 : i1 to i32
          %cond3A_1537 = arith.constant 0 : i32
          %cond3A_1538 = arith.cmpi ne, %convert_element_type3A_1536, %cond3A_1537 : i32
          scf.if %cond3A_1538 {
            %dma_wait3A_1544 = arith.constant 0 : i32
            %dma_wait3A_1545 = arith.constant 0 : i32
            %dma_wait3A_1546 = tpu.memref_slice %arg7[%dma_wait3A_1544, %dma_wait3A_1545] : memref<64x224xf32, #tpu.memory_space<vmem>> -> memref<48x224xf32, #tpu.memory_space<vmem>>
            %dma_wait3A_1547 = arith.constant 0 : i32
            %dma_wait3A_1548 = tpu.memref_slice %arg5[%select_n3A_1521, %sub3A_1524, %select_n3A_1533, %dma_wait3A_1547] : memref<256x3x224x224xf32, #tpu.memory_space<hbm>> -> memref<1x1x48x224xf32, #tpu.memory_space<hbm>>
            %dma_wait3A_1549 = tpu.memref_squeeze %dma_wait3A_1548 : memref<1x1x48x224xf32, #tpu.memory_space<hbm>> -> memref<48x224xf32, #tpu.memory_space<hbm>>
            %dma_wait3A_1550 = arith.constant 0 : i32
            %dma_wait3A_1551 = tpu.memref_slice %arg5[%select_n3A_1521, %sub3A_1524, %select_n3A_1533, %dma_wait3A_1550] : memref<256x3x224x224xf32, #tpu.memory_space<hbm>> -> memref<1x1x48x224xf32, #tpu.memory_space<hbm>>
            %dma_wait3A_1552 = tpu.memref_squeeze %dma_wait3A_1551 : memref<1x1x48x224xf32, #tpu.memory_space<hbm>> -> memref<48x224xf32, #tpu.memory_space<hbm>>
            %dma_wait3A_1553 = arith.constant 0 : i32
            %dma_wait3A_1554 = arith.constant 0 : i32
            %dma_wait3A_1555 = tpu.memref_slice %arg7[%dma_wait3A_1553, %dma_wait3A_1554] : memref<64x224xf32, #tpu.memory_space<vmem>> -> memref<48x224xf32, #tpu.memory_space<vmem>>
            tpu.wait_dma2 semaphore(%arg26 : memref<!tpu.dma_semaphore, #tpu.memory_space<semaphore_mem>>) src(%dma_wait3A_1555 : memref<48x224xf32, #tpu.memory_space<vmem>>) dst(%dma_wait3A_1552 : memref<48x224xf32, #tpu.memory_space<hbm>>)
          } else {
          }
          %ge3A_1539 = arith.constant 2 : i32
          %ge3A_1540 = arith.cmpi sge, %select_n3A_1470, %ge3A_1539 : i32
          %convert_element_type3A_1541 = arith.extui %ge3A_1540 : i1 to i32
          %cond3A_1542 = arith.constant 0 : i32
          %cond3A_1543 = arith.cmpi ne, %convert_element_type3A_1541, %cond3A_1542 : i32
          scf.if %cond3A_1543 {
            %dma_wait3A_1544 = arith.constant 0 : i32
            %dma_wait3A_1545 = tpu.memref_slice %arg5[%select_n3A_1521, %sub3A_1524, %select_n3A_1533, %dma_wait3A_1544] : memref<256x3x224x224xf32, #tpu.memory_space<hbm>> -> memref<1x1x64x224xf32, #tpu.memory_space<hbm>>
            %dma_wait3A_1546 = tpu.memref_squeeze %dma_wait3A_1545 : memref<1x1x64x224xf32, #tpu.memory_space<hbm>> -> memref<64x224xf32, #tpu.memory_space<hbm>>
            %dma_wait3A_1547 = arith.constant 0 : i32
            %dma_wait3A_1548 = tpu.memref_slice %arg5[%select_n3A_1521, %sub3A_1524, %select_n3A_1533, %dma_wait3A_1547] : memref<256x3x224x224xf32, #tpu.memory_space<hbm>> -> memref<1x1x64x224xf32, #tpu.memory_space<hbm>>
            %dma_wait3A_1549 = tpu.memref_squeeze %dma_wait3A_1548 : memref<1x1x64x224xf32, #tpu.memory_space<hbm>> -> memref<64x224xf32, #tpu.memory_space<hbm>>
            tpu.wait_dma2 semaphore(%arg26 : memref<!tpu.dma_semaphore, #tpu.memory_space<semaphore_mem>>) src(%arg7 : memref<64x224xf32, #tpu.memory_space<vmem>>) dst(%dma_wait3A_1549 : memref<64x224xf32, #tpu.memory_space<hbm>>)
          } else {
          }
        } else {
        }
        %jit3A_1364 = arith.constant 4 : i32
        %eq3A_1365 = arith.constant 0 : i32
        %eq3A_1366 = arith.cmpi eq, %jit3A_1364, %eq3A_1365 : i32
        %jit3A_1367 = arith.constant 1 : i32
        %select_n3A_1368 = arith.select %eq3A_1366, %jit3A_1367, %jit3A_1364 : i32
        %rem3A_1369 = arith.remsi %add3A_1080, %select_n3A_1368 : i32
        %ne3A_1370 = arith.constant 0 : i32
        %ne3A_1371 = arith.cmpi ne, %rem3A_1369, %ne3A_1370 : i32
        %lt3A_1372 = arith.constant 0 : i32
        %lt3A_1373 = arith.cmpi slt, %rem3A_1369, %lt3A_1372 : i32
        %lt3A_1374 = arith.constant 0 : i32
        %lt3A_1375 = arith.cmpi slt, %select_n3A_1368, %lt3A_1374 : i32
        %ne3A_1376 = arith.xori %lt3A_1373, %lt3A_1375 : i1
        %and3A_1377 = arith.andi %ne3A_1376, %ne3A_1371 : i1
        %add3A_1378 = arith.addi %rem3A_1369, %select_n3A_1368 : i32
        %select_n3A_1379 = arith.select %and3A_1377, %add3A_1378, %rem3A_1369 : i32
        %mul3A_1380 = arith.constant 24 : i32
        %mul3A_1381 = arith.muli %add3A, %mul3A_1380 : i32
        %jit3A_1382 = arith.constant 4 : i32
        %div3A_1383 = arith.divsi %add3A_1080, %jit3A_1382 : i32
        %sign3A_1384 = arith.constant 0 : i32
        %sign3A_1385 = arith.cmpi sgt, %add3A_1080, %sign3A_1384 : i32
        %sign3A_1386 = arith.extui %sign3A_1385 : i1 to i32
        %sign3A_1387 = arith.constant 0 : i32
        %sign3A_1388 = arith.cmpi slt, %add3A_1080, %sign3A_1387 : i32
        %sign3A_1389 = arith.extui %sign3A_1388 : i1 to i32
        %sign3A_1390 = arith.subi %sign3A_1386, %sign3A_1389 : i32
        %sign3A_1391 = arith.constant 0 : i32
        %sign3A_1392 = arith.cmpi sgt, %jit3A_1382, %sign3A_1391 : i32
        %sign3A_1393 = arith.extui %sign3A_1392 : i1 to i32
        %sign3A_1394 = arith.constant 0 : i32
        %sign3A_1395 = arith.cmpi slt, %jit3A_1382, %sign3A_1394 : i32
        %sign3A_1396 = arith.extui %sign3A_1395 : i1 to i32
        %sign3A_1397 = arith.subi %sign3A_1393, %sign3A_1396 : i32
        %ne3A_1398 = arith.cmpi ne, %sign3A_1390, %sign3A_1397 : i32
        %rem3A_1399 = arith.remsi %add3A_1080, %jit3A_1382 : i32
        %ne3A_1400 = arith.constant 0 : i32
        %ne3A_1401 = arith.cmpi ne, %rem3A_1399, %ne3A_1400 : i32
        %and3A_1402 = arith.andi %ne3A_1398, %ne3A_1401 : i1
        %sub3A_1403 = arith.constant 1 : i32
        %sub3A_1404 = arith.subi %div3A_1383, %sub3A_1403 : i32
        %select_n3A_1405 = arith.select %and3A_1402, %sub3A_1404, %div3A_1383 : i32
        %add3A_1406 = arith.addi %mul3A_1381, %select_n3A_1405 : i32
        %jit3A_1407 = arith.constant 3 : i32
        %div3A_1408 = arith.divsi %add3A_1406, %jit3A_1407 : i32
        %sign3A_1409 = arith.constant 0 : i32
        %sign3A_1410 = arith.cmpi sgt, %add3A_1406, %sign3A_1409 : i32
        %sign3A_1411 = arith.extui %sign3A_1410 : i1 to i32
        %sign3A_1412 = arith.constant 0 : i32
        %sign3A_1413 = arith.cmpi slt, %add3A_1406, %sign3A_1412 : i32
        %sign3A_1414 = arith.extui %sign3A_1413 : i1 to i32
        %sign3A_1415 = arith.subi %sign3A_1411, %sign3A_1414 : i32
        %sign3A_1416 = arith.constant 0 : i32
        %sign3A_1417 = arith.cmpi sgt, %jit3A_1407, %sign3A_1416 : i32
        %sign3A_1418 = arith.extui %sign3A_1417 : i1 to i32
        %sign3A_1419 = arith.constant 0 : i32
        %sign3A_1420 = arith.cmpi slt, %jit3A_1407, %sign3A_1419 : i32
        %sign3A_1421 = arith.extui %sign3A_1420 : i1 to i32
        %sign3A_1422 = arith.subi %sign3A_1418, %sign3A_1421 : i32
        %ne3A_1423 = arith.cmpi ne, %sign3A_1415, %sign3A_1422 : i32
        %rem3A_1424 = arith.remsi %add3A_1406, %jit3A_1407 : i32
        %ne3A_1425 = arith.constant 0 : i32
        %ne3A_1426 = arith.cmpi ne, %rem3A_1424, %ne3A_1425 : i32
        %and3A_1427 = arith.andi %ne3A_1423, %ne3A_1426 : i1
        %sub3A_1428 = arith.constant 1 : i32
        %sub3A_1429 = arith.subi %div3A_1408, %sub3A_1428 : i32
        %select_n3A_1430 = arith.select %and3A_1427, %sub3A_1429, %div3A_1408 : i32
        %mul3A_1431 = arith.constant 3 : i32
        %mul3A_1432 = arith.muli %select_n3A_1430, %mul3A_1431 : i32
        %sub3A_1433 = arith.subi %add3A_1406, %mul3A_1432 : i32
        %lt3A_1434 = arith.constant 2 : i32
        %lt3A_1435 = arith.cmpi slt, %select_n3A_1379, %lt3A_1434 : i32
        %mul3A_1436 = arith.constant 48 : i32
        %mul3A_1437 = arith.muli %mul3A_1436, %select_n3A_1379 : i32
        %mul3A_1438 = arith.constant 64 : i32
        %mul3A_1439 = arith.muli %mul3A_1438, %select_n3A_1379 : i32
        %sub3A_1440 = arith.constant 32 : i32
        %sub3A_1441 = arith.subi %mul3A_1439, %sub3A_1440 : i32
        %select_n3A_1442 = arith.select %lt3A_1435, %mul3A_1437, %sub3A_1441 : i32
        %lt3A_1443 = arith.constant 2 : i32
        %lt3A_1444 = arith.cmpi slt, %select_n3A_1379, %lt3A_1443 : i32
        %convert_element_type3A_1445 = arith.extui %lt3A_1444 : i1 to i32
        %cond3A_1446 = arith.constant 0 : i32
        %cond3A_1447 = arith.cmpi ne, %convert_element_type3A_1445, %cond3A_1446 : i32
        scf.if %cond3A_1447 {
          %dma_start3A_1453 = arith.constant 0 : i32
          %dma_start3A_1454 = arith.constant 0 : i32
          %dma_start3A_1455 = tpu.memref_slice %arg7[%dma_start3A_1453, %dma_start3A_1454] : memref<64x224xf32, #tpu.memory_space<vmem>> -> memref<48x224xf32, #tpu.memory_space<vmem>>
          %dma_start3A_1456 = arith.constant 0 : i32
          %dma_start3A_1457 = tpu.memref_slice %arg2[%select_n3A_1430, %sub3A_1433, %select_n3A_1442, %dma_start3A_1456] : memref<256x3x224x224xf32, #tpu.memory_space<hbm>> -> memref<1x1x48x224xf32, #tpu.memory_space<hbm>>
          %dma_start3A_1458 = tpu.memref_squeeze %dma_start3A_1457 : memref<1x1x48x224xf32, #tpu.memory_space<hbm>> -> memref<48x224xf32, #tpu.memory_space<hbm>>
          %dma_start3A_1459 = arith.constant 0 : i32
          %dma_start3A_1460 = arith.constant 0 : i32
          %dma_start3A_1461 = tpu.memref_slice %arg7[%dma_start3A_1459, %dma_start3A_1460] : memref<64x224xf32, #tpu.memory_space<vmem>> -> memref<48x224xf32, #tpu.memory_space<vmem>>
          %dma_start3A_1462 = arith.constant 0 : i32
          %dma_start3A_1463 = tpu.memref_slice %arg2[%select_n3A_1430, %sub3A_1433, %select_n3A_1442, %dma_start3A_1462] : memref<256x3x224x224xf32, #tpu.memory_space<hbm>> -> memref<1x1x48x224xf32, #tpu.memory_space<hbm>>
          %dma_start3A_1464 = tpu.memref_squeeze %dma_start3A_1463 : memref<1x1x48x224xf32, #tpu.memory_space<hbm>> -> memref<48x224xf32, #tpu.memory_space<hbm>>
          tpu.enqueue_dma source(%dma_start3A_1464 : memref<48x224xf32, #tpu.memory_space<hbm>>) target(%dma_start3A_1461 : memref<48x224xf32, #tpu.memory_space<vmem>>) target_semaphore(%arg18 : memref<!tpu.dma_semaphore, #tpu.memory_space<semaphore_mem>>)
        } else {
        }
        %ge3A_1448 = arith.constant 2 : i32
        %ge3A_1449 = arith.cmpi sge, %select_n3A_1379, %ge3A_1448 : i32
        %convert_element_type3A_1450 = arith.extui %ge3A_1449 : i1 to i32
        %cond3A_1451 = arith.constant 0 : i32
        %cond3A_1452 = arith.cmpi ne, %convert_element_type3A_1450, %cond3A_1451 : i32
        scf.if %cond3A_1452 {
          %dma_start3A_1453 = arith.constant 0 : i32
          %dma_start3A_1454 = tpu.memref_slice %arg2[%select_n3A_1430, %sub3A_1433, %select_n3A_1442, %dma_start3A_1453] : memref<256x3x224x224xf32, #tpu.memory_space<hbm>> -> memref<1x1x64x224xf32, #tpu.memory_space<hbm>>
          %dma_start3A_1455 = tpu.memref_squeeze %dma_start3A_1454 : memref<1x1x64x224xf32, #tpu.memory_space<hbm>> -> memref<64x224xf32, #tpu.memory_space<hbm>>
          %dma_start3A_1456 = arith.constant 0 : i32
          %dma_start3A_1457 = tpu.memref_slice %arg2[%select_n3A_1430, %sub3A_1433, %select_n3A_1442, %dma_start3A_1456] : memref<256x3x224x224xf32, #tpu.memory_space<hbm>> -> memref<1x1x64x224xf32, #tpu.memory_space<hbm>>
          %dma_start3A_1458 = tpu.memref_squeeze %dma_start3A_1457 : memref<1x1x64x224xf32, #tpu.memory_space<hbm>> -> memref<64x224xf32, #tpu.memory_space<hbm>>
          tpu.enqueue_dma source(%dma_start3A_1458 : memref<64x224xf32, #tpu.memory_space<hbm>>) target(%arg7 : memref<64x224xf32, #tpu.memory_space<vmem>>) target_semaphore(%arg18 : memref<!tpu.dma_semaphore, #tpu.memory_space<semaphore_mem>>)
          %broadcast_in_dim3A = vector.broadcast %select_n3A_1430 : i32 to vector<16xi32>
          %gather3A = tpu.vector_load_idx %arg15[%broadcast_in_dim3A] : memref<256xi32, #tpu.memory_space<vmem>>[vector<16xi32>], vector<16xi32>,
          %reduce_max3A = arith.constant true
          %reduce_max3A_1459 = vector.broadcast %reduce_max3A : i1 to vector<16xi1>
          %reduce_max3A_1460 = arith.constant -2147483648 : i32
          %reduce_max3A_1461 = vector.broadcast %reduce_max3A_1460 : i32 to vector<16xi32>
          %reduce_max3A_1462 = arith.xori %gather3A, %reduce_max3A_1461 : vector<16xi32>
          %reduce_max3A_1463 = tpu.scan <max>, %reduce_max3A_1462 masked %reduce_max3A_1459 : vector<16xi32>, vector<16xi1> -> vector<16xi32>
          %reduce_max3A_1464 = arith.xori %reduce_max3A_1463, %reduce_max3A_1461 : vector<16xi32>
          %reduce_max3A_1465 = vector.extract %reduce_max3A_1464[15] : i32 from vector<16xi32>
          %dma_start3A_1466 = arith.constant 0 : i32
          %dma_start3A_1467 = tpu.memref_slice %arg2[%reduce_max3A_1465, %sub3A_1433, %select_n3A_1442, %dma_start3A_1466] : memref<256x3x224x224xf32, #tpu.memory_space<hbm>> -> memref<1x1x64x128xf32, #tpu.memory_space<hbm>>
          %dma_start3A_1468 = tpu.memref_squeeze %dma_start3A_1467 : memref<1x1x64x128xf32, #tpu.memory_space<hbm>> -> memref<64x128xf32, #tpu.memory_space<hbm>>
          %dma_start3A_1469 = arith.constant 0 : i32
          %dma_start3A_1470 = tpu.memref_slice %arg2[%reduce_max3A_1465, %sub3A_1433, %select_n3A_1442, %dma_start3A_1469] : memref<256x3x224x224xf32, #tpu.memory_space<hbm>> -> memref<1x1x64x128xf32, #tpu.memory_space<hbm>>
          %dma_start3A_1471 = tpu.memref_squeeze %dma_start3A_1470 : memref<1x1x64x128xf32, #tpu.memory_space<hbm>> -> memref<64x128xf32, #tpu.memory_space<hbm>>
          tpu.enqueue_dma source(%dma_start3A_1471 : memref<64x128xf32, #tpu.memory_space<hbm>>) target(%arg11 : memref<64x128xf32, #tpu.memory_space<vmem>>) target_semaphore(%arg22 : memref<!tpu.dma_semaphore, #tpu.memory_space<semaphore_mem>>)
        } else {
        }
      } else {
      }
      %mul3A_1086 = arith.constant 4 : i32
      %mul3A_1087 = arith.muli %scan3A_268, %mul3A_1086 : i32
      %add3A_1088 = arith.constant 3 : i32
      %add3A_1089 = arith.addi %mul3A_1087, %add3A_1088 : i32
      %jit3A_1090 = arith.constant 4 : i32
      %eq3A_1091 = arith.constant 0 : i32
      %eq3A_1092 = arith.cmpi eq, %jit3A_1090, %eq3A_1091 : i32
      %jit3A_1093 = arith.constant 1 : i32
      %select_n3A_1094 = arith.select %eq3A_1092, %jit3A_1093, %jit3A_1090 : i32
      %rem3A_1095 = arith.remsi %add3A_1089, %select_n3A_1094 : i32
      %ne3A_1096 = arith.constant 0 : i32
      %ne3A_1097 = arith.cmpi ne, %rem3A_1095, %ne3A_1096 : i32
      %lt3A_1098 = arith.constant 0 : i32
      %lt3A_1099 = arith.cmpi slt, %rem3A_1095, %lt3A_1098 : i32
      %lt3A_1100 = arith.constant 0 : i32
      %lt3A_1101 = arith.cmpi slt, %select_n3A_1094, %lt3A_1100 : i32
      %ne3A_1102 = arith.xori %lt3A_1099, %lt3A_1101 : i1
      %and3A_1103 = arith.andi %ne3A_1102, %ne3A_1097 : i1
      %add3A_1104 = arith.addi %rem3A_1095, %select_n3A_1094 : i32
      %select_n3A_1105 = arith.select %and3A_1103, %add3A_1104, %rem3A_1095 : i32
      %mul3A_1106 = arith.constant 24 : i32
      %mul3A_1107 = arith.muli %add3A, %mul3A_1106 : i32
      %jit3A_1108 = arith.constant 4 : i32
      %div3A_1109 = arith.divsi %add3A_1089, %jit3A_1108 : i32
      %sign3A_1110 = arith.constant 0 : i32
      %sign3A_1111 = arith.cmpi sgt, %add3A_1089, %sign3A_1110 : i32
      %sign3A_1112 = arith.extui %sign3A_1111 : i1 to i32
      %sign3A_1113 = arith.constant 0 : i32
      %sign3A_1114 = arith.cmpi slt, %add3A_1089, %sign3A_1113 : i32
      %sign3A_1115 = arith.extui %sign3A_1114 : i1 to i32
      %sign3A_1116 = arith.subi %sign3A_1112, %sign3A_1115 : i32
      %sign3A_1117 = arith.constant 0 : i32
      %sign3A_1118 = arith.cmpi sgt, %jit3A_1108, %sign3A_1117 : i32
      %sign3A_1119 = arith.extui %sign3A_1118 : i1 to i32
      %sign3A_1120 = arith.constant 0 : i32
      %sign3A_1121 = arith.cmpi slt, %jit3A_1108, %sign3A_1120 : i32
      %sign3A_1122 = arith.extui %sign3A_1121 : i1 to i32
      %sign3A_1123 = arith.subi %sign3A_1119, %sign3A_1122 : i32
      %ne3A_1124 = arith.cmpi ne, %sign3A_1116, %sign3A_1123 : i32
      %rem3A_1125 = arith.remsi %add3A_1089, %jit3A_1108 : i32
      %ne3A_1126 = arith.constant 0 : i32
      %ne3A_1127 = arith.cmpi ne, %rem3A_1125, %ne3A_1126 : i32
      %and3A_1128 = arith.andi %ne3A_1124, %ne3A_1127 : i1
      %sub3A_1129 = arith.constant 1 : i32
      %sub3A_1130 = arith.subi %div3A_1109, %sub3A_1129 : i32
      %select_n3A_1131 = arith.select %and3A_1128, %sub3A_1130, %div3A_1109 : i32
      %add3A_1132 = arith.addi %mul3A_1107, %select_n3A_1131 : i32
      %jit3A_1133 = arith.constant 3 : i32
      %div3A_1134 = arith.divsi %add3A_1132, %jit3A_1133 : i32
      %sign3A_1135 = arith.constant 0 : i32
      %sign3A_1136 = arith.cmpi sgt, %add3A_1132, %sign3A_1135 : i32
      %sign3A_1137 = arith.extui %sign3A_1136 : i1 to i32
      %sign3A_1138 = arith.constant 0 : i32
      %sign3A_1139 = arith.cmpi slt, %add3A_1132, %sign3A_1138 : i32
      %sign3A_1140 = arith.extui %sign3A_1139 : i1 to i32
      %sign3A_1141 = arith.subi %sign3A_1137, %sign3A_1140 : i32
      %sign3A_1142 = arith.constant 0 : i32
      %sign3A_1143 = arith.cmpi sgt, %jit3A_1133, %sign3A_1142 : i32
      %sign3A_1144 = arith.extui %sign3A_1143 : i1 to i32
      %sign3A_1145 = arith.constant 0 : i32
      %sign3A_1146 = arith.cmpi slt, %jit3A_1133, %sign3A_1145 : i32
      %sign3A_1147 = arith.extui %sign3A_1146 : i1 to i32
      %sign3A_1148 = arith.subi %sign3A_1144, %sign3A_1147 : i32
      %ne3A_1149 = arith.cmpi ne, %sign3A_1141, %sign3A_1148 : i32
      %rem3A_1150 = arith.remsi %add3A_1132, %jit3A_1133 : i32
      %ne3A_1151 = arith.constant 0 : i32
      %ne3A_1152 = arith.cmpi ne, %rem3A_1150, %ne3A_1151 : i32
      %and3A_1153 = arith.andi %ne3A_1149, %ne3A_1152 : i1
      %sub3A_1154 = arith.constant 1 : i32
      %sub3A_1155 = arith.subi %div3A_1134, %sub3A_1154 : i32
      %select_n3A_1156 = arith.select %and3A_1153, %sub3A_1155, %div3A_1134 : i32
      %mul3A_1157 = arith.constant 3 : i32
      %mul3A_1158 = arith.muli %select_n3A_1156, %mul3A_1157 : i32
      %sub3A_1159 = arith.subi %add3A_1132, %mul3A_1158 : i32
      %lt3A_1160 = arith.constant 2 : i32
      %lt3A_1161 = arith.cmpi slt, %select_n3A_1105, %lt3A_1160 : i32
      %mul3A_1162 = arith.constant 48 : i32
      %mul3A_1163 = arith.muli %mul3A_1162, %select_n3A_1105 : i32
      %mul3A_1164 = arith.constant 64 : i32
      %mul3A_1165 = arith.muli %mul3A_1164, %select_n3A_1105 : i32
      %sub3A_1166 = arith.constant 32 : i32
      %sub3A_1167 = arith.subi %mul3A_1165, %sub3A_1166 : i32
      %select_n3A_1168 = arith.select %lt3A_1161, %mul3A_1163, %sub3A_1167 : i32
      %lt3A_1169 = arith.constant 2 : i32
      %lt3A_1170 = arith.cmpi slt, %select_n3A_1105, %lt3A_1169 : i32
      %convert_element_type3A_1171 = arith.extui %lt3A_1170 : i1 to i32
      %cond3A_1172 = arith.constant 0 : i32
      %cond3A_1173 = arith.cmpi ne, %convert_element_type3A_1171, %cond3A_1172 : i32
      scf.if %cond3A_1173 {
        %dma_wait3A_1359 = arith.constant 0 : i32
        %dma_wait3A_1360 = arith.constant 0 : i32
        %dma_wait3A_1361 = tpu.memref_slice %arg10[%dma_wait3A_1359, %dma_wait3A_1360] : memref<64x224xf32, #tpu.memory_space<vmem>> -> memref<48x224xf32, #tpu.memory_space<vmem>>
        %dma_wait3A_1362 = arith.constant 0 : i32
        %dma_wait3A_1363 = tpu.memref_slice %arg2[%select_n3A_1156, %sub3A_1159, %select_n3A_1168, %dma_wait3A_1362] : memref<256x3x224x224xf32, #tpu.memory_space<hbm>> -> memref<1x1x48x224xf32, #tpu.memory_space<hbm>>
        %dma_wait3A_1364 = tpu.memref_squeeze %dma_wait3A_1363 : memref<1x1x48x224xf32, #tpu.memory_space<hbm>> -> memref<48x224xf32, #tpu.memory_space<hbm>>
        %dma_wait3A_1365 = arith.constant 0 : i32
        %dma_wait3A_1366 = arith.constant 0 : i32
        %dma_wait3A_1367 = tpu.memref_slice %arg10[%dma_wait3A_1365, %dma_wait3A_1366] : memref<64x224xf32, #tpu.memory_space<vmem>> -> memref<48x224xf32, #tpu.memory_space<vmem>>
        %dma_wait3A_1368 = arith.constant 0 : i32
        %dma_wait3A_1369 = tpu.memref_slice %arg2[%select_n3A_1156, %sub3A_1159, %select_n3A_1168, %dma_wait3A_1368] : memref<256x3x224x224xf32, #tpu.memory_space<hbm>> -> memref<1x1x48x224xf32, #tpu.memory_space<hbm>>
        %dma_wait3A_1370 = tpu.memref_squeeze %dma_wait3A_1369 : memref<1x1x48x224xf32, #tpu.memory_space<hbm>> -> memref<48x224xf32, #tpu.memory_space<hbm>>
        tpu.wait_dma2 semaphore(%arg21 : memref<!tpu.dma_semaphore, #tpu.memory_space<semaphore_mem>>) src(%dma_wait3A_1370 : memref<48x224xf32, #tpu.memory_space<hbm>>) dst(%dma_wait3A_1367 : memref<48x224xf32, #tpu.memory_space<vmem>>)
      } else {
      }
      %ge3A_1174 = arith.constant 2 : i32
      %ge3A_1175 = arith.cmpi sge, %select_n3A_1105, %ge3A_1174 : i32
      %convert_element_type3A_1176 = arith.extui %ge3A_1175 : i1 to i32
      %cond3A_1177 = arith.constant 0 : i32
      %cond3A_1178 = arith.cmpi ne, %convert_element_type3A_1176, %cond3A_1177 : i32
      scf.if %cond3A_1178 {
        %dma_wait3A_1359 = arith.constant 0 : i32
        %dma_wait3A_1360 = tpu.memref_slice %arg2[%select_n3A_1156, %sub3A_1159, %select_n3A_1168, %dma_wait3A_1359] : memref<256x3x224x224xf32, #tpu.memory_space<hbm>> -> memref<1x1x64x224xf32, #tpu.memory_space<hbm>>
        %dma_wait3A_1361 = tpu.memref_squeeze %dma_wait3A_1360 : memref<1x1x64x224xf32, #tpu.memory_space<hbm>> -> memref<64x224xf32, #tpu.memory_space<hbm>>
        %dma_wait3A_1362 = arith.constant 0 : i32
        %dma_wait3A_1363 = tpu.memref_slice %arg2[%select_n3A_1156, %sub3A_1159, %select_n3A_1168, %dma_wait3A_1362] : memref<256x3x224x224xf32, #tpu.memory_space<hbm>> -> memref<1x1x64x224xf32, #tpu.memory_space<hbm>>
        %dma_wait3A_1364 = tpu.memref_squeeze %dma_wait3A_1363 : memref<1x1x64x224xf32, #tpu.memory_space<hbm>> -> memref<64x224xf32, #tpu.memory_space<hbm>>
        tpu.wait_dma2 semaphore(%arg21 : memref<!tpu.dma_semaphore, #tpu.memory_space<semaphore_mem>>) src(%dma_wait3A_1364 : memref<64x224xf32, #tpu.memory_space<hbm>>) dst(%arg10 : memref<64x224xf32, #tpu.memory_space<vmem>>)
        %broadcast_in_dim3A = vector.broadcast %select_n3A_1156 : i32 to vector<16xi32>
        %gather3A = tpu.vector_load_idx %arg15[%broadcast_in_dim3A] : memref<256xi32, #tpu.memory_space<vmem>>[vector<16xi32>], vector<16xi32>,
        %reduce_max3A = arith.constant true
        %reduce_max3A_1365 = vector.broadcast %reduce_max3A : i1 to vector<16xi1>
        %reduce_max3A_1366 = arith.constant -2147483648 : i32
        %reduce_max3A_1367 = vector.broadcast %reduce_max3A_1366 : i32 to vector<16xi32>
        %reduce_max3A_1368 = arith.xori %gather3A, %reduce_max3A_1367 : vector<16xi32>
        %reduce_max3A_1369 = tpu.scan <max>, %reduce_max3A_1368 masked %reduce_max3A_1365 : vector<16xi32>, vector<16xi1> -> vector<16xi32>
        %reduce_max3A_1370 = arith.xori %reduce_max3A_1369, %reduce_max3A_1367 : vector<16xi32>
        %reduce_max3A_1371 = vector.extract %reduce_max3A_1370[15] : i32 from vector<16xi32>
        %dma_wait3A_1372 = arith.constant 0 : i32
        %dma_wait3A_1373 = tpu.memref_slice %arg2[%reduce_max3A_1371, %sub3A_1159, %select_n3A_1168, %dma_wait3A_1372] : memref<256x3x224x224xf32, #tpu.memory_space<hbm>> -> memref<1x1x64x128xf32, #tpu.memory_space<hbm>>
        %dma_wait3A_1374 = tpu.memref_squeeze %dma_wait3A_1373 : memref<1x1x64x128xf32, #tpu.memory_space<hbm>> -> memref<64x128xf32, #tpu.memory_space<hbm>>
        %dma_wait3A_1375 = arith.constant 0 : i32
        %dma_wait3A_1376 = tpu.memref_slice %arg2[%reduce_max3A_1371, %sub3A_1159, %select_n3A_1168, %dma_wait3A_1375] : memref<256x3x224x224xf32, #tpu.memory_space<hbm>> -> memref<1x1x64x128xf32, #tpu.memory_space<hbm>>
        %dma_wait3A_1377 = tpu.memref_squeeze %dma_wait3A_1376 : memref<1x1x64x128xf32, #tpu.memory_space<hbm>> -> memref<64x128xf32, #tpu.memory_space<hbm>>
        tpu.wait_dma2 semaphore(%arg25 : memref<!tpu.dma_semaphore, #tpu.memory_space<semaphore_mem>>) src(%dma_wait3A_1377 : memref<64x128xf32, #tpu.memory_space<hbm>>) dst(%arg14 : memref<64x128xf32, #tpu.memory_space<vmem>>)
      } else {
      }
      %jit3A_1179 = arith.constant 4 : i32
      %eq3A_1180 = arith.constant 0 : i32
      %eq3A_1181 = arith.cmpi eq, %jit3A_1179, %eq3A_1180 : i32
      %jit3A_1182 = arith.constant 1 : i32
      %select_n3A_1183 = arith.select %eq3A_1181, %jit3A_1182, %jit3A_1179 : i32
      %rem3A_1184 = arith.remsi %add3A_1089, %select_n3A_1183 : i32
      %ne3A_1185 = arith.constant 0 : i32
      %ne3A_1186 = arith.cmpi ne, %rem3A_1184, %ne3A_1185 : i32
      %lt3A_1187 = arith.constant 0 : i32
      %lt3A_1188 = arith.cmpi slt, %rem3A_1184, %lt3A_1187 : i32
      %lt3A_1189 = arith.constant 0 : i32
      %lt3A_1190 = arith.cmpi slt, %select_n3A_1183, %lt3A_1189 : i32
      %ne3A_1191 = arith.xori %lt3A_1188, %lt3A_1190 : i1
      %and3A_1192 = arith.andi %ne3A_1191, %ne3A_1186 : i1
      %add3A_1193 = arith.addi %rem3A_1184, %select_n3A_1183 : i32
      %select_n3A_1194 = arith.select %and3A_1192, %add3A_1193, %rem3A_1184 : i32
      %mul3A_1195 = arith.constant 24 : i32
      %mul3A_1196 = arith.muli %add3A, %mul3A_1195 : i32
      %jit3A_1197 = arith.constant 4 : i32
      %div3A_1198 = arith.divsi %add3A_1089, %jit3A_1197 : i32
      %sign3A_1199 = arith.constant 0 : i32
      %sign3A_1200 = arith.cmpi sgt, %add3A_1089, %sign3A_1199 : i32
      %sign3A_1201 = arith.extui %sign3A_1200 : i1 to i32
      %sign3A_1202 = arith.constant 0 : i32
      %sign3A_1203 = arith.cmpi slt, %add3A_1089, %sign3A_1202 : i32
      %sign3A_1204 = arith.extui %sign3A_1203 : i1 to i32
      %sign3A_1205 = arith.subi %sign3A_1201, %sign3A_1204 : i32
      %sign3A_1206 = arith.constant 0 : i32
      %sign3A_1207 = arith.cmpi sgt, %jit3A_1197, %sign3A_1206 : i32
      %sign3A_1208 = arith.extui %sign3A_1207 : i1 to i32
      %sign3A_1209 = arith.constant 0 : i32
      %sign3A_1210 = arith.cmpi slt, %jit3A_1197, %sign3A_1209 : i32
      %sign3A_1211 = arith.extui %sign3A_1210 : i1 to i32
      %sign3A_1212 = arith.subi %sign3A_1208, %sign3A_1211 : i32
      %ne3A_1213 = arith.cmpi ne, %sign3A_1205, %sign3A_1212 : i32
      %rem3A_1214 = arith.remsi %add3A_1089, %jit3A_1197 : i32
      %ne3A_1215 = arith.constant 0 : i32
      %ne3A_1216 = arith.cmpi ne, %rem3A_1214, %ne3A_1215 : i32
      %and3A_1217 = arith.andi %ne3A_1213, %ne3A_1216 : i1
      %sub3A_1218 = arith.constant 1 : i32
      %sub3A_1219 = arith.subi %div3A_1198, %sub3A_1218 : i32
      %select_n3A_1220 = arith.select %and3A_1217, %sub3A_1219, %div3A_1198 : i32
      %add3A_1221 = arith.addi %mul3A_1196, %select_n3A_1220 : i32
      %jit3A_1222 = arith.constant 3 : i32
      %div3A_1223 = arith.divsi %add3A_1221, %jit3A_1222 : i32
      %sign3A_1224 = arith.constant 0 : i32
      %sign3A_1225 = arith.cmpi sgt, %add3A_1221, %sign3A_1224 : i32
      %sign3A_1226 = arith.extui %sign3A_1225 : i1 to i32
      %sign3A_1227 = arith.constant 0 : i32
      %sign3A_1228 = arith.cmpi slt, %add3A_1221, %sign3A_1227 : i32
      %sign3A_1229 = arith.extui %sign3A_1228 : i1 to i32
      %sign3A_1230 = arith.subi %sign3A_1226, %sign3A_1229 : i32
      %sign3A_1231 = arith.constant 0 : i32
      %sign3A_1232 = arith.cmpi sgt, %jit3A_1222, %sign3A_1231 : i32
      %sign3A_1233 = arith.extui %sign3A_1232 : i1 to i32
      %sign3A_1234 = arith.constant 0 : i32
      %sign3A_1235 = arith.cmpi slt, %jit3A_1222, %sign3A_1234 : i32
      %sign3A_1236 = arith.extui %sign3A_1235 : i1 to i32
      %sign3A_1237 = arith.subi %sign3A_1233, %sign3A_1236 : i32
      %ne3A_1238 = arith.cmpi ne, %sign3A_1230, %sign3A_1237 : i32
      %rem3A_1239 = arith.remsi %add3A_1221, %jit3A_1222 : i32
      %ne3A_1240 = arith.constant 0 : i32
      %ne3A_1241 = arith.cmpi ne, %rem3A_1239, %ne3A_1240 : i32
      %and3A_1242 = arith.andi %ne3A_1238, %ne3A_1241 : i1
      %sub3A_1243 = arith.constant 1 : i32
      %sub3A_1244 = arith.subi %div3A_1223, %sub3A_1243 : i32
      %select_n3A_1245 = arith.select %and3A_1242, %sub3A_1244, %div3A_1223 : i32
      %mul3A_1246 = arith.constant 3 : i32
      %mul3A_1247 = arith.muli %select_n3A_1245, %mul3A_1246 : i32
      %sub3A_1248 = arith.subi %add3A_1221, %mul3A_1247 : i32
      %lt3A_1249 = arith.constant 2 : i32
      %lt3A_1250 = arith.cmpi slt, %select_n3A_1194, %lt3A_1249 : i32
      %mul3A_1251 = arith.constant 48 : i32
      %mul3A_1252 = arith.muli %mul3A_1251, %select_n3A_1194 : i32
      %mul3A_1253 = arith.constant 64 : i32
      %mul3A_1254 = arith.muli %mul3A_1253, %select_n3A_1194 : i32
      %sub3A_1255 = arith.constant 32 : i32
      %sub3A_1256 = arith.subi %mul3A_1254, %sub3A_1255 : i32
      %select_n3A_1257 = arith.select %lt3A_1250, %mul3A_1252, %sub3A_1256 : i32
      %ge3A_1258 = arith.constant 2 : i32
      %ge3A_1259 = arith.cmpi sge, %select_n3A_1194, %ge3A_1258 : i32
      %convert_element_type3A_1260 = arith.extui %ge3A_1259 : i1 to i32
      %cond3A_1261 = arith.constant 0 : i32
      %cond3A_1262 = arith.cmpi ne, %convert_element_type3A_1260, %cond3A_1261 : i32
      scf.if %cond3A_1262 {
        %eq3A_1359 = arith.constant 2 : i32
        %eq3A_1360 = arith.cmpi eq, %select_n3A_1194, %eq3A_1359 : i32
        %jit3A_1361 = arith.constant 7 : i32
        %jit3A_1362 = arith.constant 0 : i32
        %select_n3A_1363 = arith.select %eq3A_1360, %jit3A_1361, %jit3A_1362 : i32
        %while3A = arith.constant 0 : i32
        %while3A_1364 = arith.constant 64 : i32
        %while3A_1365 = arith.subi %while3A_1364, %select_n3A_1363 : i32
        %while3A_1366 = arith.addi %select_n3A_1363, %while3A_1365 : i32
        %while3A_1367 = arith.constant 1 : i32
        %while3A_1368 = arith.divsi %while3A_1365, %while3A_1367 : i32
        %while3A_1369 = arith.muli %while3A_1368, %while3A_1367 : i32
        %while3A_1370 = arith.addi %select_n3A_1363, %while3A_1369 : i32
        %while3A_1371 = arith.constant 1 : i32
        scf.for %while3A_1373 = %select_n3A_1363 to %while3A_1370 step %while3A_1371  : i32 {
          %get3A = arith.index_cast %while3A_1373 : i32 to index
          %get3A_1374 = arith.constant 0 : index
          %get3A_1375 = tpu.vector_load %arg14[%get3A, %get3A_1374] {strides = array<i32>} : memref<64x128xf32, #tpu.memory_space<vmem>>, vector<16xf32>,
          %swap3A = arith.index_cast %while3A_1373 : i32 to index
          %swap3A_1376 = arith.constant 0 : index
          %swap3A_1377 = tpu.vector_load %arg10[%swap3A, %swap3A_1376] {strides = array<i32>} : memref<64x224xf32, #tpu.memory_space<vmem>>, vector<16xf32>,
          tpu.vector_store %arg10[%swap3A, %swap3A_1376], %get3A_1375 {strides = array<i32>} : memref<64x224xf32, #tpu.memory_space<vmem>>, vector<16xf32>,
          %get3A_1378 = arith.index_cast %while3A_1373 : i32 to index
          %get3A_1379 = arith.constant 16 : index
          %get3A_1380 = tpu.vector_load %arg14[%get3A_1378, %get3A_1379] {strides = array<i32>} : memref<64x128xf32, #tpu.memory_space<vmem>>, vector<16xf32>,
          %swap3A_1381 = arith.index_cast %while3A_1373 : i32 to index
          %swap3A_1382 = arith.constant 16 : index
          %swap3A_1383 = tpu.vector_load %arg10[%swap3A_1381, %swap3A_1382] {strides = array<i32>} : memref<64x224xf32, #tpu.memory_space<vmem>>, vector<16xf32>,
          tpu.vector_store %arg10[%swap3A_1381, %swap3A_1382], %get3A_1380 {strides = array<i32>} : memref<64x224xf32, #tpu.memory_space<vmem>>, vector<16xf32>,
          %get3A_1384 = arith.index_cast %while3A_1373 : i32 to index
          %get3A_1385 = arith.constant 32 : index
          %get3A_1386 = tpu.vector_load %arg14[%get3A_1384, %get3A_1385] {strides = array<i32>} : memref<64x128xf32, #tpu.memory_space<vmem>>, vector<16xf32>,
          %swap3A_1387 = arith.index_cast %while3A_1373 : i32 to index
          %swap3A_1388 = arith.constant 32 : index
          %swap3A_1389 = tpu.vector_load %arg10[%swap3A_1387, %swap3A_1388] {strides = array<i32>} : memref<64x224xf32, #tpu.memory_space<vmem>>, vector<16xf32>,
          tpu.vector_store %arg10[%swap3A_1387, %swap3A_1388], %get3A_1386 {strides = array<i32>} : memref<64x224xf32, #tpu.memory_space<vmem>>, vector<16xf32>,
          %get3A_1390 = arith.index_cast %while3A_1373 : i32 to index
          %get3A_1391 = arith.constant 48 : index
          %get3A_1392 = tpu.vector_load %arg14[%get3A_1390, %get3A_1391] {strides = array<i32>} : memref<64x128xf32, #tpu.memory_space<vmem>>, vector<16xf32>,
          %swap3A_1393 = arith.index_cast %while3A_1373 : i32 to index
          %swap3A_1394 = arith.constant 48 : index
          %swap3A_1395 = tpu.vector_load %arg10[%swap3A_1393, %swap3A_1394] {strides = array<i32>} : memref<64x224xf32, #tpu.memory_space<vmem>>, vector<16xf32>,
          tpu.vector_store %arg10[%swap3A_1393, %swap3A_1394], %get3A_1392 {strides = array<i32>} : memref<64x224xf32, #tpu.memory_space<vmem>>, vector<16xf32>,
          %get3A_1396 = arith.index_cast %while3A_1373 : i32 to index
          %get3A_1397 = arith.constant 64 : index
          %get3A_1398 = tpu.vector_load %arg14[%get3A_1396, %get3A_1397] {strides = array<i32>} : memref<64x128xf32, #tpu.memory_space<vmem>>, vector<16xf32>,
          %swap3A_1399 = arith.index_cast %while3A_1373 : i32 to index
          %swap3A_1400 = arith.constant 64 : index
          %swap3A_1401 = tpu.vector_load %arg10[%swap3A_1399, %swap3A_1400] {strides = array<i32>} : memref<64x224xf32, #tpu.memory_space<vmem>>, vector<16xf32>,
          tpu.vector_store %arg10[%swap3A_1399, %swap3A_1400], %get3A_1398 {strides = array<i32>} : memref<64x224xf32, #tpu.memory_space<vmem>>, vector<16xf32>,
          %get3A_1402 = arith.index_cast %while3A_1373 : i32 to index
          %get3A_1403 = arith.constant 80 : index
          %get3A_1404 = tpu.vector_load %arg14[%get3A_1402, %get3A_1403] {strides = array<i32>} : memref<64x128xf32, #tpu.memory_space<vmem>>, vector<16xf32>,
          %get3A_1405 = arith.index_cast %while3A_1373 : i32 to index
          %get3A_1406 = arith.constant 80 : index
          %get3A_1407 = tpu.vector_load %arg10[%get3A_1405, %get3A_1406] {strides = array<i32>} : memref<64x224xf32, #tpu.memory_space<vmem>>, vector<16xf32>,
          %lt3A_1408 = arith.constant 7 : i32
          %lt3A_1409 = vector.broadcast %lt3A_1408 : i32 to vector<16xi32>
          %lt3A_1410 = arith.cmpi slt, %iota3A, %lt3A_1409 : vector<16xi32>
          %select_n3A_1411 = arith.select %lt3A_1410, %get3A_1404, %get3A_1407 : vector<16xi1>, vector<16xf32>
          %swap3A_1412 = arith.index_cast %while3A_1373 : i32 to index
          %swap3A_1413 = arith.constant 80 : index
          %swap3A_1414 = tpu.vector_load %arg10[%swap3A_1412, %swap3A_1413] {strides = array<i32>} : memref<64x224xf32, #tpu.memory_space<vmem>>, vector<16xf32>,
          tpu.vector_store %arg10[%swap3A_1412, %swap3A_1413], %select_n3A_1411 {strides = array<i32>} : memref<64x224xf32, #tpu.memory_space<vmem>>, vector<16xf32>,
        }
        %while3A_1372 = arith.constant 1 : i32
        scf.for %while3A_1373 = %while3A_1370 to %while3A_1366 step %while3A_1372  : i32 {
          %get3A = arith.index_cast %while3A_1373 : i32 to index
          %get3A_1374 = arith.constant 0 : index
          %get3A_1375 = tpu.vector_load %arg14[%get3A, %get3A_1374] {strides = array<i32>} : memref<64x128xf32, #tpu.memory_space<vmem>>, vector<16xf32>,
          %swap3A = arith.index_cast %while3A_1373 : i32 to index
          %swap3A_1376 = arith.constant 0 : index
          %swap3A_1377 = tpu.vector_load %arg10[%swap3A, %swap3A_1376] {strides = array<i32>} : memref<64x224xf32, #tpu.memory_space<vmem>>, vector<16xf32>,
          tpu.vector_store %arg10[%swap3A, %swap3A_1376], %get3A_1375 {strides = array<i32>} : memref<64x224xf32, #tpu.memory_space<vmem>>, vector<16xf32>,
          %get3A_1378 = arith.index_cast %while3A_1373 : i32 to index
          %get3A_1379 = arith.constant 16 : index
          %get3A_1380 = tpu.vector_load %arg14[%get3A_1378, %get3A_1379] {strides = array<i32>} : memref<64x128xf32, #tpu.memory_space<vmem>>, vector<16xf32>,
          %swap3A_1381 = arith.index_cast %while3A_1373 : i32 to index
          %swap3A_1382 = arith.constant 16 : index
          %swap3A_1383 = tpu.vector_load %arg10[%swap3A_1381, %swap3A_1382] {strides = array<i32>} : memref<64x224xf32, #tpu.memory_space<vmem>>, vector<16xf32>,
          tpu.vector_store %arg10[%swap3A_1381, %swap3A_1382], %get3A_1380 {strides = array<i32>} : memref<64x224xf32, #tpu.memory_space<vmem>>, vector<16xf32>,
          %get3A_1384 = arith.index_cast %while3A_1373 : i32 to index
          %get3A_1385 = arith.constant 32 : index
          %get3A_1386 = tpu.vector_load %arg14[%get3A_1384, %get3A_1385] {strides = array<i32>} : memref<64x128xf32, #tpu.memory_space<vmem>>, vector<16xf32>,
          %swap3A_1387 = arith.index_cast %while3A_1373 : i32 to index
          %swap3A_1388 = arith.constant 32 : index
          %swap3A_1389 = tpu.vector_load %arg10[%swap3A_1387, %swap3A_1388] {strides = array<i32>} : memref<64x224xf32, #tpu.memory_space<vmem>>, vector<16xf32>,
          tpu.vector_store %arg10[%swap3A_1387, %swap3A_1388], %get3A_1386 {strides = array<i32>} : memref<64x224xf32, #tpu.memory_space<vmem>>, vector<16xf32>,
          %get3A_1390 = arith.index_cast %while3A_1373 : i32 to index
          %get3A_1391 = arith.constant 48 : index
          %get3A_1392 = tpu.vector_load %arg14[%get3A_1390, %get3A_1391] {strides = array<i32>} : memref<64x128xf32, #tpu.memory_space<vmem>>, vector<16xf32>,
          %swap3A_1393 = arith.index_cast %while3A_1373 : i32 to index
          %swap3A_1394 = arith.constant 48 : index
          %swap3A_1395 = tpu.vector_load %arg10[%swap3A_1393, %swap3A_1394] {strides = array<i32>} : memref<64x224xf32, #tpu.memory_space<vmem>>, vector<16xf32>,
          tpu.vector_store %arg10[%swap3A_1393, %swap3A_1394], %get3A_1392 {strides = array<i32>} : memref<64x224xf32, #tpu.memory_space<vmem>>, vector<16xf32>,
          %get3A_1396 = arith.index_cast %while3A_1373 : i32 to index
          %get3A_1397 = arith.constant 64 : index
          %get3A_1398 = tpu.vector_load %arg14[%get3A_1396, %get3A_1397] {strides = array<i32>} : memref<64x128xf32, #tpu.memory_space<vmem>>, vector<16xf32>,
          %swap3A_1399 = arith.index_cast %while3A_1373 : i32 to index
          %swap3A_1400 = arith.constant 64 : index
          %swap3A_1401 = tpu.vector_load %arg10[%swap3A_1399, %swap3A_1400] {strides = array<i32>} : memref<64x224xf32, #tpu.memory_space<vmem>>, vector<16xf32>,
          tpu.vector_store %arg10[%swap3A_1399, %swap3A_1400], %get3A_1398 {strides = array<i32>} : memref<64x224xf32, #tpu.memory_space<vmem>>, vector<16xf32>,
          %get3A_1402 = arith.index_cast %while3A_1373 : i32 to index
          %get3A_1403 = arith.constant 80 : index
          %get3A_1404 = tpu.vector_load %arg14[%get3A_1402, %get3A_1403] {strides = array<i32>} : memref<64x128xf32, #tpu.memory_space<vmem>>, vector<16xf32>,
          %get3A_1405 = arith.index_cast %while3A_1373 : i32 to index
          %get3A_1406 = arith.constant 80 : index
          %get3A_1407 = tpu.vector_load %arg10[%get3A_1405, %get3A_1406] {strides = array<i32>} : memref<64x224xf32, #tpu.memory_space<vmem>>, vector<16xf32>,
          %lt3A_1408 = arith.constant 7 : i32
          %lt3A_1409 = vector.broadcast %lt3A_1408 : i32 to vector<16xi32>
          %lt3A_1410 = arith.cmpi slt, %iota3A, %lt3A_1409 : vector<16xi32>
          %select_n3A_1411 = arith.select %lt3A_1410, %get3A_1404, %get3A_1407 : vector<16xi1>, vector<16xf32>
          %swap3A_1412 = arith.index_cast %while3A_1373 : i32 to index
          %swap3A_1413 = arith.constant 80 : index
          %swap3A_1414 = tpu.vector_load %arg10[%swap3A_1412, %swap3A_1413] {strides = array<i32>} : memref<64x224xf32, #tpu.memory_space<vmem>>, vector<16xf32>,
          tpu.vector_store %arg10[%swap3A_1412, %swap3A_1413], %select_n3A_1411 {strides = array<i32>} : memref<64x224xf32, #tpu.memory_space<vmem>>, vector<16xf32>,
        }
      } else {
      }
      %jit3A_1263 = arith.constant 4 : i32
      %eq3A_1264 = arith.constant 0 : i32
      %eq3A_1265 = arith.cmpi eq, %jit3A_1263, %eq3A_1264 : i32
      %jit3A_1266 = arith.constant 1 : i32
      %select_n3A_1267 = arith.select %eq3A_1265, %jit3A_1266, %jit3A_1263 : i32
      %rem3A_1268 = arith.remsi %add3A_1089, %select_n3A_1267 : i32
      %ne3A_1269 = arith.constant 0 : i32
      %ne3A_1270 = arith.cmpi ne, %rem3A_1268, %ne3A_1269 : i32
      %lt3A_1271 = arith.constant 0 : i32
      %lt3A_1272 = arith.cmpi slt, %rem3A_1268, %lt3A_1271 : i32
      %lt3A_1273 = arith.constant 0 : i32
      %lt3A_1274 = arith.cmpi slt, %select_n3A_1267, %lt3A_1273 : i32
      %ne3A_1275 = arith.xori %lt3A_1272, %lt3A_1274 : i1
      %and3A_1276 = arith.andi %ne3A_1275, %ne3A_1270 : i1
      %add3A_1277 = arith.addi %rem3A_1268, %select_n3A_1267 : i32
      %select_n3A_1278 = arith.select %and3A_1276, %add3A_1277, %rem3A_1268 : i32
      %mul3A_1279 = arith.constant 24 : i32
      %mul3A_1280 = arith.muli %add3A, %mul3A_1279 : i32
      %jit3A_1281 = arith.constant 4 : i32
      %div3A_1282 = arith.divsi %add3A_1089, %jit3A_1281 : i32
      %sign3A_1283 = arith.constant 0 : i32
      %sign3A_1284 = arith.cmpi sgt, %add3A_1089, %sign3A_1283 : i32
      %sign3A_1285 = arith.extui %sign3A_1284 : i1 to i32
      %sign3A_1286 = arith.constant 0 : i32
      %sign3A_1287 = arith.cmpi slt, %add3A_1089, %sign3A_1286 : i32
      %sign3A_1288 = arith.extui %sign3A_1287 : i1 to i32
      %sign3A_1289 = arith.subi %sign3A_1285, %sign3A_1288 : i32
      %sign3A_1290 = arith.constant 0 : i32
      %sign3A_1291 = arith.cmpi sgt, %jit3A_1281, %sign3A_1290 : i32
      %sign3A_1292 = arith.extui %sign3A_1291 : i1 to i32
      %sign3A_1293 = arith.constant 0 : i32
      %sign3A_1294 = arith.cmpi slt, %jit3A_1281, %sign3A_1293 : i32
      %sign3A_1295 = arith.extui %sign3A_1294 : i1 to i32
      %sign3A_1296 = arith.subi %sign3A_1292, %sign3A_1295 : i32
      %ne3A_1297 = arith.cmpi ne, %sign3A_1289, %sign3A_1296 : i32
      %rem3A_1298 = arith.remsi %add3A_1089, %jit3A_1281 : i32
      %ne3A_1299 = arith.constant 0 : i32
      %ne3A_1300 = arith.cmpi ne, %rem3A_1298, %ne3A_1299 : i32
      %and3A_1301 = arith.andi %ne3A_1297, %ne3A_1300 : i1
      %sub3A_1302 = arith.constant 1 : i32
      %sub3A_1303 = arith.subi %div3A_1282, %sub3A_1302 : i32
      %select_n3A_1304 = arith.select %and3A_1301, %sub3A_1303, %div3A_1282 : i32
      %add3A_1305 = arith.addi %mul3A_1280, %select_n3A_1304 : i32
      %jit3A_1306 = arith.constant 3 : i32
      %div3A_1307 = arith.divsi %add3A_1305, %jit3A_1306 : i32
      %sign3A_1308 = arith.constant 0 : i32
      %sign3A_1309 = arith.cmpi sgt, %add3A_1305, %sign3A_1308 : i32
      %sign3A_1310 = arith.extui %sign3A_1309 : i1 to i32
      %sign3A_1311 = arith.constant 0 : i32
      %sign3A_1312 = arith.cmpi slt, %add3A_1305, %sign3A_1311 : i32
      %sign3A_1313 = arith.extui %sign3A_1312 : i1 to i32
      %sign3A_1314 = arith.subi %sign3A_1310, %sign3A_1313 : i32
      %sign3A_1315 = arith.constant 0 : i32
      %sign3A_1316 = arith.cmpi sgt, %jit3A_1306, %sign3A_1315 : i32
      %sign3A_1317 = arith.extui %sign3A_1316 : i1 to i32
      %sign3A_1318 = arith.constant 0 : i32
      %sign3A_1319 = arith.cmpi slt, %jit3A_1306, %sign3A_1318 : i32
      %sign3A_1320 = arith.extui %sign3A_1319 : i1 to i32
      %sign3A_1321 = arith.subi %sign3A_1317, %sign3A_1320 : i32
      %ne3A_1322 = arith.cmpi ne, %sign3A_1314, %sign3A_1321 : i32
      %rem3A_1323 = arith.remsi %add3A_1305, %jit3A_1306 : i32
      %ne3A_1324 = arith.constant 0 : i32
      %ne3A_1325 = arith.cmpi ne, %rem3A_1323, %ne3A_1324 : i32
      %and3A_1326 = arith.andi %ne3A_1322, %ne3A_1325 : i1
      %sub3A_1327 = arith.constant 1 : i32
      %sub3A_1328 = arith.subi %div3A_1307, %sub3A_1327 : i32
      %select_n3A_1329 = arith.select %and3A_1326, %sub3A_1328, %div3A_1307 : i32
      %mul3A_1330 = arith.constant 3 : i32
      %mul3A_1331 = arith.muli %select_n3A_1329, %mul3A_1330 : i32
      %sub3A_1332 = arith.subi %add3A_1305, %mul3A_1331 : i32
      %lt3A_1333 = arith.constant 2 : i32
      %lt3A_1334 = arith.cmpi slt, %select_n3A_1278, %lt3A_1333 : i32
      %mul3A_1335 = arith.constant 48 : i32
      %mul3A_1336 = arith.muli %mul3A_1335, %select_n3A_1278 : i32
      %mul3A_1337 = arith.constant 64 : i32
      %mul3A_1338 = arith.muli %mul3A_1337, %select_n3A_1278 : i32
      %sub3A_1339 = arith.constant 32 : i32
      %sub3A_1340 = arith.subi %mul3A_1338, %sub3A_1339 : i32
      %select_n3A_1341 = arith.select %lt3A_1334, %mul3A_1336, %sub3A_1340 : i32
      %lt3A_1342 = arith.constant 2 : i32
      %lt3A_1343 = arith.cmpi slt, %select_n3A_1278, %lt3A_1342 : i32
      %convert_element_type3A_1344 = arith.extui %lt3A_1343 : i1 to i32
      %cond3A_1345 = arith.constant 0 : i32
      %cond3A_1346 = arith.cmpi ne, %convert_element_type3A_1344, %cond3A_1345 : i32
      scf.if %cond3A_1346 {
        %dma_start3A_1359 = arith.constant 0 : i32
        %dma_start3A_1360 = arith.constant 0 : i32
        %dma_start3A_1361 = tpu.memref_slice %arg10[%dma_start3A_1359, %dma_start3A_1360] : memref<64x224xf32, #tpu.memory_space<vmem>> -> memref<48x224xf32, #tpu.memory_space<vmem>>
        %dma_start3A_1362 = arith.constant 0 : i32
        %dma_start3A_1363 = tpu.memref_slice %arg5[%select_n3A_1329, %sub3A_1332, %select_n3A_1341, %dma_start3A_1362] : memref<256x3x224x224xf32, #tpu.memory_space<hbm>> -> memref<1x1x48x224xf32, #tpu.memory_space<hbm>>
        %dma_start3A_1364 = tpu.memref_squeeze %dma_start3A_1363 : memref<1x1x48x224xf32, #tpu.memory_space<hbm>> -> memref<48x224xf32, #tpu.memory_space<hbm>>
        %dma_start3A_1365 = arith.constant 0 : i32
        %dma_start3A_1366 = tpu.memref_slice %arg5[%select_n3A_1329, %sub3A_1332, %select_n3A_1341, %dma_start3A_1365] : memref<256x3x224x224xf32, #tpu.memory_space<hbm>> -> memref<1x1x48x224xf32, #tpu.memory_space<hbm>>
        %dma_start3A_1367 = tpu.memref_squeeze %dma_start3A_1366 : memref<1x1x48x224xf32, #tpu.memory_space<hbm>> -> memref<48x224xf32, #tpu.memory_space<hbm>>
        %dma_start3A_1368 = arith.constant 0 : i32
        %dma_start3A_1369 = arith.constant 0 : i32
        %dma_start3A_1370 = tpu.memref_slice %arg10[%dma_start3A_1368, %dma_start3A_1369] : memref<64x224xf32, #tpu.memory_space<vmem>> -> memref<48x224xf32, #tpu.memory_space<vmem>>
        tpu.enqueue_dma source(%dma_start3A_1370 : memref<48x224xf32, #tpu.memory_space<vmem>>) target(%dma_start3A_1367 : memref<48x224xf32, #tpu.memory_space<hbm>>) target_semaphore(%arg29 : memref<!tpu.dma_semaphore, #tpu.memory_space<semaphore_mem>>)
      } else {
      }
      %ge3A_1347 = arith.constant 2 : i32
      %ge3A_1348 = arith.cmpi sge, %select_n3A_1278, %ge3A_1347 : i32
      %convert_element_type3A_1349 = arith.extui %ge3A_1348 : i1 to i32
      %cond3A_1350 = arith.constant 0 : i32
      %cond3A_1351 = arith.cmpi ne, %convert_element_type3A_1349, %cond3A_1350 : i32
      scf.if %cond3A_1351 {
        %dma_start3A_1359 = arith.constant 0 : i32
        %dma_start3A_1360 = tpu.memref_slice %arg5[%select_n3A_1329, %sub3A_1332, %select_n3A_1341, %dma_start3A_1359] : memref<256x3x224x224xf32, #tpu.memory_space<hbm>> -> memref<1x1x64x224xf32, #tpu.memory_space<hbm>>
        %dma_start3A_1361 = tpu.memref_squeeze %dma_start3A_1360 : memref<1x1x64x224xf32, #tpu.memory_space<hbm>> -> memref<64x224xf32, #tpu.memory_space<hbm>>
        %dma_start3A_1362 = arith.constant 0 : i32
        %dma_start3A_1363 = tpu.memref_slice %arg5[%select_n3A_1329, %sub3A_1332, %select_n3A_1341, %dma_start3A_1362] : memref<256x3x224x224xf32, #tpu.memory_space<hbm>> -> memref<1x1x64x224xf32, #tpu.memory_space<hbm>>
        %dma_start3A_1364 = tpu.memref_squeeze %dma_start3A_1363 : memref<1x1x64x224xf32, #tpu.memory_space<hbm>> -> memref<64x224xf32, #tpu.memory_space<hbm>>
        tpu.enqueue_dma source(%arg10 : memref<64x224xf32, #tpu.memory_space<vmem>>) target(%dma_start3A_1364 : memref<64x224xf32, #tpu.memory_space<hbm>>) target_semaphore(%arg29 : memref<!tpu.dma_semaphore, #tpu.memory_space<semaphore_mem>>)
      } else {
      }
      %add3A_1352 = arith.constant 2 : i32
      %add3A_1353 = arith.addi %add3A_1089, %add3A_1352 : i32
      %lt3A_1354 = arith.constant 96 : i32
      %lt3A_1355 = arith.cmpi slt, %add3A_1353, %lt3A_1354 : i32
      %convert_element_type3A_1356 = arith.extui %lt3A_1355 : i1 to i32
      %cond3A_1357 = arith.constant 0 : i32
      %cond3A_1358 = arith.cmpi ne, %convert_element_type3A_1356, %cond3A_1357 : i32
      scf.if %cond3A_1358 {
        %ge3A_1359 = arith.constant 4 : i32
        %ge3A_1360 = arith.cmpi sge, %add3A_1353, %ge3A_1359 : i32
        %convert_element_type3A_1361 = arith.extui %ge3A_1360 : i1 to i32
        %cond3A_1362 = arith.constant 0 : i32
        %cond3A_1363 = arith.cmpi ne, %convert_element_type3A_1361, %cond3A_1362 : i32
        scf.if %cond3A_1363 {
          %sub3A_1453 = arith.constant 4 : i32
          %sub3A_1454 = arith.subi %add3A_1353, %sub3A_1453 : i32
          %jit3A_1455 = arith.constant 4 : i32
          %eq3A_1456 = arith.constant 0 : i32
          %eq3A_1457 = arith.cmpi eq, %jit3A_1455, %eq3A_1456 : i32
          %jit3A_1458 = arith.constant 1 : i32
          %select_n3A_1459 = arith.select %eq3A_1457, %jit3A_1458, %jit3A_1455 : i32
          %rem3A_1460 = arith.remsi %sub3A_1454, %select_n3A_1459 : i32
          %ne3A_1461 = arith.constant 0 : i32
          %ne3A_1462 = arith.cmpi ne, %rem3A_1460, %ne3A_1461 : i32
          %lt3A_1463 = arith.constant 0 : i32
          %lt3A_1464 = arith.cmpi slt, %rem3A_1460, %lt3A_1463 : i32
          %lt3A_1465 = arith.constant 0 : i32
          %lt3A_1466 = arith.cmpi slt, %select_n3A_1459, %lt3A_1465 : i32
          %ne3A_1467 = arith.xori %lt3A_1464, %lt3A_1466 : i1
          %and3A_1468 = arith.andi %ne3A_1467, %ne3A_1462 : i1
          %add3A_1469 = arith.addi %rem3A_1460, %select_n3A_1459 : i32
          %select_n3A_1470 = arith.select %and3A_1468, %add3A_1469, %rem3A_1460 : i32
          %mul3A_1471 = arith.constant 24 : i32
          %mul3A_1472 = arith.muli %add3A, %mul3A_1471 : i32
          %jit3A_1473 = arith.constant 4 : i32
          %div3A_1474 = arith.divsi %sub3A_1454, %jit3A_1473 : i32
          %sign3A_1475 = arith.constant 0 : i32
          %sign3A_1476 = arith.cmpi sgt, %sub3A_1454, %sign3A_1475 : i32
          %sign3A_1477 = arith.extui %sign3A_1476 : i1 to i32
          %sign3A_1478 = arith.constant 0 : i32
          %sign3A_1479 = arith.cmpi slt, %sub3A_1454, %sign3A_1478 : i32
          %sign3A_1480 = arith.extui %sign3A_1479 : i1 to i32
          %sign3A_1481 = arith.subi %sign3A_1477, %sign3A_1480 : i32
          %sign3A_1482 = arith.constant 0 : i32
          %sign3A_1483 = arith.cmpi sgt, %jit3A_1473, %sign3A_1482 : i32
          %sign3A_1484 = arith.extui %sign3A_1483 : i1 to i32
          %sign3A_1485 = arith.constant 0 : i32
          %sign3A_1486 = arith.cmpi slt, %jit3A_1473, %sign3A_1485 : i32
          %sign3A_1487 = arith.extui %sign3A_1486 : i1 to i32
          %sign3A_1488 = arith.subi %sign3A_1484, %sign3A_1487 : i32
          %ne3A_1489 = arith.cmpi ne, %sign3A_1481, %sign3A_1488 : i32
          %rem3A_1490 = arith.remsi %sub3A_1454, %jit3A_1473 : i32
          %ne3A_1491 = arith.constant 0 : i32
          %ne3A_1492 = arith.cmpi ne, %rem3A_1490, %ne3A_1491 : i32
          %and3A_1493 = arith.andi %ne3A_1489, %ne3A_1492 : i1
          %sub3A_1494 = arith.constant 1 : i32
          %sub3A_1495 = arith.subi %div3A_1474, %sub3A_1494 : i32
          %select_n3A_1496 = arith.select %and3A_1493, %sub3A_1495, %div3A_1474 : i32
          %add3A_1497 = arith.addi %mul3A_1472, %select_n3A_1496 : i32
          %jit3A_1498 = arith.constant 3 : i32
          %div3A_1499 = arith.divsi %add3A_1497, %jit3A_1498 : i32
          %sign3A_1500 = arith.constant 0 : i32
          %sign3A_1501 = arith.cmpi sgt, %add3A_1497, %sign3A_1500 : i32
          %sign3A_1502 = arith.extui %sign3A_1501 : i1 to i32
          %sign3A_1503 = arith.constant 0 : i32
          %sign3A_1504 = arith.cmpi slt, %add3A_1497, %sign3A_1503 : i32
          %sign3A_1505 = arith.extui %sign3A_1504 : i1 to i32
          %sign3A_1506 = arith.subi %sign3A_1502, %sign3A_1505 : i32
          %sign3A_1507 = arith.constant 0 : i32
          %sign3A_1508 = arith.cmpi sgt, %jit3A_1498, %sign3A_1507 : i32
          %sign3A_1509 = arith.extui %sign3A_1508 : i1 to i32
          %sign3A_1510 = arith.constant 0 : i32
          %sign3A_1511 = arith.cmpi slt, %jit3A_1498, %sign3A_1510 : i32
          %sign3A_1512 = arith.extui %sign3A_1511 : i1 to i32
          %sign3A_1513 = arith.subi %sign3A_1509, %sign3A_1512 : i32
          %ne3A_1514 = arith.cmpi ne, %sign3A_1506, %sign3A_1513 : i32
          %rem3A_1515 = arith.remsi %add3A_1497, %jit3A_1498 : i32
          %ne3A_1516 = arith.constant 0 : i32
          %ne3A_1517 = arith.cmpi ne, %rem3A_1515, %ne3A_1516 : i32
          %and3A_1518 = arith.andi %ne3A_1514, %ne3A_1517 : i1
          %sub3A_1519 = arith.constant 1 : i32
          %sub3A_1520 = arith.subi %div3A_1499, %sub3A_1519 : i32
          %select_n3A_1521 = arith.select %and3A_1518, %sub3A_1520, %div3A_1499 : i32
          %mul3A_1522 = arith.constant 3 : i32
          %mul3A_1523 = arith.muli %select_n3A_1521, %mul3A_1522 : i32
          %sub3A_1524 = arith.subi %add3A_1497, %mul3A_1523 : i32
          %lt3A_1525 = arith.constant 2 : i32
          %lt3A_1526 = arith.cmpi slt, %select_n3A_1470, %lt3A_1525 : i32
          %mul3A_1527 = arith.constant 48 : i32
          %mul3A_1528 = arith.muli %mul3A_1527, %select_n3A_1470 : i32
          %mul3A_1529 = arith.constant 64 : i32
          %mul3A_1530 = arith.muli %mul3A_1529, %select_n3A_1470 : i32
          %sub3A_1531 = arith.constant 32 : i32
          %sub3A_1532 = arith.subi %mul3A_1530, %sub3A_1531 : i32
          %select_n3A_1533 = arith.select %lt3A_1526, %mul3A_1528, %sub3A_1532 : i32
          %lt3A_1534 = arith.constant 2 : i32
          %lt3A_1535 = arith.cmpi slt, %select_n3A_1470, %lt3A_1534 : i32
          %convert_element_type3A_1536 = arith.extui %lt3A_1535 : i1 to i32
          %cond3A_1537 = arith.constant 0 : i32
          %cond3A_1538 = arith.cmpi ne, %convert_element_type3A_1536, %cond3A_1537 : i32
          scf.if %cond3A_1538 {
            %dma_wait3A_1544 = arith.constant 0 : i32
            %dma_wait3A_1545 = arith.constant 0 : i32
            %dma_wait3A_1546 = tpu.memref_slice %arg8[%dma_wait3A_1544, %dma_wait3A_1545] : memref<64x224xf32, #tpu.memory_space<vmem>> -> memref<48x224xf32, #tpu.memory_space<vmem>>
            %dma_wait3A_1547 = arith.constant 0 : i32
            %dma_wait3A_1548 = tpu.memref_slice %arg5[%select_n3A_1521, %sub3A_1524, %select_n3A_1533, %dma_wait3A_1547] : memref<256x3x224x224xf32, #tpu.memory_space<hbm>> -> memref<1x1x48x224xf32, #tpu.memory_space<hbm>>
            %dma_wait3A_1549 = tpu.memref_squeeze %dma_wait3A_1548 : memref<1x1x48x224xf32, #tpu.memory_space<hbm>> -> memref<48x224xf32, #tpu.memory_space<hbm>>
            %dma_wait3A_1550 = arith.constant 0 : i32
            %dma_wait3A_1551 = tpu.memref_slice %arg5[%select_n3A_1521, %sub3A_1524, %select_n3A_1533, %dma_wait3A_1550] : memref<256x3x224x224xf32, #tpu.memory_space<hbm>> -> memref<1x1x48x224xf32, #tpu.memory_space<hbm>>
            %dma_wait3A_1552 = tpu.memref_squeeze %dma_wait3A_1551 : memref<1x1x48x224xf32, #tpu.memory_space<hbm>> -> memref<48x224xf32, #tpu.memory_space<hbm>>
            %dma_wait3A_1553 = arith.constant 0 : i32
            %dma_wait3A_1554 = arith.constant 0 : i32
            %dma_wait3A_1555 = tpu.memref_slice %arg8[%dma_wait3A_1553, %dma_wait3A_1554] : memref<64x224xf32, #tpu.memory_space<vmem>> -> memref<48x224xf32, #tpu.memory_space<vmem>>
            tpu.wait_dma2 semaphore(%arg27 : memref<!tpu.dma_semaphore, #tpu.memory_space<semaphore_mem>>) src(%dma_wait3A_1555 : memref<48x224xf32, #tpu.memory_space<vmem>>) dst(%dma_wait3A_1552 : memref<48x224xf32, #tpu.memory_space<hbm>>)
          } else {
          }
          %ge3A_1539 = arith.constant 2 : i32
          %ge3A_1540 = arith.cmpi sge, %select_n3A_1470, %ge3A_1539 : i32
          %convert_element_type3A_1541 = arith.extui %ge3A_1540 : i1 to i32
          %cond3A_1542 = arith.constant 0 : i32
          %cond3A_1543 = arith.cmpi ne, %convert_element_type3A_1541, %cond3A_1542 : i32
          scf.if %cond3A_1543 {
            %dma_wait3A_1544 = arith.constant 0 : i32
            %dma_wait3A_1545 = tpu.memref_slice %arg5[%select_n3A_1521, %sub3A_1524, %select_n3A_1533, %dma_wait3A_1544] : memref<256x3x224x224xf32, #tpu.memory_space<hbm>> -> memref<1x1x64x224xf32, #tpu.memory_space<hbm>>
            %dma_wait3A_1546 = tpu.memref_squeeze %dma_wait3A_1545 : memref<1x1x64x224xf32, #tpu.memory_space<hbm>> -> memref<64x224xf32, #tpu.memory_space<hbm>>
            %dma_wait3A_1547 = arith.constant 0 : i32
            %dma_wait3A_1548 = tpu.memref_slice %arg5[%select_n3A_1521, %sub3A_1524, %select_n3A_1533, %dma_wait3A_1547] : memref<256x3x224x224xf32, #tpu.memory_space<hbm>> -> memref<1x1x64x224xf32, #tpu.memory_space<hbm>>
            %dma_wait3A_1549 = tpu.memref_squeeze %dma_wait3A_1548 : memref<1x1x64x224xf32, #tpu.memory_space<hbm>> -> memref<64x224xf32, #tpu.memory_space<hbm>>
            tpu.wait_dma2 semaphore(%arg27 : memref<!tpu.dma_semaphore, #tpu.memory_space<semaphore_mem>>) src(%arg8 : memref<64x224xf32, #tpu.memory_space<vmem>>) dst(%dma_wait3A_1549 : memref<64x224xf32, #tpu.memory_space<hbm>>)
          } else {
          }
        } else {
        }
        %jit3A_1364 = arith.constant 4 : i32
        %eq3A_1365 = arith.constant 0 : i32
        %eq3A_1366 = arith.cmpi eq, %jit3A_1364, %eq3A_1365 : i32
        %jit3A_1367 = arith.constant 1 : i32
        %select_n3A_1368 = arith.select %eq3A_1366, %jit3A_1367, %jit3A_1364 : i32
        %rem3A_1369 = arith.remsi %add3A_1353, %select_n3A_1368 : i32
        %ne3A_1370 = arith.constant 0 : i32
        %ne3A_1371 = arith.cmpi ne, %rem3A_1369, %ne3A_1370 : i32
        %lt3A_1372 = arith.constant 0 : i32
        %lt3A_1373 = arith.cmpi slt, %rem3A_1369, %lt3A_1372 : i32
        %lt3A_1374 = arith.constant 0 : i32
        %lt3A_1375 = arith.cmpi slt, %select_n3A_1368, %lt3A_1374 : i32
        %ne3A_1376 = arith.xori %lt3A_1373, %lt3A_1375 : i1
        %and3A_1377 = arith.andi %ne3A_1376, %ne3A_1371 : i1
        %add3A_1378 = arith.addi %rem3A_1369, %select_n3A_1368 : i32
        %select_n3A_1379 = arith.select %and3A_1377, %add3A_1378, %rem3A_1369 : i32
        %mul3A_1380 = arith.constant 24 : i32
        %mul3A_1381 = arith.muli %add3A, %mul3A_1380 : i32
        %jit3A_1382 = arith.constant 4 : i32
        %div3A_1383 = arith.divsi %add3A_1353, %jit3A_1382 : i32
        %sign3A_1384 = arith.constant 0 : i32
        %sign3A_1385 = arith.cmpi sgt, %add3A_1353, %sign3A_1384 : i32
        %sign3A_1386 = arith.extui %sign3A_1385 : i1 to i32
        %sign3A_1387 = arith.constant 0 : i32
        %sign3A_1388 = arith.cmpi slt, %add3A_1353, %sign3A_1387 : i32
        %sign3A_1389 = arith.extui %sign3A_1388 : i1 to i32
        %sign3A_1390 = arith.subi %sign3A_1386, %sign3A_1389 : i32
        %sign3A_1391 = arith.constant 0 : i32
        %sign3A_1392 = arith.cmpi sgt, %jit3A_1382, %sign3A_1391 : i32
        %sign3A_1393 = arith.extui %sign3A_1392 : i1 to i32
        %sign3A_1394 = arith.constant 0 : i32
        %sign3A_1395 = arith.cmpi slt, %jit3A_1382, %sign3A_1394 : i32
        %sign3A_1396 = arith.extui %sign3A_1395 : i1 to i32
        %sign3A_1397 = arith.subi %sign3A_1393, %sign3A_1396 : i32
        %ne3A_1398 = arith.cmpi ne, %sign3A_1390, %sign3A_1397 : i32
        %rem3A_1399 = arith.remsi %add3A_1353, %jit3A_1382 : i32
        %ne3A_1400 = arith.constant 0 : i32
        %ne3A_1401 = arith.cmpi ne, %rem3A_1399, %ne3A_1400 : i32
        %and3A_1402 = arith.andi %ne3A_1398, %ne3A_1401 : i1
        %sub3A_1403 = arith.constant 1 : i32
        %sub3A_1404 = arith.subi %div3A_1383, %sub3A_1403 : i32
        %select_n3A_1405 = arith.select %and3A_1402, %sub3A_1404, %div3A_1383 : i32
        %add3A_1406 = arith.addi %mul3A_1381, %select_n3A_1405 : i32
        %jit3A_1407 = arith.constant 3 : i32
        %div3A_1408 = arith.divsi %add3A_1406, %jit3A_1407 : i32
        %sign3A_1409 = arith.constant 0 : i32
        %sign3A_1410 = arith.cmpi sgt, %add3A_1406, %sign3A_1409 : i32
        %sign3A_1411 = arith.extui %sign3A_1410 : i1 to i32
        %sign3A_1412 = arith.constant 0 : i32
        %sign3A_1413 = arith.cmpi slt, %add3A_1406, %sign3A_1412 : i32
        %sign3A_1414 = arith.extui %sign3A_1413 : i1 to i32
        %sign3A_1415 = arith.subi %sign3A_1411, %sign3A_1414 : i32
        %sign3A_1416 = arith.constant 0 : i32
        %sign3A_1417 = arith.cmpi sgt, %jit3A_1407, %sign3A_1416 : i32
        %sign3A_1418 = arith.extui %sign3A_1417 : i1 to i32
        %sign3A_1419 = arith.constant 0 : i32
        %sign3A_1420 = arith.cmpi slt, %jit3A_1407, %sign3A_1419 : i32
        %sign3A_1421 = arith.extui %sign3A_1420 : i1 to i32
        %sign3A_1422 = arith.subi %sign3A_1418, %sign3A_1421 : i32
        %ne3A_1423 = arith.cmpi ne, %sign3A_1415, %sign3A_1422 : i32
        %rem3A_1424 = arith.remsi %add3A_1406, %jit3A_1407 : i32
        %ne3A_1425 = arith.constant 0 : i32
        %ne3A_1426 = arith.cmpi ne, %rem3A_1424, %ne3A_1425 : i32
        %and3A_1427 = arith.andi %ne3A_1423, %ne3A_1426 : i1
        %sub3A_1428 = arith.constant 1 : i32
        %sub3A_1429 = arith.subi %div3A_1408, %sub3A_1428 : i32
        %select_n3A_1430 = arith.select %and3A_1427, %sub3A_1429, %div3A_1408 : i32
        %mul3A_1431 = arith.constant 3 : i32
        %mul3A_1432 = arith.muli %select_n3A_1430, %mul3A_1431 : i32
        %sub3A_1433 = arith.subi %add3A_1406, %mul3A_1432 : i32
        %lt3A_1434 = arith.constant 2 : i32
        %lt3A_1435 = arith.cmpi slt, %select_n3A_1379, %lt3A_1434 : i32
        %mul3A_1436 = arith.constant 48 : i32
        %mul3A_1437 = arith.muli %mul3A_1436, %select_n3A_1379 : i32
        %mul3A_1438 = arith.constant 64 : i32
        %mul3A_1439 = arith.muli %mul3A_1438, %select_n3A_1379 : i32
        %sub3A_1440 = arith.constant 32 : i32
        %sub3A_1441 = arith.subi %mul3A_1439, %sub3A_1440 : i32
        %select_n3A_1442 = arith.select %lt3A_1435, %mul3A_1437, %sub3A_1441 : i32
        %lt3A_1443 = arith.constant 2 : i32
        %lt3A_1444 = arith.cmpi slt, %select_n3A_1379, %lt3A_1443 : i32
        %convert_element_type3A_1445 = arith.extui %lt3A_1444 : i1 to i32
        %cond3A_1446 = arith.constant 0 : i32
        %cond3A_1447 = arith.cmpi ne, %convert_element_type3A_1445, %cond3A_1446 : i32
        scf.if %cond3A_1447 {
          %dma_start3A_1453 = arith.constant 0 : i32
          %dma_start3A_1454 = arith.constant 0 : i32
          %dma_start3A_1455 = tpu.memref_slice %arg8[%dma_start3A_1453, %dma_start3A_1454] : memref<64x224xf32, #tpu.memory_space<vmem>> -> memref<48x224xf32, #tpu.memory_space<vmem>>
          %dma_start3A_1456 = arith.constant 0 : i32
          %dma_start3A_1457 = tpu.memref_slice %arg2[%select_n3A_1430, %sub3A_1433, %select_n3A_1442, %dma_start3A_1456] : memref<256x3x224x224xf32, #tpu.memory_space<hbm>> -> memref<1x1x48x224xf32, #tpu.memory_space<hbm>>
          %dma_start3A_1458 = tpu.memref_squeeze %dma_start3A_1457 : memref<1x1x48x224xf32, #tpu.memory_space<hbm>> -> memref<48x224xf32, #tpu.memory_space<hbm>>
          %dma_start3A_1459 = arith.constant 0 : i32
          %dma_start3A_1460 = arith.constant 0 : i32
          %dma_start3A_1461 = tpu.memref_slice %arg8[%dma_start3A_1459, %dma_start3A_1460] : memref<64x224xf32, #tpu.memory_space<vmem>> -> memref<48x224xf32, #tpu.memory_space<vmem>>
          %dma_start3A_1462 = arith.constant 0 : i32
          %dma_start3A_1463 = tpu.memref_slice %arg2[%select_n3A_1430, %sub3A_1433, %select_n3A_1442, %dma_start3A_1462] : memref<256x3x224x224xf32, #tpu.memory_space<hbm>> -> memref<1x1x48x224xf32, #tpu.memory_space<hbm>>
          %dma_start3A_1464 = tpu.memref_squeeze %dma_start3A_1463 : memref<1x1x48x224xf32, #tpu.memory_space<hbm>> -> memref<48x224xf32, #tpu.memory_space<hbm>>
          tpu.enqueue_dma source(%dma_start3A_1464 : memref<48x224xf32, #tpu.memory_space<hbm>>) target(%dma_start3A_1461 : memref<48x224xf32, #tpu.memory_space<vmem>>) target_semaphore(%arg19 : memref<!tpu.dma_semaphore, #tpu.memory_space<semaphore_mem>>)
        } else {
        }
        %ge3A_1448 = arith.constant 2 : i32
        %ge3A_1449 = arith.cmpi sge, %select_n3A_1379, %ge3A_1448 : i32
        %convert_element_type3A_1450 = arith.extui %ge3A_1449 : i1 to i32
        %cond3A_1451 = arith.constant 0 : i32
        %cond3A_1452 = arith.cmpi ne, %convert_element_type3A_1450, %cond3A_1451 : i32
        scf.if %cond3A_1452 {
          %dma_start3A_1453 = arith.constant 0 : i32
          %dma_start3A_1454 = tpu.memref_slice %arg2[%select_n3A_1430, %sub3A_1433, %select_n3A_1442, %dma_start3A_1453] : memref<256x3x224x224xf32, #tpu.memory_space<hbm>> -> memref<1x1x64x224xf32, #tpu.memory_space<hbm>>
          %dma_start3A_1455 = tpu.memref_squeeze %dma_start3A_1454 : memref<1x1x64x224xf32, #tpu.memory_space<hbm>> -> memref<64x224xf32, #tpu.memory_space<hbm>>
          %dma_start3A_1456 = arith.constant 0 : i32
          %dma_start3A_1457 = tpu.memref_slice %arg2[%select_n3A_1430, %sub3A_1433, %select_n3A_1442, %dma_start3A_1456] : memref<256x3x224x224xf32, #tpu.memory_space<hbm>> -> memref<1x1x64x224xf32, #tpu.memory_space<hbm>>
          %dma_start3A_1458 = tpu.memref_squeeze %dma_start3A_1457 : memref<1x1x64x224xf32, #tpu.memory_space<hbm>> -> memref<64x224xf32, #tpu.memory_space<hbm>>
          tpu.enqueue_dma source(%dma_start3A_1458 : memref<64x224xf32, #tpu.memory_space<hbm>>) target(%arg8 : memref<64x224xf32, #tpu.memory_space<vmem>>) target_semaphore(%arg19 : memref<!tpu.dma_semaphore, #tpu.memory_space<semaphore_mem>>)
          %broadcast_in_dim3A = vector.broadcast %select_n3A_1430 : i32 to vector<16xi32>
          %gather3A = tpu.vector_load_idx %arg15[%broadcast_in_dim3A] : memref<256xi32, #tpu.memory_space<vmem>>[vector<16xi32>], vector<16xi32>,
          %reduce_max3A = arith.constant true
          %reduce_max3A_1459 = vector.broadcast %reduce_max3A : i1 to vector<16xi1>
          %reduce_max3A_1460 = arith.constant -2147483648 : i32
          %reduce_max3A_1461 = vector.broadcast %reduce_max3A_1460 : i32 to vector<16xi32>
          %reduce_max3A_1462 = arith.xori %gather3A, %reduce_max3A_1461 : vector<16xi32>
          %reduce_max3A_1463 = tpu.scan <max>, %reduce_max3A_1462 masked %reduce_max3A_1459 : vector<16xi32>, vector<16xi1> -> vector<16xi32>
          %reduce_max3A_1464 = arith.xori %reduce_max3A_1463, %reduce_max3A_1461 : vector<16xi32>
          %reduce_max3A_1465 = vector.extract %reduce_max3A_1464[15] : i32 from vector<16xi32>
          %dma_start3A_1466 = arith.constant 0 : i32
          %dma_start3A_1467 = tpu.memref_slice %arg2[%reduce_max3A_1465, %sub3A_1433, %select_n3A_1442, %dma_start3A_1466] : memref<256x3x224x224xf32, #tpu.memory_space<hbm>> -> memref<1x1x64x128xf32, #tpu.memory_space<hbm>>
          %dma_start3A_1468 = tpu.memref_squeeze %dma_start3A_1467 : memref<1x1x64x128xf32, #tpu.memory_space<hbm>> -> memref<64x128xf32, #tpu.memory_space<hbm>>
          %dma_start3A_1469 = arith.constant 0 : i32
          %dma_start3A_1470 = tpu.memref_slice %arg2[%reduce_max3A_1465, %sub3A_1433, %select_n3A_1442, %dma_start3A_1469] : memref<256x3x224x224xf32, #tpu.memory_space<hbm>> -> memref<1x1x64x128xf32, #tpu.memory_space<hbm>>
          %dma_start3A_1471 = tpu.memref_squeeze %dma_start3A_1470 : memref<1x1x64x128xf32, #tpu.memory_space<hbm>> -> memref<64x128xf32, #tpu.memory_space<hbm>>
          tpu.enqueue_dma source(%dma_start3A_1471 : memref<64x128xf32, #tpu.memory_space<hbm>>) target(%arg12 : memref<64x128xf32, #tpu.memory_space<vmem>>) target_semaphore(%arg23 : memref<!tpu.dma_semaphore, #tpu.memory_space<semaphore_mem>>)
        } else {
        }
      } else {
      }
    }
    %scan3A_90 = arith.constant 24 : i32
    %mul3A_91 = arith.constant 24 : i32
    %mul3A_92 = arith.muli %add3A, %mul3A_91 : i32
    %add3A_93 = arith.constant 23 : i32
    %add3A_94 = arith.addi %mul3A_92, %add3A_93 : i32
    %jit3A_95 = arith.constant 3 : i32
    %div3A_96 = arith.divsi %add3A_94, %jit3A_95 : i32
    %sign3A_97 = arith.constant 0 : i32
    %sign3A_98 = arith.cmpi sgt, %add3A_94, %sign3A_97 : i32
    %sign3A_99 = arith.extui %sign3A_98 : i1 to i32
    %sign3A_100 = arith.constant 0 : i32
    %sign3A_101 = arith.cmpi slt, %add3A_94, %sign3A_100 : i32
    %sign3A_102 = arith.extui %sign3A_101 : i1 to i32
    %sign3A_103 = arith.subi %sign3A_99, %sign3A_102 : i32
    %sign3A_104 = arith.constant 0 : i32
    %sign3A_105 = arith.cmpi sgt, %jit3A_95, %sign3A_104 : i32
    %sign3A_106 = arith.extui %sign3A_105 : i1 to i32
    %sign3A_107 = arith.constant 0 : i32
    %sign3A_108 = arith.cmpi slt, %jit3A_95, %sign3A_107 : i32
    %sign3A_109 = arith.extui %sign3A_108 : i1 to i32
    %sign3A_110 = arith.subi %sign3A_106, %sign3A_109 : i32
    %ne3A_111 = arith.cmpi ne, %sign3A_103, %sign3A_110 : i32
    %rem3A_112 = arith.remsi %add3A_94, %jit3A_95 : i32
    %ne3A_113 = arith.constant 0 : i32
    %ne3A_114 = arith.cmpi ne, %rem3A_112, %ne3A_113 : i32
    %and3A_115 = arith.andi %ne3A_111, %ne3A_114 : i1
    %sub3A_116 = arith.constant 1 : i32
    %sub3A_117 = arith.subi %div3A_96, %sub3A_116 : i32
    %select_n3A_118 = arith.select %and3A_115, %sub3A_117, %div3A_96 : i32
    %mul3A_119 = arith.constant 3 : i32
    %mul3A_120 = arith.muli %select_n3A_118, %mul3A_119 : i32
    %sub3A_121 = arith.subi %add3A_94, %mul3A_120 : i32
    %jit3A_122 = arith.constant true
    %jit3A_123 = arith.constant 0 : i32
    %jit3A_124 = arith.constant -32 : i32
    %select_n3A_125 = arith.select %jit3A_122, %jit3A_123, %jit3A_124 : i32
    %dma_wait3A = arith.constant 0 : i32
    %dma_wait3A_126 = arith.constant 0 : i32
    %dma_wait3A_127 = tpu.memref_slice %arg7[%dma_wait3A, %dma_wait3A_126] : memref<64x224xf32, #tpu.memory_space<vmem>> -> memref<48x224xf32, #tpu.memory_space<vmem>>
    %dma_wait3A_128 = arith.constant 0 : i32
    %dma_wait3A_129 = tpu.memref_slice %arg5[%select_n3A_118, %sub3A_121, %select_n3A_125, %dma_wait3A_128] : memref<256x3x224x224xf32, #tpu.memory_space<hbm>> -> memref<1x1x48x224xf32, #tpu.memory_space<hbm>>
    %dma_wait3A_130 = tpu.memref_squeeze %dma_wait3A_129 : memref<1x1x48x224xf32, #tpu.memory_space<hbm>> -> memref<48x224xf32, #tpu.memory_space<hbm>>
    %dma_wait3A_131 = arith.constant 0 : i32
    %dma_wait3A_132 = tpu.memref_slice %arg5[%select_n3A_118, %sub3A_121, %select_n3A_125, %dma_wait3A_131] : memref<256x3x224x224xf32, #tpu.memory_space<hbm>> -> memref<1x1x48x224xf32, #tpu.memory_space<hbm>>
    %dma_wait3A_133 = tpu.memref_squeeze %dma_wait3A_132 : memref<1x1x48x224xf32, #tpu.memory_space<hbm>> -> memref<48x224xf32, #tpu.memory_space<hbm>>
    %dma_wait3A_134 = arith.constant 0 : i32
    %dma_wait3A_135 = arith.constant 0 : i32
    %dma_wait3A_136 = tpu.memref_slice %arg7[%dma_wait3A_134, %dma_wait3A_135] : memref<64x224xf32, #tpu.memory_space<vmem>> -> memref<48x224xf32, #tpu.memory_space<vmem>>
    tpu.wait_dma2 semaphore(%arg26 : memref<!tpu.dma_semaphore, #tpu.memory_space<semaphore_mem>>) src(%dma_wait3A_136 : memref<48x224xf32, #tpu.memory_space<vmem>>) dst(%dma_wait3A_133 : memref<48x224xf32, #tpu.memory_space<hbm>>)
    %mul3A_137 = arith.constant 24 : i32
    %mul3A_138 = arith.muli %add3A, %mul3A_137 : i32
    %add3A_139 = arith.constant 23 : i32
    %add3A_140 = arith.addi %mul3A_138, %add3A_139 : i32
    %jit3A_141 = arith.constant 3 : i32
    %div3A_142 = arith.divsi %add3A_140, %jit3A_141 : i32
    %sign3A_143 = arith.constant 0 : i32
    %sign3A_144 = arith.cmpi sgt, %add3A_140, %sign3A_143 : i32
    %sign3A_145 = arith.extui %sign3A_144 : i1 to i32
    %sign3A_146 = arith.constant 0 : i32
    %sign3A_147 = arith.cmpi slt, %add3A_140, %sign3A_146 : i32
    %sign3A_148 = arith.extui %sign3A_147 : i1 to i32
    %sign3A_149 = arith.subi %sign3A_145, %sign3A_148 : i32
    %sign3A_150 = arith.constant 0 : i32
    %sign3A_151 = arith.cmpi sgt, %jit3A_141, %sign3A_150 : i32
    %sign3A_152 = arith.extui %sign3A_151 : i1 to i32
    %sign3A_153 = arith.constant 0 : i32
    %sign3A_154 = arith.cmpi slt, %jit3A_141, %sign3A_153 : i32
    %sign3A_155 = arith.extui %sign3A_154 : i1 to i32
    %sign3A_156 = arith.subi %sign3A_152, %sign3A_155 : i32
    %ne3A_157 = arith.cmpi ne, %sign3A_149, %sign3A_156 : i32
    %rem3A_158 = arith.remsi %add3A_140, %jit3A_141 : i32
    %ne3A_159 = arith.constant 0 : i32
    %ne3A_160 = arith.cmpi ne, %rem3A_158, %ne3A_159 : i32
    %and3A_161 = arith.andi %ne3A_157, %ne3A_160 : i1
    %sub3A_162 = arith.constant 1 : i32
    %sub3A_163 = arith.subi %div3A_142, %sub3A_162 : i32
    %select_n3A_164 = arith.select %and3A_161, %sub3A_163, %div3A_142 : i32
    %mul3A_165 = arith.constant 3 : i32
    %mul3A_166 = arith.muli %select_n3A_164, %mul3A_165 : i32
    %sub3A_167 = arith.subi %add3A_140, %mul3A_166 : i32
    %jit3A_168 = arith.constant true
    %jit3A_169 = arith.constant 48 : i32
    %jit3A_170 = arith.constant 32 : i32
    %select_n3A_171 = arith.select %jit3A_168, %jit3A_169, %jit3A_170 : i32
    %dma_wait3A_172 = arith.constant 0 : i32
    %dma_wait3A_173 = arith.constant 0 : i32
    %dma_wait3A_174 = tpu.memref_slice %arg8[%dma_wait3A_172, %dma_wait3A_173] : memref<64x224xf32, #tpu.memory_space<vmem>> -> memref<48x224xf32, #tpu.memory_space<vmem>>
    %dma_wait3A_175 = arith.constant 0 : i32
    %dma_wait3A_176 = tpu.memref_slice %arg5[%select_n3A_164, %sub3A_167, %select_n3A_171, %dma_wait3A_175] : memref<256x3x224x224xf32, #tpu.memory_space<hbm>> -> memref<1x1x48x224xf32, #tpu.memory_space<hbm>>
    %dma_wait3A_177 = tpu.memref_squeeze %dma_wait3A_176 : memref<1x1x48x224xf32, #tpu.memory_space<hbm>> -> memref<48x224xf32, #tpu.memory_space<hbm>>
    %dma_wait3A_178 = arith.constant 0 : i32
    %dma_wait3A_179 = tpu.memref_slice %arg5[%select_n3A_164, %sub3A_167, %select_n3A_171, %dma_wait3A_178] : memref<256x3x224x224xf32, #tpu.memory_space<hbm>> -> memref<1x1x48x224xf32, #tpu.memory_space<hbm>>
    %dma_wait3A_180 = tpu.memref_squeeze %dma_wait3A_179 : memref<1x1x48x224xf32, #tpu.memory_space<hbm>> -> memref<48x224xf32, #tpu.memory_space<hbm>>
    %dma_wait3A_181 = arith.constant 0 : i32
    %dma_wait3A_182 = arith.constant 0 : i32
    %dma_wait3A_183 = tpu.memref_slice %arg8[%dma_wait3A_181, %dma_wait3A_182] : memref<64x224xf32, #tpu.memory_space<vmem>> -> memref<48x224xf32, #tpu.memory_space<vmem>>
    tpu.wait_dma2 semaphore(%arg27 : memref<!tpu.dma_semaphore, #tpu.memory_space<semaphore_mem>>) src(%dma_wait3A_183 : memref<48x224xf32, #tpu.memory_space<vmem>>) dst(%dma_wait3A_180 : memref<48x224xf32, #tpu.memory_space<hbm>>)
    %mul3A_184 = arith.constant 24 : i32
    %mul3A_185 = arith.muli %add3A, %mul3A_184 : i32
    %add3A_186 = arith.constant 23 : i32
    %add3A_187 = arith.addi %mul3A_185, %add3A_186 : i32
    %jit3A_188 = arith.constant 3 : i32
    %div3A_189 = arith.divsi %add3A_187, %jit3A_188 : i32
    %sign3A_190 = arith.constant 0 : i32
    %sign3A_191 = arith.cmpi sgt, %add3A_187, %sign3A_190 : i32
    %sign3A_192 = arith.extui %sign3A_191 : i1 to i32
    %sign3A_193 = arith.constant 0 : i32
    %sign3A_194 = arith.cmpi slt, %add3A_187, %sign3A_193 : i32
    %sign3A_195 = arith.extui %sign3A_194 : i1 to i32
    %sign3A_196 = arith.subi %sign3A_192, %sign3A_195 : i32
    %sign3A_197 = arith.constant 0 : i32
    %sign3A_198 = arith.cmpi sgt, %jit3A_188, %sign3A_197 : i32
    %sign3A_199 = arith.extui %sign3A_198 : i1 to i32
    %sign3A_200 = arith.constant 0 : i32
    %sign3A_201 = arith.cmpi slt, %jit3A_188, %sign3A_200 : i32
    %sign3A_202 = arith.extui %sign3A_201 : i1 to i32
    %sign3A_203 = arith.subi %sign3A_199, %sign3A_202 : i32
    %ne3A_204 = arith.cmpi ne, %sign3A_196, %sign3A_203 : i32
    %rem3A_205 = arith.remsi %add3A_187, %jit3A_188 : i32
    %ne3A_206 = arith.constant 0 : i32
    %ne3A_207 = arith.cmpi ne, %rem3A_205, %ne3A_206 : i32
    %and3A_208 = arith.andi %ne3A_204, %ne3A_207 : i1
    %sub3A_209 = arith.constant 1 : i32
    %sub3A_210 = arith.subi %div3A_189, %sub3A_209 : i32
    %select_n3A_211 = arith.select %and3A_208, %sub3A_210, %div3A_189 : i32
    %mul3A_212 = arith.constant 3 : i32
    %mul3A_213 = arith.muli %select_n3A_211, %mul3A_212 : i32
    %sub3A_214 = arith.subi %add3A_187, %mul3A_213 : i32
    %jit3A_215 = arith.constant false
    %jit3A_216 = arith.constant 96 : i32
    %jit3A_217 = arith.constant 96 : i32
    %select_n3A_218 = arith.select %jit3A_215, %jit3A_216, %jit3A_217 : i32
    %dma_wait3A_219 = arith.constant 0 : i32
    %dma_wait3A_220 = tpu.memref_slice %arg5[%select_n3A_211, %sub3A_214, %select_n3A_218, %dma_wait3A_219] : memref<256x3x224x224xf32, #tpu.memory_space<hbm>> -> memref<1x1x64x224xf32, #tpu.memory_space<hbm>>
    %dma_wait3A_221 = tpu.memref_squeeze %dma_wait3A_220 : memref<1x1x64x224xf32, #tpu.memory_space<hbm>> -> memref<64x224xf32, #tpu.memory_space<hbm>>
    %dma_wait3A_222 = arith.constant 0 : i32
    %dma_wait3A_223 = tpu.memref_slice %arg5[%select_n3A_211, %sub3A_214, %select_n3A_218, %dma_wait3A_222] : memref<256x3x224x224xf32, #tpu.memory_space<hbm>> -> memref<1x1x64x224xf32, #tpu.memory_space<hbm>>
    %dma_wait3A_224 = tpu.memref_squeeze %dma_wait3A_223 : memref<1x1x64x224xf32, #tpu.memory_space<hbm>> -> memref<64x224xf32, #tpu.memory_space<hbm>>
    tpu.wait_dma2 semaphore(%arg28 : memref<!tpu.dma_semaphore, #tpu.memory_space<semaphore_mem>>) src(%arg9 : memref<64x224xf32, #tpu.memory_space<vmem>>) dst(%dma_wait3A_224 : memref<64x224xf32, #tpu.memory_space<hbm>>)
    %mul3A_225 = arith.constant 24 : i32
    %mul3A_226 = arith.muli %add3A, %mul3A_225 : i32
    %add3A_227 = arith.constant 23 : i32
    %add3A_228 = arith.addi %mul3A_226, %add3A_227 : i32
    %jit3A_229 = arith.constant 3 : i32
    %div3A_230 = arith.divsi %add3A_228, %jit3A_229 : i32
    %sign3A_231 = arith.constant 0 : i32
    %sign3A_232 = arith.cmpi sgt, %add3A_228, %sign3A_231 : i32
    %sign3A_233 = arith.extui %sign3A_232 : i1 to i32
    %sign3A_234 = arith.constant 0 : i32
    %sign3A_235 = arith.cmpi slt, %add3A_228, %sign3A_234 : i32
    %sign3A_236 = arith.extui %sign3A_235 : i1 to i32
    %sign3A_237 = arith.subi %sign3A_233, %sign3A_236 : i32
    %sign3A_238 = arith.constant 0 : i32
    %sign3A_239 = arith.cmpi sgt, %jit3A_229, %sign3A_238 : i32
    %sign3A_240 = arith.extui %sign3A_239 : i1 to i32
    %sign3A_241 = arith.constant 0 : i32
    %sign3A_242 = arith.cmpi slt, %jit3A_229, %sign3A_241 : i32
    %sign3A_243 = arith.extui %sign3A_242 : i1 to i32
    %sign3A_244 = arith.subi %sign3A_240, %sign3A_243 : i32
    %ne3A_245 = arith.cmpi ne, %sign3A_237, %sign3A_244 : i32
    %rem3A_246 = arith.remsi %add3A_228, %jit3A_229 : i32
    %ne3A_247 = arith.constant 0 : i32
    %ne3A_248 = arith.cmpi ne, %rem3A_246, %ne3A_247 : i32
    %and3A_249 = arith.andi %ne3A_245, %ne3A_248 : i1
    %sub3A_250 = arith.constant 1 : i32
    %sub3A_251 = arith.subi %div3A_230, %sub3A_250 : i32
    %select_n3A_252 = arith.select %and3A_249, %sub3A_251, %div3A_230 : i32
    %mul3A_253 = arith.constant 3 : i32
    %mul3A_254 = arith.muli %select_n3A_252, %mul3A_253 : i32
    %sub3A_255 = arith.subi %add3A_228, %mul3A_254 : i32
    %jit3A_256 = arith.constant false
    %jit3A_257 = arith.constant 144 : i32
    %jit3A_258 = arith.constant 160 : i32
    %select_n3A_259 = arith.select %jit3A_256, %jit3A_257, %jit3A_258 : i32
    %dma_wait3A_260 = arith.constant 0 : i32
    %dma_wait3A_261 = tpu.memref_slice %arg5[%select_n3A_252, %sub3A_255, %select_n3A_259, %dma_wait3A_260] : memref<256x3x224x224xf32, #tpu.memory_space<hbm>> -> memref<1x1x64x224xf32, #tpu.memory_space<hbm>>
    %dma_wait3A_262 = tpu.memref_squeeze %dma_wait3A_261 : memref<1x1x64x224xf32, #tpu.memory_space<hbm>> -> memref<64x224xf32, #tpu.memory_space<hbm>>
    %dma_wait3A_263 = arith.constant 0 : i32
    %dma_wait3A_264 = tpu.memref_slice %arg5[%select_n3A_252, %sub3A_255, %select_n3A_259, %dma_wait3A_263] : memref<256x3x224x224xf32, #tpu.memory_space<hbm>> -> memref<1x1x64x224xf32, #tpu.memory_space<hbm>>
    %dma_wait3A_265 = tpu.memref_squeeze %dma_wait3A_264 : memref<1x1x64x224xf32, #tpu.memory_space<hbm>> -> memref<64x224xf32, #tpu.memory_space<hbm>>
    tpu.wait_dma2 semaphore(%arg29 : memref<!tpu.dma_semaphore, #tpu.memory_space<semaphore_mem>>) src(%arg10 : memref<64x224xf32, #tpu.memory_space<vmem>>) dst(%dma_wait3A_265 : memref<64x224xf32, #tpu.memory_space<hbm>>)
    %eq3A = arith.constant 0 : i32
    %eq3A_266 = arith.cmpi eq, %add3A, %eq3A : i32
    %convert_element_type3A = arith.extui %eq3A_266 : i1 to i32
    %cond3A = arith.constant 0 : i32
    %cond3A_267 = arith.cmpi ne, %convert_element_type3A, %cond3A : i32
    scf.if %cond3A_267 {
      "tpu.region"() ({
        %run_scoped3A = tpu.sem_alloc : memref<!tpu.dma_semaphore, #tpu.memory_space<semaphore_mem>>
        tpu.enqueue_dma source(%arg4 : memref<256xi32, #tpu.memory_space<hbm>>) target(%arg16 : memref<256xi32, #tpu.memory_space<vmem>>) target_semaphore(%run_scoped3A : memref<!tpu.dma_semaphore, #tpu.memory_space<semaphore_mem>>)
        tpu.wait_dma2 semaphore(%run_scoped3A : memref<!tpu.dma_semaphore, #tpu.memory_space<semaphore_mem>>) src(%arg4 : memref<256xi32, #tpu.memory_space<hbm>>) dst(%arg16 : memref<256xi32, #tpu.memory_space<vmem>>)
        tpu.yield
      }) : () -> ()
      %get3A = arith.constant 0 : index
      %get3A_268 = tpu.vector_load %arg15[%get3A] {strides = array<i32>} : memref<256xi32, #tpu.memory_space<vmem>>, vector<16xi32>,
      %gather3A = tpu.vector_load_idx %arg16[%get3A_268] : memref<256xi32, #tpu.memory_space<vmem>>[vector<16xi32>], vector<16xi32>,
      %swap3A = arith.constant 0 : index
      %swap3A_269 = tpu.vector_load %arg17[%swap3A] {strides = array<i32>} : memref<256xi32, #tpu.memory_space<vmem>>, vector<16xi32>,
      tpu.vector_store %arg17[%swap3A], %gather3A {strides = array<i32>} : memref<256xi32, #tpu.memory_space<vmem>>, vector<16xi32>,
      %get3A_270 = arith.constant 16 : index
      %get3A_271 = tpu.vector_load %arg15[%get3A_270] {strides = array<i32>} : memref<256xi32, #tpu.memory_space<vmem>>, vector<16xi32>,
      %gather3A_272 = tpu.vector_load_idx %arg16[%get3A_271] : memref<256xi32, #tpu.memory_space<vmem>>[vector<16xi32>], vector<16xi32>,
      %swap3A_273 = arith.constant 16 : index
      %swap3A_274 = tpu.vector_load %arg17[%swap3A_273] {strides = array<i32>} : memref<256xi32, #tpu.memory_space<vmem>>, vector<16xi32>,
      tpu.vector_store %arg17[%swap3A_273], %gather3A_272 {strides = array<i32>} : memref<256xi32, #tpu.memory_space<vmem>>, vector<16xi32>,
      %get3A_275 = arith.constant 32 : index
      %get3A_276 = tpu.vector_load %arg15[%get3A_275] {strides = array<i32>} : memref<256xi32, #tpu.memory_space<vmem>>, vector<16xi32>,
      %gather3A_277 = tpu.vector_load_idx %arg16[%get3A_276] : memref<256xi32, #tpu.memory_space<vmem>>[vector<16xi32>], vector<16xi32>,
      %swap3A_278 = arith.constant 32 : index
      %swap3A_279 = tpu.vector_load %arg17[%swap3A_278] {strides = array<i32>} : memref<256xi32, #tpu.memory_space<vmem>>, vector<16xi32>,
      tpu.vector_store %arg17[%swap3A_278], %gather3A_277 {strides = array<i32>} : memref<256xi32, #tpu.memory_space<vmem>>, vector<16xi32>,
      %get3A_280 = arith.constant 48 : index
      %get3A_281 = tpu.vector_load %arg15[%get3A_280] {strides = array<i32>} : memref<256xi32, #tpu.memory_space<vmem>>, vector<16xi32>,
      %gather3A_282 = tpu.vector_load_idx %arg16[%get3A_281] : memref<256xi32, #tpu.memory_space<vmem>>[vector<16xi32>], vector<16xi32>,
      %swap3A_283 = arith.constant 48 : index
      %swap3A_284 = tpu.vector_load %arg17[%swap3A_283] {strides = array<i32>} : memref<256xi32, #tpu.memory_space<vmem>>, vector<16xi32>,
      tpu.vector_store %arg17[%swap3A_283], %gather3A_282 {strides = array<i32>} : memref<256xi32, #tpu.memory_space<vmem>>, vector<16xi32>,
      %get3A_285 = arith.constant 64 : index
      %get3A_286 = tpu.vector_load %arg15[%get3A_285] {strides = array<i32>} : memref<256xi32, #tpu.memory_space<vmem>>, vector<16xi32>,
      %gather3A_287 = tpu.vector_load_idx %arg16[%get3A_286] : memref<256xi32, #tpu.memory_space<vmem>>[vector<16xi32>], vector<16xi32>,
      %swap3A_288 = arith.constant 64 : index
      %swap3A_289 = tpu.vector_load %arg17[%swap3A_288] {strides = array<i32>} : memref<256xi32, #tpu.memory_space<vmem>>, vector<16xi32>,
      tpu.vector_store %arg17[%swap3A_288], %gather3A_287 {strides = array<i32>} : memref<256xi32, #tpu.memory_space<vmem>>, vector<16xi32>,
      %get3A_290 = arith.constant 80 : index
      %get3A_291 = tpu.vector_load %arg15[%get3A_290] {strides = array<i32>} : memref<256xi32, #tpu.memory_space<vmem>>, vector<16xi32>,
      %gather3A_292 = tpu.vector_load_idx %arg16[%get3A_291] : memref<256xi32, #tpu.memory_space<vmem>>[vector<16xi32>], vector<16xi32>,
      %swap3A_293 = arith.constant 80 : index
      %swap3A_294 = tpu.vector_load %arg17[%swap3A_293] {strides = array<i32>} : memref<256xi32, #tpu.memory_space<vmem>>, vector<16xi32>,
      tpu.vector_store %arg17[%swap3A_293], %gather3A_292 {strides = array<i32>} : memref<256xi32, #tpu.memory_space<vmem>>, vector<16xi32>,
      %get3A_295 = arith.constant 96 : index
      %get3A_296 = tpu.vector_load %arg15[%get3A_295] {strides = array<i32>} : memref<256xi32, #tpu.memory_space<vmem>>, vector<16xi32>,
      %gather3A_297 = tpu.vector_load_idx %arg16[%get3A_296] : memref<256xi32, #tpu.memory_space<vmem>>[vector<16xi32>], vector<16xi32>,
      %swap3A_298 = arith.constant 96 : index
      %swap3A_299 = tpu.vector_load %arg17[%swap3A_298] {strides = array<i32>} : memref<256xi32, #tpu.memory_space<vmem>>, vector<16xi32>,
      tpu.vector_store %arg17[%swap3A_298], %gather3A_297 {strides = array<i32>} : memref<256xi32, #tpu.memory_space<vmem>>, vector<16xi32>,
      %get3A_300 = arith.constant 112 : index
      %get3A_301 = tpu.vector_load %arg15[%get3A_300] {strides = array<i32>} : memref<256xi32, #tpu.memory_space<vmem>>, vector<16xi32>,
      %gather3A_302 = tpu.vector_load_idx %arg16[%get3A_301] : memref<256xi32, #tpu.memory_space<vmem>>[vector<16xi32>], vector<16xi32>,
      %swap3A_303 = arith.constant 112 : index
      %swap3A_304 = tpu.vector_load %arg17[%swap3A_303] {strides = array<i32>} : memref<256xi32, #tpu.memory_space<vmem>>, vector<16xi32>,
      tpu.vector_store %arg17[%swap3A_303], %gather3A_302 {strides = array<i32>} : memref<256xi32, #tpu.memory_space<vmem>>, vector<16xi32>,
      %get3A_305 = arith.constant 128 : index
      %get3A_306 = tpu.vector_load %arg15[%get3A_305] {strides = array<i32>} : memref<256xi32, #tpu.memory_space<vmem>>, vector<16xi32>,
      %gather3A_307 = tpu.vector_load_idx %arg16[%get3A_306] : memref<256xi32, #tpu.memory_space<vmem>>[vector<16xi32>], vector<16xi32>,
      %swap3A_308 = arith.constant 128 : index
      %swap3A_309 = tpu.vector_load %arg17[%swap3A_308] {strides = array<i32>} : memref<256xi32, #tpu.memory_space<vmem>>, vector<16xi32>,
      tpu.vector_store %arg17[%swap3A_308], %gather3A_307 {strides = array<i32>} : memref<256xi32, #tpu.memory_space<vmem>>, vector<16xi32>,
      %get3A_310 = arith.constant 144 : index
      %get3A_311 = tpu.vector_load %arg15[%get3A_310] {strides = array<i32>} : memref<256xi32, #tpu.memory_space<vmem>>, vector<16xi32>,
      %gather3A_312 = tpu.vector_load_idx %arg16[%get3A_311] : memref<256xi32, #tpu.memory_space<vmem>>[vector<16xi32>], vector<16xi32>,
      %swap3A_313 = arith.constant 144 : index
      %swap3A_314 = tpu.vector_load %arg17[%swap3A_313] {strides = array<i32>} : memref<256xi32, #tpu.memory_space<vmem>>, vector<16xi32>,
      tpu.vector_store %arg17[%swap3A_313], %gather3A_312 {strides = array<i32>} : memref<256xi32, #tpu.memory_space<vmem>>, vector<16xi32>,
      %get3A_315 = arith.constant 160 : index
      %get3A_316 = tpu.vector_load %arg15[%get3A_315] {strides = array<i32>} : memref<256xi32, #tpu.memory_space<vmem>>, vector<16xi32>,
      %gather3A_317 = tpu.vector_load_idx %arg16[%get3A_316] : memref<256xi32, #tpu.memory_space<vmem>>[vector<16xi32>], vector<16xi32>,
      %swap3A_318 = arith.constant 160 : index
      %swap3A_319 = tpu.vector_load %arg17[%swap3A_318] {strides = array<i32>} : memref<256xi32, #tpu.memory_space<vmem>>, vector<16xi32>,
      tpu.vector_store %arg17[%swap3A_318], %gather3A_317 {strides = array<i32>} : memref<256xi32, #tpu.memory_space<vmem>>, vector<16xi32>,
      %get3A_320 = arith.constant 176 : index
      %get3A_321 = tpu.vector_load %arg15[%get3A_320] {strides = array<i32>} : memref<256xi32, #tpu.memory_space<vmem>>, vector<16xi32>,
      %gather3A_322 = tpu.vector_load_idx %arg16[%get3A_321] : memref<256xi32, #tpu.memory_space<vmem>>[vector<16xi32>], vector<16xi32>,
      %swap3A_323 = arith.constant 176 : index
      %swap3A_324 = tpu.vector_load %arg17[%swap3A_323] {strides = array<i32>} : memref<256xi32, #tpu.memory_space<vmem>>, vector<16xi32>,
      tpu.vector_store %arg17[%swap3A_323], %gather3A_322 {strides = array<i32>} : memref<256xi32, #tpu.memory_space<vmem>>, vector<16xi32>,
      %get3A_325 = arith.constant 192 : index
      %get3A_326 = tpu.vector_load %arg15[%get3A_325] {strides = array<i32>} : memref<256xi32, #tpu.memory_space<vmem>>, vector<16xi32>,
      %gather3A_327 = tpu.vector_load_idx %arg16[%get3A_326] : memref<256xi32, #tpu.memory_space<vmem>>[vector<16xi32>], vector<16xi32>,
      %swap3A_328 = arith.constant 192 : index
      %swap3A_329 = tpu.vector_load %arg17[%swap3A_328] {strides = array<i32>} : memref<256xi32, #tpu.memory_space<vmem>>, vector<16xi32>,
      tpu.vector_store %arg17[%swap3A_328], %gather3A_327 {strides = array<i32>} : memref<256xi32, #tpu.memory_space<vmem>>, vector<16xi32>,
      %get3A_330 = arith.constant 208 : index
      %get3A_331 = tpu.vector_load %arg15[%get3A_330] {strides = array<i32>} : memref<256xi32, #tpu.memory_space<vmem>>, vector<16xi32>,
      %gather3A_332 = tpu.vector_load_idx %arg16[%get3A_331] : memref<256xi32, #tpu.memory_space<vmem>>[vector<16xi32>], vector<16xi32>,
      %swap3A_333 = arith.constant 208 : index
      %swap3A_334 = tpu.vector_load %arg17[%swap3A_333] {strides = array<i32>} : memref<256xi32, #tpu.memory_space<vmem>>, vector<16xi32>,
      tpu.vector_store %arg17[%swap3A_333], %gather3A_332 {strides = array<i32>} : memref<256xi32, #tpu.memory_space<vmem>>, vector<16xi32>,
      %get3A_335 = arith.constant 224 : index
      %get3A_336 = tpu.vector_load %arg15[%get3A_335] {strides = array<i32>} : memref<256xi32, #tpu.memory_space<vmem>>, vector<16xi32>,
      %gather3A_337 = tpu.vector_load_idx %arg16[%get3A_336] : memref<256xi32, #tpu.memory_space<vmem>>[vector<16xi32>], vector<16xi32>,
      %swap3A_338 = arith.constant 224 : index
      %swap3A_339 = tpu.vector_load %arg17[%swap3A_338] {strides = array<i32>} : memref<256xi32, #tpu.memory_space<vmem>>, vector<16xi32>,
      tpu.vector_store %arg17[%swap3A_338], %gather3A_337 {strides = array<i32>} : memref<256xi32, #tpu.memory_space<vmem>>, vector<16xi32>,
      %get3A_340 = arith.constant 240 : index
      %get3A_341 = tpu.vector_load %arg15[%get3A_340] {strides = array<i32>} : memref<256xi32, #tpu.memory_space<vmem>>, vector<16xi32>,
      %gather3A_342 = tpu.vector_load_idx %arg16[%get3A_341] : memref<256xi32, #tpu.memory_space<vmem>>[vector<16xi32>], vector<16xi32>,
      %swap3A_343 = arith.constant 240 : index
      %swap3A_344 = tpu.vector_load %arg17[%swap3A_343] {strides = array<i32>} : memref<256xi32, #tpu.memory_space<vmem>>, vector<16xi32>,
      tpu.vector_store %arg17[%swap3A_343], %gather3A_342 {strides = array<i32>} : memref<256xi32, #tpu.memory_space<vmem>>, vector<16xi32>,
      "tpu.region"() ({
        %run_scoped3A = tpu.sem_alloc : memref<!tpu.dma_semaphore, #tpu.memory_space<semaphore_mem>>
        tpu.enqueue_dma source(%arg17 : memref<256xi32, #tpu.memory_space<vmem>>) target(%arg6 : memref<256xi32, #tpu.memory_space<hbm>>) target_semaphore(%run_scoped3A : memref<!tpu.dma_semaphore, #tpu.memory_space<semaphore_mem>>)
        tpu.wait_dma2 semaphore(%run_scoped3A : memref<!tpu.dma_semaphore, #tpu.memory_space<semaphore_mem>>) src(%arg17 : memref<256xi32, #tpu.memory_space<vmem>>) dst(%arg6 : memref<256xi32, #tpu.memory_space<hbm>>)
        tpu.yield
      }) : () -> ()
    } else {
    }
    return
  }
}

</mosaic_0001>

<sc_bundles>
// kernel: kernel.3.cloned.1.call-start
scs
__scs_entry_jumppad:
0x0: {  	(pc) =	sbr.rel $0x88, $3  }
0x1: {  	(tag) =	ssettag $0x0;
	lr =	simm.s32 $0x1  }
0x2: {  	[smem:$0x3F9E] =	sst lr;
	_ =	strace $0xD0000000  }
0x3: {  	_ = 	snop  }
0x4: {  	_ = 	snop  }
0x5: {  	_ = 	snop  }
0x6: {  	_ = 	snop  }
0x7: {  	_ = 	snop  }
__scs_overlays_trampoline_lowered:
0x8: {  	[smem:$0x3FAD] =	sst s0  }
0x9: {  	[smem:$0x3FAE] =	sst s1  }
0xa: {  	[smem:$0x3FAF] =	sst s2  }
0xb: {  	[smem:$0x3FB0] =	sst s3  }
0xc: {  	[smem:$0x3FB1] =	sst s4  }
0xd: {  	[smem:$0x3FB2] =	sst s5  }
0xe: {  	[smem:$0x3FB3] =	sst s6  }
0xf: {  	[smem:$0x3FB4] =	sst s7  }
0x10: {  	[smem:$0x3FB5] =	sst s8  }
0x11: {  	[smem:$0x3FB6] =	sst s9;
	s0 =	simm.s32 @!p0 $0x0  }
0x12: {  	s1 =	sld [smem:$0x3F9C];
	s0 =	simm.s32 @p0 $0x1  }
0x13: {  	[smem:$0x3FB7] =	sst s0;
	s0 =	simm.s32 @!p1 $0x0  }
0x14: {  	s2 =	sld [smem:$0x3F9B];
	s0 =	simm.s32 @p1 $0x1  }
0x15: {  	[smem:$0x3FB8] =	sst s0;
	s0 =	simm.s32 @!p2 $0x0  }
0x16: {  	s3 =	sld [smem:$0x3FDB];
	s0 =	simm.s32 @p2 $0x1  }
0x17: {  	s4 =	simm.s32 $0x1BF5;
	[smem:$0x3FBA] =	sst s0  }
0x18: {  	s0 =	sld [smem:$0x3F9D];
	_ =	swait.ge [sflag:s4], $0x0  }
0x19: {  	s7 =	sld [smem:$0x3F9E]  }
0x1a: {  	s8 =	sadd.s32 $0xFFFFE003, lr  }
0x1b: {  	s9 =	sadd.s32 $0xFFFFFEF7, lr;
	s5 =	simm.s32 $0xFFFFFFFF;
	p2 =	slt.u32 s8, $0xFFFFF086  }
0x1c: {  	p1 =	slt.u32 s9, $0xF7A;
	s5 =	simm.s32 @!p2 $0x0  }
0x1d: {  	s5 =	simm.s32 @p1 $0x1;
	p0 =	seq.s32 s7, s2  }
0x1e: {  	s7 =	smul.u32 @!p0 $0xF7A, s2;
	p2 =	seq.s32 @!p0 s5, $0x0  }
0x1f: {  	s9 =	smul.u32 $0xF7A, s1;
	s8 =	simm.s32 @!p0 $0x1BF5;
	p2 =	por !p2, p0  }
0x20: {  	[sflag:s8] =	ssyncset.s32 @!p0 $0xFFFFF086;
	s6 =	sadd.s32 @!p0 s3, s7;
	s7 =	simm.s32 @!p0 $0x108  }
0x21: {  	s3 =	sadd.s32 s3, s9;
	s6 =	sadd.s32 @!p0 $0x88, s6;
	s7 =	simm.s32 @p2 $0x1082  }
0x22: {  	[simem:s7], [sflag:s8] =	dma.local @!p0 [hbm:s6], $0xF7A  }
0x23: {  	s9 =	sor.u32 $0xD0000000, s2;
	s6 =	simm.s32 $0x108;
	_ =	swait.ge @!p0 [sflag:s8], $0x0  }
0x24: {  	s3 =	sadd.s32 $0x88, s3;
	s6 =	simm.s32 @!p1 $0x1082;
	[sflag:s4] =	ssyncset.s32 $0xFFFFF086  }
0x25: {  	[simem:s6], [sflag:s4] =	dma.local [hbm:s3], $0xF7A  }
0x26: {  	[smem:$0x3F9E] =	sst s1;
	(tag) =	ssettag s2;
	_ =	strace s9  }
0x27: {  	s1 =	sld [smem:$0x3FAE]  }
0x28: {  	s2 =	sld [smem:$0x3FAF]  }
0x29: {  	s4 =	sld [smem:$0x3FB1]  }
0x2a: {  	p0 =	seq.s32 s5, $0x0;
	s5 =	sld [smem:$0x3FB2]  }
0x2b: {  	s6 =	sld [smem:$0x3FB3]  }
0x2c: {  	s7 =	sld [smem:$0x3FB4]  }
0x2d: {  	s3 =	simm.s32 $0x108;
	s8 =	sld [smem:$0x3FB5]  }
0x2e: {  	s3 =	simm.s32 @!p0 $0x1082;
	s9 =	sld [smem:$0x3FB6]  }
0x2f: {  	lr =	sadd.s32 s0, s3;
	s0 =	sld [smem:$0x3FAD]  }
0x30: {  	s3 =	sld [smem:$0x3FB0]  }
0x31: {  	[smem:$0x3FB9] =	sst s10  }
0x32: {  	s10 =	sld [smem:$0x3FB7];
	_ =	sdelay $0x3  }
0x33: {  	p0 =	seq.s32 s10, $0x1;
	s10 =	sld [smem:$0x3FB9];
	_ =	sdelay $0x3  }
0x34: {  	[smem:$0x3FB9] =	sst s10  }
0x35: {  	s10 =	sld [smem:$0x3FB8];
	_ =	sdelay $0x3  }
0x36: {  	p1 =	seq.s32 s10, $0x1;
	s10 =	sld [smem:$0x3FB9];
	_ =	sdelay $0x3  }
0x37: {  	[smem:$0x3FB9] =	sst s10  }
0x38: {  	s10 =	sld [smem:$0x3FBA]  }
0x39: {  	_ = 	snop;
	(pc) =	sbr.ind lr, $3  }
0x3a: {  	_ = 	snop  }
0x3b: {  	_ = 	snop  }
0x3c: {  	p2 =	seq.s32 s10, $0x1;
	s10 =	sld [smem:$0x3FB9]  }
0x3d: {  	_ =	shalt  }
0x3e: {  	_ =	shalt  }
0x3f: {  	_ =	shalt  }
0x40: {  	_ =	shalt  }
0x41: {  	_ =	shalt  }
0x42: {  	_ =	shalt  }
0x43: {  	_ =	shalt  }
0x44: {  	_ =	shalt  }
0x45: {  	_ =	shalt  }
0x46: {  	_ =	shalt  }
0x47: {  	_ =	shalt  }
0x48: {  	_ =	shalt  }
0x49: {  	_ =	shalt  }
0x4a: {  	_ =	shalt  }
0x4b: {  	_ =	shalt  }
0x4c: {  	_ =	shalt  }
0x4d: {  	_ =	shalt  }
0x4e: {  	_ =	shalt  }
0x4f: {  	_ =	shalt  }
0x50: {  	_ =	shalt  }
0x51: {  	_ =	shalt  }
0x52: {  	_ =	shalt  }
0x53: {  	_ =	shalt  }
0x54: {  	_ =	shalt  }
0x55: {  	_ =	shalt  }
0x56: {  	_ =	shalt  }
0x57: {  	_ =	shalt  }
0x58: {  	_ =	shalt  }
0x59: {  	_ =	shalt  }
0x5a: {  	_ =	shalt  }
0x5b: {  	_ =	shalt  }
0x5c: {  	_ =	shalt  }
0x5d: {  	_ =	shalt  }
0x5e: {  	_ =	shalt  }
0x5f: {  	_ =	shalt  }
0x60: {  	_ =	shalt  }
0x61: {  	_ =	shalt  }
0x62: {  	_ =	shalt  }
0x63: {  	_ =	shalt  }
0x64: {  	_ =	shalt  }
0x65: {  	_ =	shalt  }
0x66: {  	_ =	shalt  }
0x67: {  	_ =	shalt  }
0x68: {  	_ =	shalt  }
0x69: {  	_ =	shalt  }
0x6a: {  	_ =	shalt  }
0x6b: {  	_ =	shalt  }
0x6c: {  	_ =	shalt  }
0x6d: {  	_ =	shalt  }
0x6e: {  	_ =	shalt  }
0x6f: {  	_ =	shalt  }
0x70: {  	_ =	shalt  }
0x71: {  	_ =	shalt  }
0x72: {  	_ =	shalt  }
0x73: {  	_ =	shalt  }
0x74: {  	_ =	shalt  }
0x75: {  	_ =	shalt  }
0x76: {  	_ =	shalt  }
0x77: {  	_ =	shalt  }
0x78: {  	_ =	shalt  }
0x79: {  	_ =	shalt  }
0x7a: {  	_ =	shalt  }
0x7b: {  	_ =	shalt  }
0x7c: {  	_ =	shalt  }
0x7d: {  	_ =	shalt  }
0x7e: {  	_ =	shalt  }
0x7f: {  	_ =	shalt  }
0x80: {  	_ =	shalt  }
0x81: {  	_ =	shalt  }
0x82: {  	_ =	shalt  }
0x83: {  	_ =	shalt  }
0x84: {  	_ =	shalt  }
0x85: {  	_ =	shalt  }
0x86: {  	_ =	shalt  }
0x87: {  	_ =	shalt  }
.Lfunc_end0:
.L_simem_size_0:
called_computation_lowered:
.L_overlay_start_0:
0x88: {  	s2 =	sld [smem:$0x3FD9]  }
0x89: {  	s3 =	sld [smem:$0x3FFE];
	_ =	sdelay $0x1  }
0x8a: {  	s1 =	srdreg.scid  }
0x8b: {  	s0 =	sand.u32 $0x1, s1  }
0x8c: {  	s14 =	sshll.u32 s0, $0xA;
	s2 =	sadd.s32 s3, s2  }
0x8d: {  	s2 =	sadd.s32 s2, s14  }
0x8e: {  	[smem:$0x3FC5] =	sst s2  }
0x8f: {  	_ = 	snop  }
0x90: {  	s2 =	sld [smem:$0x3FD0];
	_ =	sdelay $0x1  }
0x91: {  	s15 =	sld [smem:$0x3FC8]  }
0x92: {  	s5 =	simm.s32 $0xA;
	s6 =	simm.s32 $0x10;
	s4 =	sld [smem:$0x3FC7]  }
0x93: {  	[smem:s6], [sflag:s5] =	dma.local [hbm:s2], $0x1  }
0x94: {  	_ =	swait.eq [sflag:s5], $0x1  }
0x95: {  	[sflag:s5] =	ssyncset.done $0x0  }
0x96: {  	[sflag:s5] =	ssyncadd.s32 $0xFFFFFFFF  }
0x97: {  	s16 =	sld [smem:$0x12];
	(tm) =	ssettm $0x1  }
0x98: {  	s17 =	sld [smem:$0x3FFB];
	_ =	sdelay $0x3  }
0x99: {  	_ =	strace s17  }
0x9a: {  	s5 =	sld [smem:$0x3FFC];
	_ =	sdelay $0x3  }
0x9b: {  	_ =	strace s5  }
0x9c: {  	s5 =	sld [smem:$0x3FFD];
	_ =	sdelay $0x3  }
0x9d: {  	_ =	strace s5  }
0x9e: {  	_ =	strace $0x8FFFFFFF  }
0x9f: {  	s18 =	sld [smem:$0x3FDB];
	_ =	sdelay $0x1  }
0xa0: {  	s19 =	simm.s32 $_scs_section_size  }
0xa1: {  	s7 =	simm.s32 $_size__tile_overlayer_lowered;
	s8 =	simm.s32 $_tile_overlayer_lowered  }
0xa2: {  	s22 =	simm.s32 $0x1BFF;
	s21 =	sshll.u32 s8, $0x1;
	s5 =	sadd.s32 s19, s18  }
0xa3: {  	s9 =	simm.s32 $0x0;
	s20 =	sshll.u32 s7, $0x1;
	s7 =	sadd.s32 s21, s5  }
0xa4: {  	[timem:s9], [sflag:s22] =	dma.local [hbm:s7], s20  }
0xa5: {  	_ =	swait.ge [sflag:s22], s20  }
0xa6: {  	s6 =	ssub.s32 $0x0, s20;
	[sflag:s22] =	ssyncset.done $0x0  }
0xa7: {  	[sflag:s22] =	ssyncadd.s32 s6;
	_ =	sdelay $0x1  }
0xa8: {  	s23 =	simm.s32 $0x1B8B  }
0xa9: {  	_ =	swait.ge [sflag:s23], $0x1  }
0xaa: {  	[sflag:s23] =	ssyncset.done $0x0  }
0xab: {  	s25 =	simm.s32 $0x1B8E;
	s24 =	sld [smem:$0x3FFE];
	[sflag:s23] =	ssyncadd.s32 $0xFFFFFFFF  }
0xac: {  	s26 =	simm.s32 $execute0_lowered;
	[smem:$0x3FD2] =	sst s25  }
0xad: {  	s7 =	sshll.u32 s26, $0x1;
	_ =	strace $0x80000046;
	[dreg:$0x1] =	wrdreg $0xFFFFFFFF  }
0xae: {  	s28 =	simm.s32 $_size_execute0_lowered;
	s5 =	sadd.s32 s5, s7;
	[dreg:$0x0] =	wrdreg $0x0  }
0xaf: {  	s7 =	sshll.u32 s28, $0x1;
	[dreg:$0x2] =	wrdreg s5  }
0xb0: {  	[dreg:$0x3] =	wrdreg s7  }
0xb1: {  	[dreg:$0x4] =	wrdreg $0xC0  }
0xb2: {  	_ =	task [dreg:s9], $0x5FFFF  }
0xb3: {  	[dreg:$0x1] =	wrdreg $0xFFFFFFFF  }
0xb4: {  	[dreg:$0x0] =	wrdreg $0x60  }
0xb5: {  	[dreg:$0x2] =	wrdreg s24  }
0xb6: {  	[dreg:$0x3] =	wrdreg s4  }
0xb7: {  	[dreg:$0x4] =	wrdreg s15  }
0xb8: {  	[dreg:$0x5] =	wrdreg s16  }
0xb9: {  	[dreg:$0x6] =	wrdreg $0x9  }
0xba: {  	_ =	task.clear_ibuf [dreg:s9], $0x7FFFF;
	_ =	strace $0x90000046  }
0xbb: {  	s29 =	simm.s32 $0x9;
	_ =	strace $0x80000048  }
0xbc: {  	_ =	swait.ge [sflag:s29], $0x1  }
0xbd: {  	[sflag:s29] =	ssyncadd.s32 $0xFFFFFFFF  }
0xbe: {  	_ =	strace $0x90000048  }
0xbf: {  	_ =	sfence  }
0xc0: {  	s30 =	sld [smem:$0x0];
	_ =	sdelay $0x2  }
0xc1: {  	s31 =	sshll.u32 s1, $0xD;
	s1 =	sshrl.u32 s1, $0x2  }
0xc2: {  	s3 =	sand.u32 $0x4000, s31;
	s1 =	sadd.s32 s1, s30  }
0xc3: {  	s0 =	sor.u32 s3, s0;
	s1 =	sshll.u32 s1, $0x11  }
0xc4: {  	s0 =	sor.u32 s1, s0  }
0xc5: {  	s0 =	sadd.s32 $0x8F2B, s0  }
0xc6: {  	[sflag:s0] =	ssyncadd.remote.s32 $0x1  }
0xc7: {  	_ =	sfence.sel $0xFFFF  }
0xc8: {  	[dreg:$0x0] =	wrdreg $0xFFFFFFFF;
	(pc) =	sbr.abs _section_cstart, $3  }
0xc9: {  	[dreg:$0x1] =	wrdreg $0xFFFFFFFF  }
0xca: {  	_ =	task.clear_ibuf [dreg:s9], $0x2FFFF;
	_ =	strace $0x9FFFFFFF  }
0xcb: {  	(tm) =	ssettm $0x7FFFFFFF  }
tec
execute0_lowered:
.L_overlay_start_1:
0x0: {  	(tag) =	ssettag $0x1  }
0x1: {  	s0 =	rddreg [dreg:$0x0];
	s1 =	srdreg.scid  }
0x2: {  	s2 =	stileid.u32;
	s5 =	simm.s32 $0x0;
	s13 =	simm.s32 $0x18000  }
0x3: {  	s15 =	simm.s32 $0x4000;
	s16 =	simm.s32 $0x1;
	s17 =	simm.s32 $0x8000  }
0x4: {  	s18 =	simm.s32 $0x400;
	s19 =	simm.s32 $0x800;
	s20 =	simm.s32 $0x14000  }
0x5: {  	s21 =	simm.s32 $0x2;
	s22 =	simm.s32 $0xC000;
	s23 =	simm.s32 $0x16000  }
0x6: {  	s24 =	simm.s32 $0x3;
	s25 =	simm.s32 $0x7;
	s26 =	simm.s32 $0x4  }
0x7: {  	s28 =	simm.s32 $0x8;
	s1 =	sand.u32 $0x1, s1;
	s2 =	sshll.u32 s2, $0x1  }
0x8: {  	s31 =	simm.s32 $0xB;
	[smem:$0x7FF] =	sst s5;
	s2 =	sor.u32 s1, s2  }
0x9: {  	s6 =	sadd.s32 $0xA00, s0;
	s1 =	ssub.s32 $0x2, s1;
	s3 =	smul.u32 $0x2A000, s2  }
0xa: {  	s8 =	sadd.s32 $0x540A00, s0;
	_ =	strace $0x80000047;
	s4 =	sshrl.u32 s1, $0x1  }
0xb: {  	s7 =	smul.u32 $0x18, s2;
	s29 =	ssub.s32 s1, s4;
	s30 =	sadd.s32 s6, s3  }
0xc: {  	p0 =	sne.s32 s2, $0x0;
	s0 =	smax.u32 s29, $0x1;
	[dreg:$0x5] =	wrdreg s30  }
0xd: {  	s2 =	simm.s32 $0x0;
	s1 =	sadd.s32 $0x600, s30;
	[dreg:$0x7] =	wrdreg s0  }
0xe: {  	vm0 =	vmmov $0x7f;
	s11 =	sor.u32 $0x1, s7;
	s0 =	simm.s32 $0xC;
	[dreg:$0x6] =	wrdreg s1  }
.LBB2_1:
0xf: {  	s1 =	rddreg [dreg:$0x1];
	s14 =	simm.s32 $0xD  }
0x10: {  	[tilespmem:s13], [sflag:$0xD] =	stream.linear.gather [hbm4b:s1+s5], $0x100, $0x38;
	[tilespmem:$0x18300] =	vst v63  }
0x11: {  	_ =	swait.ge [sflag:s14], $0x100  }
0x12: {  	[sflag:s14] =	ssyncset.done $0x0  }
0x13: {  	s29 =	rddreg [dreg:$0x5];
	[sflag:s14] =	ssyncadd.s32 $0xFFFFFF00  }
0x14: {  	[tilespmem:s5], [sflag:$0x1] =	stream.linear.gather [hbm4b:s29+s5], $0x3000, $0x38;
	[tilespmem:$0x18300] =	vst v63  }
0x15: {  	s1 =	simm.s32 $0x0;
	s30 =	rddreg [dreg:$0x6]  }
0x16: {  	[tilespmem:s15], [sflag:$0x2] =	stream.linear.gather [hbm4b:s30+s5], $0x3000, $0x38;
	[tilespmem:$0x18300] =	vst v63  }
.LBB2_2:
0x17: {  	s3 =	sadd.s32 s7, s1  }
0x18: {  	s4 =	smulhi.u32 $0xAAAAAAAB, s3;
	_ =	sdelay $0x1  }
0x19: {  	s4 =	sshrl.u32 s4, $0x1  }
0x1a: {  	s9 =	smul.u32 $0xFFFFFFFD, s4;
	_ =	sdelay $0x1  }
0x1b: {  	s12 =	smul.u32 $0x2A000, s4;
	s3 =	sadd.s32 s3, s9  }
0x1c: {  	s10 =	smul.u32 $0xE000, s3;
	_ =	sdelay $0x1  }
0x1d: {  	_ =	swait.ge [sflag:s16], $0x3000;
	s3 =	sadd.s32 s12, s10  }
0x1e: {  	[sflag:s16] =	ssyncset.done $0x0;
	s9 =	sshrl.u32 s3, $0x3  }
0x1f: {  	p1 =	seq.s32 s1, $0x0;
	[sflag:s16] =	ssyncadd.s32 $0xFFFFD000;
	s9 =	sadd.s32 s8, s9  }
0x20: {  	[hbm4b:s9+s5] =	stream.linear.scatter [tilespmem:s5], [sflag:$0x9], $0x3000, $0x38;
	[tilespmem:$0x18300] =	vst v63  }
0x21: {  	v0 =	vmov s4;
	s9 =	simm.s32 @!p1 $0xB  }
0x22: {  	s14 =	sadd.s32 $0x6000, s3;
	_ =	swait.ge @!p1 [sflag:s9], $0x4000  }
0x23: {  	s4 =	sshrl.u32 s14, $0x3;
	[sflag:s9] =	ssyncset.done @!p1 $0x0  }
0x24: {  	s29 =	sadd.s32 s6, s4;
	[sflag:s9] =	ssyncadd.s32 @!p1 $0xFFFFC000  }
0x25: {  	[tilespmem:s17], [sflag:$0x3] =	stream.linear.gather [hbm4b:s29+s5], $0x4000, $0x38;
	[tilespmem:$0x18300] =	vst v63  }
0x26: {  	v1 =	vld.idx.msk [tilespmem:v0+s13+$0x0], $0xffff;
	_ =	sdelay $0x4  }
0x27: {  	v1 =	vxor.u32 $0x80000000, v1  }
0x28: {  	(xrf0) =	vmax.scan.msk.u32 $0xffff, v1;
	_ =	sdelay $0x5  }
0x29: {  	v1, _, _ =	vpop (xrf0)  }
0x2a: {  	(v2sf) =	vpush v1, $0xF;
	_ =	sdelay $0xe  }
0x2b: {  	s30 =	spop (v2sf)  }
0x2c: {  	s9 =	smul.u32 $0x2A000, s30;
	_ =	sdelay $0x1  }
0x2d: {  	s9 =	sadd.s32 s9, s10  }
0x2e: {  	s9 =	sadd.s32 $0x6000, s9  }
0x2f: {  	s9 =	sshrl.u32 s9, $0x3  }
0x30: {  	s9 =	sadd.s32 s6, s9  }
0x31: {  	[tilespmem:s20], [sflag:$0x7] =	stream.strided.gather [hbm4b:s9+s18], $0x2000, s19, s18, $0x38;
	[tilespmem:$0x18300] =	vst v63  }
0x32: {  	s12 =	sadd.s32 $0x3000, s3;
	_ =	swait.ge [sflag:s21], $0x3000  }
0x33: {  	s9 =	sshrl.u32 s12, $0x3;
	[sflag:s21] =	ssyncset.done $0x0  }
0x34: {  	s9 =	sadd.s32 s8, s9;
	[sflag:s21] =	ssyncadd.s32 $0xFFFFD000  }
0x35: {  	[hbm4b:s9+s5] =	stream.linear.scatter [tilespmem:s15], [sflag:$0xA], $0x3000, $0x38;
	[tilespmem:$0x18300] =	vst v63  }
0x36: {  	s9 =	simm.s32 @!p1 $0xC  }
0x37: {  	s3 =	sadd.s32 $0xA000, s3;
	_ =	swait.ge @!p1 [sflag:s9], $0x4000  }
0x38: {  	s3 =	sshrl.u32 s3, $0x3;
	[sflag:s9] =	ssyncset.done @!p1 $0x0  }
0x39: {  	s14 =	sadd.s32 s6, s3;
	[sflag:s9] =	ssyncadd.s32 @!p1 $0xFFFFC000  }
0x3a: {  	[tilespmem:s22], [sflag:$0x4] =	stream.linear.gather [hbm4b:s14+s5], $0x4000, $0x38;
	[tilespmem:$0x18300] =	vst v63  }
0x3b: {  	v0 =	vld.idx.msk [tilespmem:v0+s13+$0x0], $0xffff;
	_ =	sdelay $0x4  }
0x3c: {  	v0 =	vxor.u32 $0x80000000, v0  }
0x3d: {  	(xrf0) =	vmax.scan.msk.u32 $0xffff, v0;
	_ =	sdelay $0x5  }
0x3e: {  	v0, _, _ =	vpop (xrf0)  }
0x3f: {  	(v2sf) =	vpush v0, $0xF;
	_ =	sdelay $0xe  }
0x40: {  	s29 =	spop (v2sf)  }
0x41: {  	s9 =	smul.u32 $0x2A000, s29;
	_ =	sdelay $0x1  }
0x42: {  	s9 =	sadd.s32 s9, s10  }
0x43: {  	s9 =	sadd.s32 $0xA000, s9  }
0x44: {  	s9 =	sshrl.u32 s9, $0x3  }
0x45: {  	s9 =	sadd.s32 s6, s9  }
0x46: {  	[tilespmem:s23], [sflag:$0x8] =	stream.strided.gather [hbm4b:s9+s18], $0x2000, s19, s18, $0x38;
	[tilespmem:$0x18300] =	vst v63  }
0x47: {  	_ =	swait.ge [sflag:s24], $0x4000  }
0x48: {  	[sflag:s24] =	ssyncset.done $0x0  }
0x49: {  	[sflag:s24] =	ssyncadd.s32 $0xFFFFC000  }
0x4a: {  	_ =	swait.ge [sflag:s25], $0x2000  }
0x4b: {  	[sflag:s25] =	ssyncset.done $0x0  }
0x4c: {  	s30 =	simm.s32 $0x143D0;
	[sflag:s25] =	ssyncadd.s32 $0xFFFFE000  }
0x4d: {  	v0 =	vld [tilespmem:s30+$0xFFFFFFB0];
	_ =	sdelay $0x1  }
0x4e: {  	s12 =	simm.s32 $0x380;
	s10 =	simm.s32 $0x700  }
0x4f: {  	s12 =	sand.u32 $0x380, s12;
	s14 =	sand.u32 $0x3800, s10  }
0x50: {  	s12 =	sor.u32 s12, s14  }
0x51: {  	[tilespmem:s12+$0x8000] =	vst v0  }
0x52: {  	v0 =	vld [tilespmem:s30+$0xFFFFFFC0];
	_ =	sdelay $0x4  }
0x53: {  	[tilespmem:s12+$0x8010] =	vst v0  }
0x54: {  	v0 =	vld [tilespmem:s30+$0xFFFFFFD0];
	_ =	sdelay $0x4  }
0x55: {  	[tilespmem:s12+$0x8020] =	vst v0  }
0x56: {  	v0 =	vld [tilespmem:s30+$0xFFFFFFE0];
	_ =	sdelay $0x4  }
0x57: {  	[tilespmem:s12+$0x8030] =	vst v0  }
0x58: {  	v0 =	vld [tilespmem:s30+$0xFFFFFFF0];
	_ =	sdelay $0x4  }
0x59: {  	[tilespmem:s12+$0x8040] =	vst v0;
	v0 =	vld [tilespmem:s12+$0x8050]  }
0x5a: {  	v1 =	vld [tilespmem:s30+$0x0];
	_ =	sdelay $0x4  }
0x5b: {  	v0 =	vsel vm0, v1, v0  }
0x5c: {  	[tilespmem:s12+$0x8050] =	vst v0;
	s12 =	simm.s32 $0x14450  }
0x5d: {  	s14 =	simm.s32 $0x480;
	s9 =	simm.s32 $0x400;
	v0 =	vld [tilespmem:s12+$0xFFFFFFB0]  }
.LBB2_3:
0x5e: {  	p1 =	sne.s32 s14, $0x1F80  }
0x5f: {  	s10 =	sadd.s32 $0x100, s10  }
0x60: {  	s30 =	sand.u32 $0x380, s9;
	s9 =	smov.u32 s14;
	s29 =	sand.u32 $0x3800, s10  }
0x61: {  	s29 =	sor.u32 s30, s29  }
0x62: {  	[tilespmem:s29+$0x8000] =	vst v0  }
0x63: {  	v0 =	vld [tilespmem:s12+$0xFFFFFFC0];
	_ =	sdelay $0x4  }
0x64: {  	[tilespmem:s29+$0x8010] =	vst v0  }
0x65: {  	v0 =	vld [tilespmem:s12+$0xFFFFFFD0];
	_ =	sdelay $0x4  }
0x66: {  	[tilespmem:s29+$0x8020] =	vst v0  }
0x67: {  	v0 =	vld [tilespmem:s12+$0xFFFFFFE0];
	_ =	sdelay $0x4  }
0x68: {  	[tilespmem:s29+$0x8030] =	vst v0  }
0x69: {  	v0 =	vld [tilespmem:s12+$0xFFFFFFF0];
	_ =	sdelay $0x4  }
0x6a: {  	[tilespmem:s29+$0x8040] =	vst v0;
	v0 =	vld [tilespmem:s29+$0x8050]  }
0x6b: {  	v1 =	vld [tilespmem:s12+$0x0];
	_ =	sdelay $0x2  }
.Ltmp0:
0x6c: {  	(pc) =	sbr.rel @p1 .LBB2_3-.Ltmp0, $4  }
0x6d: {  	_ = 	snop  }
0x6e: {  	v0 =	vsel vm0, v1, v0  }
0x6f: {  	s12 =	sadd.s32 $0x80, s12;
	[tilespmem:s29+$0x8050] =	vst v0  }
0x70: {  	s14 =	sadd.s32 $0x80, s14;
	v0 =	vld [tilespmem:s12+$0xFFFFFFB0]  }
0x71: {  	_ = 	snop  }
0x72: {  	s10 =	sadd.s32 $0x100, s10  }
0x73: {  	s9 =	sand.u32 $0x380, s9;
	s10 =	sand.u32 $0x3800, s10  }
0x74: {  	s9 =	sor.u32 s9, s10  }
0x75: {  	[tilespmem:s9+$0x8000] =	vst v0  }
0x76: {  	v0 =	vld [tilespmem:s12+$0xFFFFFFC0];
	_ =	sdelay $0x4  }
0x77: {  	[tilespmem:s9+$0x8010] =	vst v0  }
0x78: {  	v0 =	vld [tilespmem:s12+$0xFFFFFFD0];
	_ =	sdelay $0x4  }
0x79: {  	[tilespmem:s9+$0x8020] =	vst v0  }
0x7a: {  	v0 =	vld [tilespmem:s12+$0xFFFFFFE0];
	_ =	sdelay $0x4  }
0x7b: {  	[tilespmem:s9+$0x8030] =	vst v0  }
0x7c: {  	v0 =	vld [tilespmem:s12+$0xFFFFFFF0];
	_ =	sdelay $0x4  }
0x7d: {  	[tilespmem:s9+$0x8040] =	vst v0;
	v0 =	vld [tilespmem:s9+$0x8050]  }
0x7e: {  	v1 =	vld [tilespmem:s12+$0x0]  }
0x7f: {  	p1 =	seq.s32 s1, $0x17  }
0x80: {  	s10 =	sadd.s32 @!p1 s1, s11  }
0x81: {  	s12 =	smulhi.u32 @!p1 $0xAAAAAAAB, s10;
	_ =	sdelay $0x1  }
0x82: {  	s12 =	sshrl.u32 @!p1 s12, $0x1;
	v0 =	vsel vm0, v1, v0  }
0x83: {  	s4 =	sadd.s32 s8, s4;
	[tilespmem:s9+$0x8050] =	vst v0;
	s9 =	smul.u32 @!p1 $0xFFFFFFFD, s12  }
0x84: {  	[hbm4b:s4+s5] =	stream.linear.scatter [tilespmem:s17], [sflag:$0xB], $0x4000, $0x38;
	[tilespmem:$0x18300] =	vst v63  }
0x85: {  	s4 =	smul.u32 @!p1 $0x2A000, s12;
	s9 =	sadd.s32 @!p1 s10, s9  }
0x86: {  	s9 =	smul.u32 @!p1 $0xE000, s9  }
0x87: {  	s10 =	simm.s32 @!p1 $0x9  }
0x88: {  	_ =	swait.ge @!p1 [sflag:s10], $0x3000;
	s4 =	sadd.s32 @!p1 s4, s9  }
0x89: {  	[sflag:s10] =	ssyncset.done @!p1 $0x0;
	s4 =	sshrl.u32 @!p1 s4, $0x3  }
0x8a: {  	[sflag:s10] =	ssyncadd.s32 @!p1 $0xFFFFD000;
	s9 =	simm.s32 @!p1 $0x0;
	s4 =	sadd.s32 @!p1 s6, s4  }
0x8b: {  	[tilespmem:s9], [sflag:$0x1] =	stream.linear.gather @!p1 [hbm4b:s4+s9], $0x3000, $0x38;
	[tilespmem:$0x18300] =	vst v63  }
0x8c: {  	_ =	swait.ge [sflag:s26], $0x4000  }
0x8d: {  	[sflag:s26] =	ssyncset.done $0x0  }
0x8e: {  	[sflag:s26] =	ssyncadd.s32 $0xFFFFC000  }
0x8f: {  	_ =	swait.ge [sflag:s28], $0x2000  }
0x90: {  	[sflag:s28] =	ssyncset.done $0x0  }
0x91: {  	s14 =	simm.s32 $0x16030;
	[sflag:s28] =	ssyncadd.s32 $0xFFFFE000  }
0x92: {  	v0 =	vld [tilespmem:s14+$0xFFFFFFD0];
	_ =	sdelay $0x1  }
0x93: {  	s4 =	simm.s32 $0x0  }
0x94: {  	s29 =	sand.u32 $0x3800, s4;
	s30 =	sand.u32 $0x380, s4  }
0x95: {  	s10 =	sor.u32 s30, s29  }
0x96: {  	[tilespmem:s10+$0xC000] =	vst v0  }
0x97: {  	v0 =	vld [tilespmem:s14+$0xFFFFFFE0];
	_ =	sdelay $0x4  }
0x98: {  	[tilespmem:s10+$0xC010] =	vst v0  }
0x99: {  	v0 =	vld [tilespmem:s14+$0xFFFFFFF0];
	_ =	sdelay $0x4  }
0x9a: {  	[tilespmem:s10+$0xC020] =	vst v0  }
0x9b: {  	v0 =	vld [tilespmem:s14+$0x0];
	_ =	sdelay $0x4  }
0x9c: {  	[tilespmem:s10+$0xC030] =	vst v0  }
0x9d: {  	v0 =	vld [tilespmem:s14+$0x10];
	_ =	sdelay $0x4  }
0x9e: {  	[tilespmem:s10+$0xC040] =	vst v0;
	v0 =	vld [tilespmem:s10+$0xC050]  }
0x9f: {  	v1 =	vld [tilespmem:s14+$0x20];
	_ =	sdelay $0x4  }
0xa0: {  	v0 =	vsel vm0, v1, v0  }
0xa1: {  	[tilespmem:s10+$0xC050] =	vst v0;
	s10 =	simm.s32 $0x160B0  }
0xa2: {  	s12 =	simm.s32 $0x100;
	s9 =	simm.s32 $0x80;
	v0 =	vld [tilespmem:s10+$0xFFFFFFD0]  }
.LBB2_5:
0xa3: {  	p2 =	sne.s32 s12, $0x1F80  }
0xa4: {  	s4 =	sadd.s32 $0x100, s4  }
0xa5: {  	s29 =	sand.u32 $0x380, s9;
	s9 =	smov.u32 s12;
	s14 =	sand.u32 $0x3800, s4  }
0xa6: {  	s14 =	sor.u32 s29, s14  }
0xa7: {  	[tilespmem:s14+$0xC000] =	vst v0  }
0xa8: {  	v0 =	vld [tilespmem:s10+$0xFFFFFFE0];
	_ =	sdelay $0x4  }
0xa9: {  	[tilespmem:s14+$0xC010] =	vst v0  }
0xaa: {  	v0 =	vld [tilespmem:s10+$0xFFFFFFF0];
	_ =	sdelay $0x4  }
0xab: {  	[tilespmem:s14+$0xC020] =	vst v0  }
0xac: {  	v0 =	vld [tilespmem:s10+$0x0];
	_ =	sdelay $0x4  }
0xad: {  	[tilespmem:s14+$0xC030] =	vst v0  }
0xae: {  	v0 =	vld [tilespmem:s10+$0x10];
	_ =	sdelay $0x4  }
0xaf: {  	[tilespmem:s14+$0xC040] =	vst v0;
	v0 =	vld [tilespmem:s14+$0xC050]  }
0xb0: {  	v1 =	vld [tilespmem:s10+$0x20];
	_ =	sdelay $0x2  }
.Ltmp1:
0xb1: {  	(pc) =	sbr.rel @p2 .LBB2_5-.Ltmp1, $4  }
0xb2: {  	_ = 	snop  }
0xb3: {  	v0 =	vsel vm0, v1, v0  }
0xb4: {  	s10 =	sadd.s32 $0x80, s10;
	[tilespmem:s14+$0xC050] =	vst v0  }
0xb5: {  	s12 =	sadd.s32 $0x80, s12;
	v0 =	vld [tilespmem:s10+$0xFFFFFFD0]  }
0xb6: {  	_ = 	snop  }
0xb7: {  	s4 =	sadd.s32 $0x100, s4  }
0xb8: {  	s9 =	sand.u32 $0x380, s9;
	s4 =	sand.u32 $0x3800, s4  }
0xb9: {  	s4 =	sor.u32 s9, s4  }
0xba: {  	[tilespmem:s4+$0xC000] =	vst v0  }
0xbb: {  	v0 =	vld [tilespmem:s10+$0xFFFFFFE0];
	_ =	sdelay $0x4  }
0xbc: {  	[tilespmem:s4+$0xC010] =	vst v0  }
0xbd: {  	v0 =	vld [tilespmem:s10+$0xFFFFFFF0];
	_ =	sdelay $0x4  }
0xbe: {  	[tilespmem:s4+$0xC020] =	vst v0  }
0xbf: {  	v0 =	vld [tilespmem:s10+$0x0];
	_ =	sdelay $0x4  }
0xc0: {  	[tilespmem:s4+$0xC030] =	vst v0  }
0xc1: {  	v0 =	vld [tilespmem:s10+$0x10];
	_ =	sdelay $0x4  }
0xc2: {  	v63 =	vld [tilespmem:s4+$0xC050];
	[tilespmem:s4+$0xC040] =	vst v0  }
0xc3: {  	v1 =	vld [tilespmem:s10+$0x20]  }
0xc4: {  	s1 =	sadd.s32 @!p1 $0x1, s1  }
0xc5: {  	s9 =	sadd.s32 @!p1 s7, s1  }
0xc6: {  	s10 =	smulhi.u32 @!p1 $0xAAAAAAAB, s9;
	_ =	sdelay $0x1  }
0xc7: {  	s10 =	sshrl.u32 @!p1 s10, $0x1;
	v0 =	vsel vm0, v1, v63  }
0xc8: {  	s3 =	sadd.s32 s8, s3;
	[tilespmem:s4+$0xC050] =	vst v0;
	s4 =	smul.u32 @!p1 $0xFFFFFFFD, s10  }
0xc9: {  	[hbm4b:s3+s5] =	stream.linear.scatter [tilespmem:s22], [sflag:$0xC], $0x4000, $0x38;
	[tilespmem:$0x18300] =	vst v63  }
0xca: {  	s3 =	smul.u32 @!p1 $0x2A000, s10;
	s4 =	sadd.s32 @!p1 s9, s4  }
0xcb: {  	s4 =	smul.u32 @!p1 $0xE000, s4  }
0xcc: {  	s9 =	simm.s32 @!p1 $0xA  }
0xcd: {  	_ =	swait.ge @!p1 [sflag:s9], $0x3000;
	s3 =	sadd.s32 @!p1 s4, s3  }
0xce: {  	[sflag:s9] =	ssyncset.done @!p1 $0x0;
	s3 =	sadd.s32 @!p1 $0x3000, s3  }
0xcf: {  	p2 =	sne.s32 @!p1 s1, $0x18;
	[sflag:s9] =	ssyncadd.s32 @!p1 $0xFFFFD000;
	s3 =	sshrl.u32 @!p1 s3, $0x3  }
0xd0: {  	s4 =	simm.s32 @!p1 $0x0;
	s9 =	simm.s32 @!p1 $0x4000;
	s3 =	sadd.s32 @!p1 s6, s3  }
0xd1: {  	[tilespmem:s9], [sflag:$0x2] =	stream.linear.gather @!p1 [hbm4b:s3+s4], $0x3000, $0x38;
	[tilespmem:$0x18300] =	vst v63  }
0xd2: {  	p1 =	por p1, !p2  }
.Ltmp2:
0xd3: {  	_ = 	snop;
	(pc) =	sbr.rel @!p1 .LBB2_2-.Ltmp2, $1  }
0xd4: {  	_ =	sdelay $0x3  }
0xd5: {  	s1 =	simm.s32 $0x9  }
0xd6: {  	_ =	swait.ge [sflag:s1], $0x3000  }
0xd7: {  	[sflag:s1] =	ssyncset.done $0x0  }
0xd8: {  	s29 =	simm.s32 $0xA;
	[sflag:s1] =	ssyncadd.s32 $0xFFFFD000  }
0xd9: {  	_ =	swait.ge [sflag:s29], $0x3000  }
0xda: {  	[sflag:s29] =	ssyncset.done $0x0  }
0xdb: {  	[sflag:s29] =	ssyncadd.s32 $0xFFFFD000  }
0xdc: {  	_ =	swait.ge [sflag:s31], $0x4000  }
0xdd: {  	[sflag:s31] =	ssyncset.done $0x0  }
0xde: {  	[sflag:s31] =	ssyncadd.s32 $0xFFFFC000  }
0xdf: {  	_ =	swait.ge [sflag:s0], $0x4000  }
0xe0: {  	[sflag:s0] =	ssyncset.done $0x0  }
0xe1: {  	[sflag:s0] =	ssyncadd.s32 $0xFFFFC000  }
0xe2: {  	s3 =	simm.s32 @!p0 $0x18100;
	s1 =	simm.s32 @!p0 $0x0;
	s4 =	rddreg [dreg:$0x2]  }
0xe3: {  	[tilespmem:s3], [sflag:$0xD] =	stream.linear.gather @!p0 [hbm4b:s4+s1], $0x100, $0x38;
	[tilespmem:$0x18300] =	vst v63  }
0xe4: {  	s4 =	simm.s32 @!p0 $0xD  }
0xe5: {  	_ =	swait.ge @!p0 [sflag:s4], $0x100  }
0xe6: {  	[sflag:s4] =	ssyncset.done @!p0 $0x0  }
0xe7: {  	[sflag:s4] =	ssyncadd.s32 @!p0 $0xFFFFFF00  }
0xe8: {  	v0 =	vld @!p0 [tilespmem:$0x18000];
	_ =	sdelay $0x5  }
0xe9: {  	v1 =	vld @!p0 [tilespmem:$0x18010];
	_ =	sdelay $0x1  }
0xea: {  	v0 =	vld.idx.msk @!p0 [tilespmem:v0+s3+$0x0], $0xffff;
	_ =	sdelay $0x3  }
0xeb: {  	v2 =	vld @!p0 [tilespmem:$0x18020]  }
0xec: {  	[tilespmem:$0x18200] =	vst @!p0 v0  }
0xed: {  	v0 =	vld.idx.msk @!p0 [tilespmem:v1+s3+$0x0], $0xffff;
	_ =	sdelay $0x3  }
0xee: {  	v1 =	vld @!p0 [tilespmem:$0x18030]  }
0xef: {  	[tilespmem:$0x18210] =	vst @!p0 v0  }
0xf0: {  	v0 =	vld.idx.msk @!p0 [tilespmem:v2+s3+$0x0], $0xffff;
	_ =	sdelay $0x3  }
0xf1: {  	v2 =	vld @!p0 [tilespmem:$0x18040]  }
0xf2: {  	[tilespmem:$0x18220] =	vst @!p0 v0  }
0xf3: {  	v0 =	vld.idx.msk @!p0 [tilespmem:v1+s3+$0x0], $0xffff;
	_ =	sdelay $0x3  }
0xf4: {  	v1 =	vld @!p0 [tilespmem:$0x18050]  }
0xf5: {  	[tilespmem:$0x18230] =	vst @!p0 v0  }
0xf6: {  	v0 =	vld.idx.msk @!p0 [tilespmem:v2+s3+$0x0], $0xffff;
	_ =	sdelay $0x3  }
0xf7: {  	v2 =	vld @!p0 [tilespmem:$0x18060]  }
0xf8: {  	[tilespmem:$0x18240] =	vst @!p0 v0  }
0xf9: {  	v0 =	vld.idx.msk @!p0 [tilespmem:v1+s3+$0x0], $0xffff;
	_ =	sdelay $0x3  }
0xfa: {  	v1 =	vld @!p0 [tilespmem:$0x18070]  }
0xfb: {  	[tilespmem:$0x18250] =	vst @!p0 v0  }
0xfc: {  	v0 =	vld.idx.msk @!p0 [tilespmem:v2+s3+$0x0], $0xffff;
	_ =	sdelay $0x3  }
0xfd: {  	v2 =	vld @!p0 [tilespmem:$0x18080]  }
0xfe: {  	[tilespmem:$0x18260] =	vst @!p0 v0  }
0xff: {  	v0 =	vld.idx.msk @!p0 [tilespmem:v1+s3+$0x0], $0xffff;
	_ =	sdelay $0x3  }
0x100: {  	v1 =	vld @!p0 [tilespmem:$0x18090]  }
0x101: {  	[tilespmem:$0x18270] =	vst @!p0 v0  }
0x102: {  	v0 =	vld.idx.msk @!p0 [tilespmem:v2+s3+$0x0], $0xffff;
	_ =	sdelay $0x3  }
0x103: {  	v2 =	vld @!p0 [tilespmem:$0x180A0]  }
0x104: {  	[tilespmem:$0x18280] =	vst @!p0 v0  }
0x105: {  	v0 =	vld.idx.msk @!p0 [tilespmem:v1+s3+$0x0], $0xffff;
	_ =	sdelay $0x3  }
0x106: {  	v1 =	vld @!p0 [tilespmem:$0x180B0]  }
0x107: {  	[tilespmem:$0x18290] =	vst @!p0 v0  }
0x108: {  	v0 =	vld.idx.msk @!p0 [tilespmem:v2+s3+$0x0], $0xffff;
	_ =	sdelay $0x3  }
0x109: {  	v2 =	vld @!p0 [tilespmem:$0x180C0]  }
0x10a: {  	[tilespmem:$0x182A0] =	vst @!p0 v0  }
0x10b: {  	v0 =	vld.idx.msk @!p0 [tilespmem:v1+s3+$0x0], $0xffff;
	_ =	sdelay $0x3  }
0x10c: {  	v1 =	vld @!p0 [tilespmem:$0x180D0]  }
0x10d: {  	[tilespmem:$0x182B0] =	vst @!p0 v0  }
0x10e: {  	v0 =	vld.idx.msk @!p0 [tilespmem:v2+s3+$0x0], $0xffff;
	_ =	sdelay $0x3  }
0x10f: {  	v2 =	vld @!p0 [tilespmem:$0x180E0]  }
0x110: {  	[tilespmem:$0x182C0] =	vst @!p0 v0  }
0x111: {  	v0 =	vld.idx.msk @!p0 [tilespmem:v1+s3+$0x0], $0xffff;
	_ =	sdelay $0x3  }
0x112: {  	v1 =	vld @!p0 [tilespmem:$0x180F0]  }
0x113: {  	[tilespmem:$0x182D0] =	vst @!p0 v0  }
0x114: {  	v0 =	vld.idx.msk @!p0 [tilespmem:v2+s3+$0x0], $0xffff;
	_ =	sdelay $0x4  }
0x115: {  	[tilespmem:$0x182E0] =	vst @!p0 v0  }
0x116: {  	v0 =	vld.idx.msk @!p0 [tilespmem:v1+s3+$0x0], $0xffff;
	_ =	sdelay $0x4  }
0x117: {  	s9 =	rddreg [dreg:$0x3];
	s3 =	simm.s32 @!p0 $0x18200;
	[tilespmem:$0x182F0] =	vst @!p0 v0  }
0x118: {  	[hbm4b:s9+s1] =	stream.linear.scatter @!p0 [tilespmem:s3], [sflag:$0xD], $0x100, $0x38;
	[tilespmem:$0x18300] =	vst v63  }
0x119: {  	_ =	swait.ge @!p0 [sflag:s4], $0x100  }
0x11a: {  	s2 =	sadd.s32 $0x1, s2;
	s30 =	rddreg [dreg:$0x7]  }
0x11b: {  	p1 =	sne.s32 s2, s30  }
.Ltmp3:
0x11c: {  	_ = 	snop;
	(pc) =	sbr.rel @p1 .LBB2_1-.Ltmp3, $3  }
0x11d: {  	_ =	sdelay $0x1  }
0x11e: {  	[sflag:s4] =	ssyncset.done @!p0 $0x0  }
0x11f: {  	[sflag:s4] =	ssyncadd.s32 @!p0 $0xFFFFFF00  }
0x120: {  	_ =	sfence.sel $0x180000  }
0x121: {  	[bflag:$0x0] =	sbarrier.arrive $0xFFFF  }
0x122: {  	_ =	strace $0x90000047  }
0x123: {  	s0 =	stileid.u32;
	[bflag:$0x2] =	sbarrier.arrive $0xFFFF  }
0x124: {  	p0 =	sne.s32 s0, $0x0;
	s0 =	rddreg [dreg:$0x4]  }
0x125: {  	s0 =	sadd.s32 @!p0 $0x100000, s0  }
0x126: {  	[sflag:s0] =	ssyncadd.tile.s32 @!p0 $0x1;
	_ =	shalt  }
.Lfunc_end2:
_tile_overlayer_lowered:
.L_overlay_start_2:
0x127: {  	(tag) =	ssettag $0x2  }
0x128: {  	s0 =	rddreg [dreg:$0x0];
	s2 =	stileid.u32  }
0x129: {  	s1 =	rddreg [dreg:$0x1];
	p0 =	sne.s32 s2, $0x0  }
0x12a: {  	s3 =	rddreg [dreg:$0x2];
	[bflag:$0x3] =	sbarrier.arrive $0xFFFF;
	s2 =	simm.s32 @!p0 $0x1C0D  }
0x12b: {  	[timem:s3], [sflag:s2] =	dma.local @!p0 [hbm:s0], s1  }
0x12c: {  	s0 =	simm.s32 @!p0 $0xD  }
0x12d: {  	_ =	swait.ge @!p0 [sflag:s0], s1  }
0x12e: {  	s1 =	ssub.s32 @!p0 $0x0, s1;
	[sflag:s0] =	ssyncset.done @!p0 $0x0  }
0x12f: {  	[sflag:s0] =	ssyncadd.s32 @!p0 s1  }
0x130: {  	[bflag:$0x3] =	sbarrier.arrive $0xFFFF  }
0x131: {  	_ =	shalt  }

</sc_bundles>
